<compile_context>
chip_gen: v7x
topology: tpu7x:2x2x1
jax: 0.10.2.dev20260603
libtpu: 0.0.44.dev20260713+nightly
codegen_flags: <defaults>
</compile_context>

<pallas_src>
import functools

import jax
import jax.numpy as jnp
from jax import lax
from jax.experimental import pallas as pl
from jax.experimental.pallas import tpu as pltpu
from jax.experimental.pallas import tpu_sc as plsc

_LANES = 16
_NC = 2
_NS = 16
_NW = _NC * _NS
_CH = 80


def _acc_rows(n):
    m = _NS * _CH
    return ((n + m - 1) // m) * m



def _sc_deg(ei, n_pad):
    E = ei.shape[0] // 2
    per_tile = E // _NW
    n_chunks = per_tile // _CH
    assert per_tile * _NW == E and n_chunks * _CH == per_tile
    rows_tile = n_pad // _NS
    mesh = plsc.VectorSubcoreMesh(core_axis_name="c", subcore_axis_name="s")
    vmem = pltpu.VMEM @ mesh
    shared = pltpu.VMEM_SHARED @ mesh
    dma = pltpu.SemaphoreType.DMA @ mesh
    fire = 5
    assert n_chunks % fire == 0

    @functools.partial(
        pl.kernel,
        mesh=mesh,
        out_type=jax.ShapeDtypeStruct((_NC, n_pad), jnp.float32),
        scratch_types=[
            vmem((per_tile,), jnp.int32),
            vmem((_CH,), jnp.float32),
            vmem((rows_tile,), jnp.float32),
            shared((n_pad,), jnp.float32),
            dma,
        ],
    )
    def k(ei_hbm, out_hbm, didx_v, ones_v, zbuf_v, acc_sh, ssem):
        c = lax.axis_index("c")
        s = lax.axis_index("s")
        wid = s * _NC + c
        ebase = wid * per_tile
        for j in range(_CH // _LANES):
            ones_v[pl.ds(j * _LANES, _LANES)] = jnp.full((_LANES,), 1.0, jnp.float32)

        def zbody(i, carry):
            zbuf_v[pl.ds(i * _LANES, _LANES)] = jnp.zeros((_LANES,), jnp.float32)
            return carry

        lax.fori_loop(0, rows_tile // _LANES, zbody, 0)
        pltpu.sync_copy(ei_hbm.at[pl.ds(E + ebase, per_tile)], didx_v)
        pltpu.sync_copy(zbuf_v, acc_sh.at[pl.ds(s * rows_tile, rows_tile)])
        plsc.subcore_barrier()

        def body(i, carry):
            for b in range(fire):
                pltpu.async_copy(
                    ones_v,
                    acc_sh.at[didx_v.at[pl.ds((i * fire + b) * _CH, _CH)]],
                    ssem, add=True)
            for b in range(fire):
                pltpu.make_async_copy(
                    ones_v,
                    acc_sh.at[didx_v.at[pl.ds((i * fire + b) * _CH, _CH)]],
                    ssem).wait()
            return carry

        lax.fori_loop(0, n_chunks // fire, body, 0)
        plsc.subcore_barrier()
        pltpu.sync_copy(
            acc_sh.at[pl.ds(s * rows_tile, rows_tile)],
            out_hbm.at[c, pl.ds(s * rows_tile, rows_tile)],
        )

    return k(ei)


def _sc_scatter(hs, ei, n_pad):
    n_real, D = hs.shape
    E = ei.shape[0] // 2
    per_tile = E // _NW
    n_chunks = per_tile // _CH
    assert per_tile * _NW == E and n_chunks * _CH == per_tile
    pre = n_chunks % 3
    rows_tile = n_pad // _NS
    full_tiles = n_real // rows_tile
    tail_rows = n_real - full_tiles * rows_tile
    assert tail_rows % _CH == 0 and rows_tile % _CH == 0
    mesh = plsc.VectorSubcoreMesh(core_axis_name="c", subcore_axis_name="s")
    vmem = pltpu.VMEM @ mesh
    shared = pltpu.VMEM_SHARED @ mesh
    dma = pltpu.SemaphoreType.DMA @ mesh

    @functools.partial(
        pl.kernel,
        mesh=mesh,
        out_type=jax.ShapeDtypeStruct((_NC, n_pad, D), jnp.float32),
        scratch_types=[
            vmem((per_tile,), jnp.int32),
            [vmem((_CH,), jnp.int32) for _ in range(3)],
            [vmem((_CH, D), jnp.float32) for _ in range(3)],
            [dma for _ in range(3)],
            [dma for _ in range(3)],
            [dma for _ in range(3)],
            shared((n_pad, D), jnp.float32),
        ],
    )
    def k(hs_hbm, ei_hbm, out_hbm, sidx_v, didx, rows, gsems, dsems, ssems,
          acc_sh):
        c = lax.axis_index("c")
        s = lax.axis_index("s")
        wid = s * _NC + c
        ebase = wid * per_tile

        def gath(j, b):
            return pltpu.async_copy(
                hs_hbm.at[sidx_v.at[pl.ds(j * _CH, _CH)]], rows[b], gsems[b])

        def gwait(j, b):
            pltpu.make_async_copy(
                hs_hbm.at[sidx_v.at[pl.ds(j * _CH, _CH)]], rows[b], gsems[b]
            ).wait()

        def dload(j, b):
            pltpu.async_copy(
                ei_hbm.at[pl.ds(E + ebase + j * _CH, _CH)], didx[b], dsems[b])

        def dwait(j, b):
            pltpu.make_async_copy(
                ei_hbm.at[pl.ds(E + ebase + j * _CH, _CH)], didx[b], dsems[b]
            ).wait()

        def scat(b):
            pltpu.async_copy(rows[b], acc_sh.at[didx[b]], ssems[b], add=True)

        def swait(b):
            pltpu.make_async_copy(rows[b], acc_sh.at[didx[b]], ssems[b]).wait()

        pltpu.sync_copy(ei_hbm.at[pl.ds(ebase, per_tile)], sidx_v)

        def zbody(i, carry):
            for j in range(D // _LANES):
                rows[0][i, pl.ds(j * _LANES, _LANES)] = jnp.zeros(
                    (_LANES,), jnp.float32)
            return carry

        lax.fori_loop(0, _CH, zbody, 0)

        def zfill(base_row, n_rows):
            def zcopy(r, carry):
                pltpu.sync_copy(
                    rows[0], acc_sh.at[pl.ds(base_row + r * _CH, _CH)])
                return carry
            lax.fori_loop(0, n_rows // _CH, zcopy, 0)

        @pl.when(c == 0)
        def _():
            @pl.when(s < full_tiles)
            def _():
                pltpu.sync_copy(
                    hs_hbm.at[pl.ds(s * rows_tile, rows_tile)],
                    acc_sh.at[pl.ds(s * rows_tile, rows_tile)],
                )

            @pl.when(s == full_tiles)
            def _():
                if tail_rows:
                    pltpu.sync_copy(
                        hs_hbm.at[pl.ds(full_tiles * rows_tile, tail_rows)],
                        acc_sh.at[pl.ds(full_tiles * rows_tile, tail_rows)],
                    )
                zfill(full_tiles * rows_tile + tail_rows,
                      rows_tile - tail_rows)

            @pl.when(s > full_tiles)
            def _():
                zfill(s * rows_tile, rows_tile)

        @pl.when(c == 1)
        def _():
            zfill(s * rows_tile, rows_tile)

        plsc.subcore_barrier()

        for j in range(pre):
            dload(j, 0)
            dwait(j, 0)
            gath(j, 0).wait()
            scat(0)
            swait(0)

        for b in range(2):
            dload(pre + b, b)
            gath(pre + b, b)

        def body(kk, carry):
            for b in range(3):
                j = pre + 3 * kk + b
                bp = (b + 2) % 3
                dwait(j, b)
                gwait(j, b)
                scat(b)
                if b == 0:
                    @pl.when(kk >= 1)
                    def _():
                        swait(bp)
                else:
                    swait(bp)

                @pl.when(j + 2 < n_chunks)
                def _():
                    dload(j + 2, bp)
                    gath(j + 2, bp)
            return carry

        lax.fori_loop(0, (n_chunks - pre) // 3, body, 0)
        swait((n_chunks - pre - 1) % 3)
        plsc.subcore_barrier()
        pltpu.sync_copy(
            acc_sh.at[pl.ds(s * rows_tile, rows_tile)],
            out_hbm.at[c, pl.ds(s * rows_tile, rows_tile)],
        )

    return k(hs, ei)



_BR = 1000


def _k1_body(x_ref, w_ref, d0_ref, d1_ref, hs_ref):
    deg = d0_ref[...] + d1_ref[...] + 1.0
    dinv = lax.rsqrt(deg)
    h = jnp.dot(x_ref[...], w_ref[...], preferred_element_type=jnp.float32)
    hs_ref[...] = h * dinv


def _k1(x, Wg, d0, d1):
    n, Din = x.shape
    H = Wg.shape[1]
    return pl.pallas_call(
        _k1_body,
        grid=(n // _BR,),
        in_specs=[
            pl.BlockSpec((_BR, Din), lambda i: (i, 0)),
            pl.BlockSpec((Din, H), lambda i: (0, 0)),
            pl.BlockSpec((_BR, 1), lambda i: (i, 0)),
            pl.BlockSpec((_BR, 1), lambda i: (i, 0)),
        ],
        out_specs=pl.BlockSpec((_BR, H), lambda i: (i, 0)),
        out_shape=jax.ShapeDtypeStruct((n, H), jnp.float32),
    )(x, Wg, d0, d1)


def _ln(y, w, b, eps=1e-5):
    mu = jnp.mean(y, axis=-1, keepdims=True)
    var = jnp.mean((y - mu) ** 2, axis=-1, keepdims=True)
    return (y - mu) * lax.rsqrt(var + eps) * w + b


def _k2_core(x_ref, s0_ref, s1_ref, d0_ref, d1_ref, bg_ref,
             w1_ref, b1_ref, w2_ref, b2_ref, l1w_ref, l1b_ref,
             l2w_ref, l2b_ref):
    deg = d0_ref[...] + d1_ref[...] + 1.0
    dinv = lax.rsqrt(deg)
    conv = dinv * (s0_ref[0] + s1_ref[0]) + bg_ref[...]
    y = _ln(x_ref[...] + conv, l1w_ref[...], l1b_ref[...])
    t = jnp.maximum(
        jnp.dot(y, w1_ref[...], preferred_element_type=jnp.float32) + b1_ref[...],
        0.0,
    )
    f = jnp.dot(t, w2_ref[...], preferred_element_type=jnp.float32) + b2_ref[...]
    return _ln(y + f, l2w_ref[...], l2b_ref[...]), dinv


def _k2_body(*refs):
    *ins, o_ref = refs
    o, _ = _k2_core(*ins)
    o_ref[...] = o


def _k2k1_body(*refs):
    *ins, wg_ref, o_ref, hs_ref = refs
    o, dinv = _k2_core(*ins)
    o_ref[...] = o
    hs_ref[...] = dinv * jnp.dot(
        o, wg_ref[...], preferred_element_type=jnp.float32)


def _k2_specs(H, F):
    return [
        pl.BlockSpec((_BR, H), lambda i: (i, 0)),
        pl.BlockSpec((1, _BR, H), lambda i: (0, i, 0)),
        pl.BlockSpec((1, _BR, H), lambda i: (1, i, 0)),
        pl.BlockSpec((_BR, 1), lambda i: (i, 0)),
        pl.BlockSpec((_BR, 1), lambda i: (i, 0)),
        pl.BlockSpec((1, H), lambda i: (0, 0)),
        pl.BlockSpec((H, F), lambda i: (0, 0)),
        pl.BlockSpec((1, F), lambda i: (0, 0)),
        pl.BlockSpec((F, H), lambda i: (0, 0)),
        pl.BlockSpec((1, H), lambda i: (0, 0)),
        pl.BlockSpec((1, H), lambda i: (0, 0)),
        pl.BlockSpec((1, H), lambda i: (0, 0)),
        pl.BlockSpec((1, H), lambda i: (0, 0)),
        pl.BlockSpec((1, H), lambda i: (0, 0)),
    ]


def _row(v):
    return v.reshape(1, -1)


def _k2_args(x, S, d0, d1, p):
    return (x, S, S, d0, d1, _row(p['bg']),
            p['W1'], _row(p['b1']), p['W2'], _row(p['b2']),
            _row(p['ln1_w']), _row(p['ln1_b']),
            _row(p['ln2_w']), _row(p['ln2_b']))


def _k2(x, S, d0, d1, p):
    n, H = x.shape
    F = p['W1'].shape[1]
    return pl.pallas_call(
        _k2_body,
        grid=(n // _BR,),
        in_specs=_k2_specs(H, F),
        out_specs=pl.BlockSpec((_BR, H), lambda i: (i, 0)),
        out_shape=jax.ShapeDtypeStruct((n, H), jnp.float32),
    )(*_k2_args(x, S, d0, d1, p))


def _k2k1(x, S, d0, d1, p, wg_next):
    n, H = x.shape
    F = p['W1'].shape[1]
    specs = _k2_specs(H, F)
    specs.append(pl.BlockSpec((H, H), lambda i: (0, 0)))
    return pl.pallas_call(
        _k2k1_body,
        grid=(n // _BR,),
        in_specs=specs,
        out_specs=(
            pl.BlockSpec((_BR, H), lambda i: (i, 0)),
            pl.BlockSpec((_BR, H), lambda i: (i, 0)),
        ),
        out_shape=(
            jax.ShapeDtypeStruct((n, H), jnp.float32),
            jax.ShapeDtypeStruct((n, H), jnp.float32),
        ),
    )(*_k2_args(x, S, d0, d1, p), wg_next)



def kernel(x, edge_index, params):
    n, d_in = x.shape
    n_pad = _acc_rows(n)
    ei = edge_index.reshape(-1)
    degp = _sc_deg(ei, n_pad)
    d0 = degp[0, :n][:, None]
    d1 = degp[1, :n][:, None]
    hs = _k1(x, params[0]['Wg'], d0, d1)
    for i, p in enumerate(params):
        S = _sc_scatter(hs, ei, n_pad)
        if i + 1 < len(params):
            x, hs = _k2k1(x, S, d0, d1, p, params[i + 1]['Wg'])
        else:
            x = _k2(x, S, d0, d1, p)
    return x

# --- scband reference (transcript-rebuilt; emitter-appended) ---
"""Pipeline reference for scband-gnnstack-52991306498087 (READ-ONLY COPY).

The authoritative reference and input builder live on the scoring server;
editing this copy changes nothing except your own understanding.
"""

import jax, jax.numpy as jnp
import numpy as np

N = 10000
E = 320000
D = 128
H = 128
L = 2


def _make_layer_params(key, in_dim, hid):
    ks = jax.random.split(key, 6)
    def glorot(k, shape):
        fan_in, fan_out = shape[0], shape[1]
        lim = jnp.sqrt(6.0 / (fan_in + fan_out))
        return jax.random.uniform(k, shape, jnp.float32, -lim, lim)
    return {
        'Wg': glorot(ks[0], (in_dim, hid)),
        'bg': jnp.zeros((hid,), jnp.float32),
        'W1': glorot(ks[1], (hid, hid * 2)),
        'b1': jnp.zeros((hid * 2,), jnp.float32),
        'W2': glorot(ks[2], (hid * 2, hid)),
        'b2': jnp.zeros((hid,), jnp.float32),
        'ln1_w': jnp.ones((hid,), jnp.float32),
        'ln1_b': jnp.zeros((hid,), jnp.float32),
        'ln2_w': jnp.ones((hid,), jnp.float32),
        'ln2_b': jnp.zeros((hid,), jnp.float32),
    }


def setup_inputs(seed: int = 0):
    key = jax.random.key(seed)
    kx, ke, kp = jax.random.split(key, 3)
    x = jax.random.normal(kx, (N, D), jnp.float32)
    edge_index = jax.random.randint(ke, (2, E), 0, N, dtype=jnp.int32)
    pkeys = jax.random.split(kp, L)
    params = tuple(
        _make_layer_params(pkeys[i], D if i == 0 else H, H) for i in range(L)
    )
    return {'x': x, 'edge_index': edge_index, 'params': params}


def _layer_norm(x, w, b, eps=1e-5):
    mu = jnp.mean(x, axis=-1, keepdims=True)
    var = jnp.mean((x - mu) ** 2, axis=-1, keepdims=True)
    return (x - mu) / jnp.sqrt(var + eps) * w + b


def _gcn_conv(x, src, dst, W, b, n_nodes):
    # PyG GCNConv: add self loops, symmetric normalization, linear transform
    h = x @ W
    loop = jnp.arange(n_nodes, dtype=src.dtype)
    src2 = jnp.concatenate([src, loop])
    dst2 = jnp.concatenate([dst, loop])
    deg = jax.ops.segment_sum(jnp.ones_like(dst2, dtype=h.dtype), dst2, num_segments=n_nodes)
    dinv = jnp.where(deg > 0, 1.0 / jnp.sqrt(deg), 0.0)
    norm = dinv[src2] * dinv[dst2]
    msg = h[src2] * norm[:, None]
    out = jax.ops.segment_sum(msg, dst2, num_segments=n_nodes)
    return out + b


def _gnn_layer(x, src, dst, p):
    # dropout layers act as identity in eval mode
    x2 = _gcn_conv(x, src, dst, p['Wg'], p['bg'], x.shape[0])
    if p['Wg'].shape[0] == p['Wg'].shape[1]:
        x = _layer_norm(x + x2, p['ln1_w'], p['ln1_b'])
    else:
        x = _layer_norm(x2, p['ln1_w'], p['ln1_b'])
    ffn = jnp.maximum(x @ p['W1'] + p['b1'], 0.0) @ p['W2'] + p['b2']
    x = _layer_norm(x + ffn, p['ln2_w'], p['ln2_b'])
    return x


def reference(x, edge_index, params):
    src = edge_index[0]
    dst = edge_index[1]
    for p in params:
        x = _gnn_layer(x, src, dst, p)
    return x

if __name__ == "__main__":
    import jax
    _d = setup_inputs()
    print(jax.jit(kernel)(*tuple(_d.values())))

</pallas_src>

<mosaic_0001>
#map = affine_map<(d0, d1) -> (0, 0)>
#map1 = affine_map<(d0, d1) -> (0)>
#map2 = affine_map<(d0, d1) -> (0, 0, 0)>
module attributes {stable_mosaic.version = 14 : i64} {
  func.func @k(%arg0: i32, %arg1: i32, %arg2: memref<10000x128xf32, #tpu.memory_space<hbm>>, %arg3: memref<640000xi32, #tpu.memory_space<hbm>>, %arg4: memref<2x10240x128xf32, #tpu.memory_space<hbm>>, %arg5: memref<10000xi32, #tpu.memory_space<vmem>>, %arg6: memref<80xi32, #tpu.memory_space<vmem>>, %arg7: memref<80xi32, #tpu.memory_space<vmem>>, %arg8: memref<80xi32, #tpu.memory_space<vmem>>, %arg9: memref<80x128xf32, #tpu.memory_space<vmem>>, %arg10: memref<80x128xf32, #tpu.memory_space<vmem>>, %arg11: memref<80x128xf32, #tpu.memory_space<vmem>>, %arg12: memref<!tpu.dma_semaphore, #tpu.memory_space<semaphore_mem>>, %arg13: memref<!tpu.dma_semaphore, #tpu.memory_space<semaphore_mem>>, %arg14: memref<!tpu.dma_semaphore, #tpu.memory_space<semaphore_mem>>, %arg15: memref<!tpu.dma_semaphore, #tpu.memory_space<semaphore_mem>>, %arg16: memref<!tpu.dma_semaphore, #tpu.memory_space<semaphore_mem>>, %arg17: memref<!tpu.dma_semaphore, #tpu.memory_space<semaphore_mem>>, %arg18: memref<!tpu.dma_semaphore, #tpu.memory_space<semaphore_mem>>, %arg19: memref<!tpu.dma_semaphore, #tpu.memory_space<semaphore_mem>>, %arg20: memref<!tpu.dma_semaphore, #tpu.memory_space<semaphore_mem>>, %arg21: memref<10240x128xf32, #tpu.memory_space<vmem_shared>>) attributes {dimension_semantics = [#tpu.dimension_semantics<core_parallel>, #tpu.dimension_semantics<subcore_parallel>], iteration_bounds = array<i64: 2, 16>, scalar_prefetch = 0 : i64, scratch_operands = 17 : i64, tpu.core_type = #tpu.core_type<sc_vector_subcore>, window_params = [{transform_indices = #map}, {transform_indices = #map1}, {transform_indices = #map2}]} {
    %mul3A = arith.constant 2 : i32
    %mul3A_0 = arith.muli %arg1, %mul3A : i32
    %add3A = arith.addi %mul3A_0, %arg0 : i32
    %mul3A_1 = arith.constant 10000 : i32
    %mul3A_2 = arith.muli %add3A, %mul3A_1 : i32
    "tpu.region"() ({
      %run_scoped3A = tpu.sem_alloc : memref<!tpu.dma_semaphore, #tpu.memory_space<semaphore_mem>>
      %dma_start3A_105 = tpu.memref_slice %arg3[%mul3A_2] : memref<640000xi32, #tpu.memory_space<hbm>> -> memref<10000xi32, #tpu.memory_space<hbm>>
      %dma_start3A_106 = tpu.memref_slice %arg3[%mul3A_2] : memref<640000xi32, #tpu.memory_space<hbm>> -> memref<10000xi32, #tpu.memory_space<hbm>>
      tpu.enqueue_dma source(%dma_start3A_106 : memref<10000xi32, #tpu.memory_space<hbm>>) target(%arg5 : memref<10000xi32, #tpu.memory_space<vmem>>) target_semaphore(%run_scoped3A : memref<!tpu.dma_semaphore, #tpu.memory_space<semaphore_mem>>)
      %dma_wait3A_107 = tpu.memref_slice %arg3[%mul3A_2] : memref<640000xi32, #tpu.memory_space<hbm>> -> memref<10000xi32, #tpu.memory_space<hbm>>
      %dma_wait3A_108 = tpu.memref_slice %arg3[%mul3A_2] : memref<640000xi32, #tpu.memory_space<hbm>> -> memref<10000xi32, #tpu.memory_space<hbm>>
      tpu.wait_dma2 semaphore(%run_scoped3A : memref<!tpu.dma_semaphore, #tpu.memory_space<semaphore_mem>>) src(%dma_wait3A_108 : memref<10000xi32, #tpu.memory_space<hbm>>) dst(%arg5 : memref<10000xi32, #tpu.memory_space<vmem>>)
      tpu.yield
    }) : () -> ()
    %scan3A = arith.constant 0 : i32
    %scan3A_3 = arith.constant 0 : i32
    %scan3A_4 = arith.constant 80 : i32
    %scan3A_5 = arith.addi %scan3A_3, %scan3A_4 : i32
    %scan3A_6 = arith.constant 1 : i32
    scf.for %scan3A_105 = %scan3A_3 to %scan3A_5 step %scan3A_6  : i32 {
      %broadcast_in_dim3A = arith.constant 0.000000e+00 : f32
      %broadcast_in_dim3A_106 = vector.broadcast %broadcast_in_dim3A : f32 to vector<16xf32>
      %swap3A = arith.index_cast %scan3A_105 : i32 to index
      %swap3A_107 = arith.constant 0 : index
      %swap3A_108 = tpu.vector_load %arg9[%swap3A, %swap3A_107] {strides = array<i32>} : memref<80x128xf32, #tpu.memory_space<vmem>>, vector<1x16xf32>,
      %swap3A_109 = vector.shape_cast %swap3A_108 : vector<1x16xf32> to vector<16xf32>
      %swap3A_110 = vector.shape_cast %broadcast_in_dim3A_106 : vector<16xf32> to vector<1x16xf32>
      tpu.vector_store %arg9[%swap3A, %swap3A_107], %swap3A_110 {strides = array<i32>} : memref<80x128xf32, #tpu.memory_space<vmem>>, vector<1x16xf32>,
      %broadcast_in_dim3A_111 = arith.constant 0.000000e+00 : f32
      %broadcast_in_dim3A_112 = vector.broadcast %broadcast_in_dim3A_111 : f32 to vector<16xf32>
      %swap3A_113 = arith.index_cast %scan3A_105 : i32 to index
      %swap3A_114 = arith.constant 16 : index
      %swap3A_115 = tpu.vector_load %arg9[%swap3A_113, %swap3A_114] {strides = array<i32>} : memref<80x128xf32, #tpu.memory_space<vmem>>, vector<1x16xf32>,
      %swap3A_116 = vector.shape_cast %swap3A_115 : vector<1x16xf32> to vector<16xf32>
      %swap3A_117 = vector.shape_cast %broadcast_in_dim3A_112 : vector<16xf32> to vector<1x16xf32>
      tpu.vector_store %arg9[%swap3A_113, %swap3A_114], %swap3A_117 {strides = array<i32>} : memref<80x128xf32, #tpu.memory_space<vmem>>, vector<1x16xf32>,
      %broadcast_in_dim3A_118 = arith.constant 0.000000e+00 : f32
      %broadcast_in_dim3A_119 = vector.broadcast %broadcast_in_dim3A_118 : f32 to vector<16xf32>
      %swap3A_120 = arith.index_cast %scan3A_105 : i32 to index
      %swap3A_121 = arith.constant 32 : index
      %swap3A_122 = tpu.vector_load %arg9[%swap3A_120, %swap3A_121] {strides = array<i32>} : memref<80x128xf32, #tpu.memory_space<vmem>>, vector<1x16xf32>,
      %swap3A_123 = vector.shape_cast %swap3A_122 : vector<1x16xf32> to vector<16xf32>
      %swap3A_124 = vector.shape_cast %broadcast_in_dim3A_119 : vector<16xf32> to vector<1x16xf32>
      tpu.vector_store %arg9[%swap3A_120, %swap3A_121], %swap3A_124 {strides = array<i32>} : memref<80x128xf32, #tpu.memory_space<vmem>>, vector<1x16xf32>,
      %broadcast_in_dim3A_125 = arith.constant 0.000000e+00 : f32
      %broadcast_in_dim3A_126 = vector.broadcast %broadcast_in_dim3A_125 : f32 to vector<16xf32>
      %swap3A_127 = arith.index_cast %scan3A_105 : i32 to index
      %swap3A_128 = arith.constant 48 : index
      %swap3A_129 = tpu.vector_load %arg9[%swap3A_127, %swap3A_128] {strides = array<i32>} : memref<80x128xf32, #tpu.memory_space<vmem>>, vector<1x16xf32>,
      %swap3A_130 = vector.shape_cast %swap3A_129 : vector<1x16xf32> to vector<16xf32>
      %swap3A_131 = vector.shape_cast %broadcast_in_dim3A_126 : vector<16xf32> to vector<1x16xf32>
      tpu.vector_store %arg9[%swap3A_127, %swap3A_128], %swap3A_131 {strides = array<i32>} : memref<80x128xf32, #tpu.memory_space<vmem>>, vector<1x16xf32>,
      %broadcast_in_dim3A_132 = arith.constant 0.000000e+00 : f32
      %broadcast_in_dim3A_133 = vector.broadcast %broadcast_in_dim3A_132 : f32 to vector<16xf32>
      %swap3A_134 = arith.index_cast %scan3A_105 : i32 to index
      %swap3A_135 = arith.constant 64 : index
      %swap3A_136 = tpu.vector_load %arg9[%swap3A_134, %swap3A_135] {strides = array<i32>} : memref<80x128xf32, #tpu.memory_space<vmem>>, vector<1x16xf32>,
      %swap3A_137 = vector.shape_cast %swap3A_136 : vector<1x16xf32> to vector<16xf32>
      %swap3A_138 = vector.shape_cast %broadcast_in_dim3A_133 : vector<16xf32> to vector<1x16xf32>
      tpu.vector_store %arg9[%swap3A_134, %swap3A_135], %swap3A_138 {strides = array<i32>} : memref<80x128xf32, #tpu.memory_space<vmem>>, vector<1x16xf32>,
      %broadcast_in_dim3A_139 = arith.constant 0.000000e+00 : f32
      %broadcast_in_dim3A_140 = vector.broadcast %broadcast_in_dim3A_139 : f32 to vector<16xf32>
      %swap3A_141 = arith.index_cast %scan3A_105 : i32 to index
      %swap3A_142 = arith.constant 80 : index
      %swap3A_143 = tpu.vector_load %arg9[%swap3A_141, %swap3A_142] {strides = array<i32>} : memref<80x128xf32, #tpu.memory_space<vmem>>, vector<1x16xf32>,
      %swap3A_144 = vector.shape_cast %swap3A_143 : vector<1x16xf32> to vector<16xf32>
      %swap3A_145 = vector.shape_cast %broadcast_in_dim3A_140 : vector<16xf32> to vector<1x16xf32>
      tpu.vector_store %arg9[%swap3A_141, %swap3A_142], %swap3A_145 {strides = array<i32>} : memref<80x128xf32, #tpu.memory_space<vmem>>, vector<1x16xf32>,
      %broadcast_in_dim3A_146 = arith.constant 0.000000e+00 : f32
      %broadcast_in_dim3A_147 = vector.broadcast %broadcast_in_dim3A_146 : f32 to vector<16xf32>
      %swap3A_148 = arith.index_cast %scan3A_105 : i32 to index
      %swap3A_149 = arith.constant 96 : index
      %swap3A_150 = tpu.vector_load %arg9[%swap3A_148, %swap3A_149] {strides = array<i32>} : memref<80x128xf32, #tpu.memory_space<vmem>>, vector<1x16xf32>,
      %swap3A_151 = vector.shape_cast %swap3A_150 : vector<1x16xf32> to vector<16xf32>
      %swap3A_152 = vector.shape_cast %broadcast_in_dim3A_147 : vector<16xf32> to vector<1x16xf32>
      tpu.vector_store %arg9[%swap3A_148, %swap3A_149], %swap3A_152 {strides = array<i32>} : memref<80x128xf32, #tpu.memory_space<vmem>>, vector<1x16xf32>,
      %broadcast_in_dim3A_153 = arith.constant 0.000000e+00 : f32
      %broadcast_in_dim3A_154 = vector.broadcast %broadcast_in_dim3A_153 : f32 to vector<16xf32>
      %swap3A_155 = arith.index_cast %scan3A_105 : i32 to index
      %swap3A_156 = arith.constant 112 : index
      %swap3A_157 = tpu.vector_load %arg9[%swap3A_155, %swap3A_156] {strides = array<i32>} : memref<80x128xf32, #tpu.memory_space<vmem>>, vector<1x16xf32>,
      %swap3A_158 = vector.shape_cast %swap3A_157 : vector<1x16xf32> to vector<16xf32>
      %swap3A_159 = vector.shape_cast %broadcast_in_dim3A_154 : vector<16xf32> to vector<1x16xf32>
      tpu.vector_store %arg9[%swap3A_155, %swap3A_156], %swap3A_159 {strides = array<i32>} : memref<80x128xf32, #tpu.memory_space<vmem>>, vector<1x16xf32>,
    }
    %scan3A_7 = arith.constant 80 : i32
    %eq3A = arith.constant 0 : i32
    %eq3A_8 = arith.cmpi eq, %arg0, %eq3A : i32
    %convert_element_type3A = arith.extui %eq3A_8 : i1 to i32
    %cond3A = arith.constant 0 : i32
    %cond3A_9 = arith.cmpi ne, %convert_element_type3A, %cond3A : i32
    scf.if %cond3A_9 {
      %lt3A = arith.constant 15 : i32
      %lt3A_105 = arith.cmpi slt, %arg1, %lt3A : i32
      %convert_element_type3A_106 = arith.extui %lt3A_105 : i1 to i32
      %cond3A_107 = arith.constant 0 : i32
      %cond3A_108 = arith.cmpi ne, %convert_element_type3A_106, %cond3A_107 : i32
      scf.if %cond3A_108 {
        %mul3A_118 = arith.constant 640 : i32
        %mul3A_119 = arith.muli %arg1, %mul3A_118 : i32
        %mul3A_120 = arith.constant 640 : i32
        %mul3A_121 = arith.muli %arg1, %mul3A_120 : i32
        "tpu.region"() ({
          %run_scoped3A = tpu.sem_alloc : memref<!tpu.dma_semaphore, #tpu.memory_space<semaphore_mem>>
          %dma_start3A_122 = arith.constant 0 : i32
          %dma_start3A_123 = tpu.memref_slice %arg21[%mul3A_121, %dma_start3A_122] : memref<10240x128xf32, #tpu.memory_space<vmem_shared>> -> memref<640x128xf32, #tpu.memory_space<vmem_shared>>
          %dma_start3A_124 = arith.constant 0 : i32
          %dma_start3A_125 = tpu.memref_slice %arg2[%mul3A_119, %dma_start3A_124] : memref<10000x128xf32, #tpu.memory_space<hbm>> -> memref<640x128xf32, #tpu.memory_space<hbm>>
          tpu.enqueue_dma source(%dma_start3A_125 : memref<640x128xf32, #tpu.memory_space<hbm>>) target(%dma_start3A_123 : memref<640x128xf32, #tpu.memory_space<vmem_shared>>) target_semaphore(%run_scoped3A : memref<!tpu.dma_semaphore, #tpu.memory_space<semaphore_mem>>)
          %dma_wait3A_126 = arith.constant 0 : i32
          %dma_wait3A_127 = tpu.memref_slice %arg21[%mul3A_121, %dma_wait3A_126] : memref<10240x128xf32, #tpu.memory_space<vmem_shared>> -> memref<640x128xf32, #tpu.memory_space<vmem_shared>>
          %dma_wait3A_128 = arith.constant 0 : i32
          %dma_wait3A_129 = tpu.memref_slice %arg2[%mul3A_119, %dma_wait3A_128] : memref<10000x128xf32, #tpu.memory_space<hbm>> -> memref<640x128xf32, #tpu.memory_space<hbm>>
          tpu.wait_dma2 semaphore(%run_scoped3A : memref<!tpu.dma_semaphore, #tpu.memory_space<semaphore_mem>>) src(%dma_wait3A_129 : memref<640x128xf32, #tpu.memory_space<hbm>>) dst(%dma_wait3A_127 : memref<640x128xf32, #tpu.memory_space<vmem_shared>>)
          tpu.yield
        }) : () -> ()
      } else {
      }
      %eq3A_109 = arith.constant 15 : i32
      %eq3A_110 = arith.cmpi eq, %arg1, %eq3A_109 : i32
      %convert_element_type3A_111 = arith.extui %eq3A_110 : i1 to i32
      %cond3A_112 = arith.constant 0 : i32
      %cond3A_113 = arith.cmpi ne, %convert_element_type3A_111, %cond3A_112 : i32
      scf.if %cond3A_113 {
        "tpu.region"() ({
          %run_scoped3A = tpu.sem_alloc : memref<!tpu.dma_semaphore, #tpu.memory_space<semaphore_mem>>
          %dma_start3A_124 = arith.constant 9600 : i32
          %dma_start3A_125 = arith.constant 0 : i32
          %dma_start3A_126 = tpu.memref_slice %arg21[%dma_start3A_124, %dma_start3A_125] : memref<10240x128xf32, #tpu.memory_space<vmem_shared>> -> memref<400x128xf32, #tpu.memory_space<vmem_shared>>
          %dma_start3A_127 = arith.constant 9600 : i32
          %dma_start3A_128 = arith.constant 0 : i32
          %dma_start3A_129 = tpu.memref_slice %arg2[%dma_start3A_127, %dma_start3A_128] : memref<10000x128xf32, #tpu.memory_space<hbm>> -> memref<400x128xf32, #tpu.memory_space<hbm>>
          tpu.enqueue_dma source(%dma_start3A_129 : memref<400x128xf32, #tpu.memory_space<hbm>>) target(%dma_start3A_126 : memref<400x128xf32, #tpu.memory_space<vmem_shared>>) target_semaphore(%run_scoped3A : memref<!tpu.dma_semaphore, #tpu.memory_space<semaphore_mem>>)
          %dma_wait3A_130 = arith.constant 9600 : i32
          %dma_wait3A_131 = arith.constant 0 : i32
          %dma_wait3A_132 = tpu.memref_slice %arg21[%dma_wait3A_130, %dma_wait3A_131] : memref<10240x128xf32, #tpu.memory_space<vmem_shared>> -> memref<400x128xf32, #tpu.memory_space<vmem_shared>>
          %dma_wait3A_133 = arith.constant 9600 : i32
          %dma_wait3A_134 = arith.constant 0 : i32
          %dma_wait3A_135 = tpu.memref_slice %arg2[%dma_wait3A_133, %dma_wait3A_134] : memref<10000x128xf32, #tpu.memory_space<hbm>> -> memref<400x128xf32, #tpu.memory_space<hbm>>
          tpu.wait_dma2 semaphore(%run_scoped3A : memref<!tpu.dma_semaphore, #tpu.memory_space<semaphore_mem>>) src(%dma_wait3A_135 : memref<400x128xf32, #tpu.memory_space<hbm>>) dst(%dma_wait3A_132 : memref<400x128xf32, #tpu.memory_space<vmem_shared>>)
          tpu.yield
        }) : () -> ()
        %scan3A_118 = arith.constant 0 : i32
        %scan3A_119 = arith.constant 0 : i32
        %scan3A_120 = arith.constant 3 : i32
        %scan3A_121 = arith.addi %scan3A_119, %scan3A_120 : i32
        %scan3A_122 = arith.constant 1 : i32
        scf.for %scan3A_124 = %scan3A_119 to %scan3A_121 step %scan3A_122  : i32 {
          %mul3A_125 = arith.constant 80 : i32
          %mul3A_126 = arith.muli %scan3A_124, %mul3A_125 : i32
          %add3A_127 = arith.constant 10000 : i32
          %add3A_128 = arith.addi %add3A_127, %mul3A_126 : i32
          "tpu.region"() ({
            %run_scoped3A = tpu.sem_alloc : memref<!tpu.dma_semaphore, #tpu.memory_space<semaphore_mem>>
            %dma_start3A_129 = arith.constant 0 : i32
            %dma_start3A_130 = tpu.memref_slice %arg21[%add3A_128, %dma_start3A_129] : memref<10240x128xf32, #tpu.memory_space<vmem_shared>> -> memref<80x128xf32, #tpu.memory_space<vmem_shared>>
            %dma_start3A_131 = arith.constant 0 : i32
            %dma_start3A_132 = tpu.memref_slice %arg21[%add3A_128, %dma_start3A_131] : memref<10240x128xf32, #tpu.memory_space<vmem_shared>> -> memref<80x128xf32, #tpu.memory_space<vmem_shared>>
            tpu.enqueue_dma source(%arg9 : memref<80x128xf32, #tpu.memory_space<vmem>>) target(%dma_start3A_132 : memref<80x128xf32, #tpu.memory_space<vmem_shared>>) target_semaphore(%run_scoped3A : memref<!tpu.dma_semaphore, #tpu.memory_space<semaphore_mem>>)
            %dma_wait3A_133 = arith.constant 0 : i32
            %dma_wait3A_134 = tpu.memref_slice %arg21[%add3A_128, %dma_wait3A_133] : memref<10240x128xf32, #tpu.memory_space<vmem_shared>> -> memref<80x128xf32, #tpu.memory_space<vmem_shared>>
            %dma_wait3A_135 = arith.constant 0 : i32
            %dma_wait3A_136 = tpu.memref_slice %arg21[%add3A_128, %dma_wait3A_135] : memref<10240x128xf32, #tpu.memory_space<vmem_shared>> -> memref<80x128xf32, #tpu.memory_space<vmem_shared>>
            tpu.wait_dma2 semaphore(%run_scoped3A : memref<!tpu.dma_semaphore, #tpu.memory_space<semaphore_mem>>) src(%arg9 : memref<80x128xf32, #tpu.memory_space<vmem>>) dst(%dma_wait3A_136 : memref<80x128xf32, #tpu.memory_space<vmem_shared>>)
            tpu.yield
          }) : () -> ()
        }
        %scan3A_123 = arith.constant 3 : i32
      } else {
      }
      %gt3A = arith.constant 15 : i32
      %gt3A_114 = arith.cmpi sgt, %arg1, %gt3A : i32
      %convert_element_type3A_115 = arith.extui %gt3A_114 : i1 to i32
      %cond3A_116 = arith.constant 0 : i32
      %cond3A_117 = arith.cmpi ne, %convert_element_type3A_115, %cond3A_116 : i32
      scf.if %cond3A_117 {
        %mul3A_118 = arith.constant 640 : i32
        %mul3A_119 = arith.muli %arg1, %mul3A_118 : i32
        %scan3A_120 = arith.constant 0 : i32
        %scan3A_121 = arith.constant 0 : i32
        %scan3A_122 = arith.constant 8 : i32
        %scan3A_123 = arith.addi %scan3A_121, %scan3A_122 : i32
        %scan3A_124 = arith.constant 1 : i32
        scf.for %scan3A_126 = %scan3A_121 to %scan3A_123 step %scan3A_124  : i32 {
          %mul3A_127 = arith.constant 80 : i32
          %mul3A_128 = arith.muli %scan3A_126, %mul3A_127 : i32
          %add3A_129 = arith.addi %mul3A_119, %mul3A_128 : i32
          "tpu.region"() ({
            %run_scoped3A = tpu.sem_alloc : memref<!tpu.dma_semaphore, #tpu.memory_space<semaphore_mem>>
            %dma_start3A_130 = arith.constant 0 : i32
            %dma_start3A_131 = tpu.memref_slice %arg21[%add3A_129, %dma_start3A_130] : memref<10240x128xf32, #tpu.memory_space<vmem_shared>> -> memref<80x128xf32, #tpu.memory_space<vmem_shared>>
            %dma_start3A_132 = arith.constant 0 : i32
            %dma_start3A_133 = tpu.memref_slice %arg21[%add3A_129, %dma_start3A_132] : memref<10240x128xf32, #tpu.memory_space<vmem_shared>> -> memref<80x128xf32, #tpu.memory_space<vmem_shared>>
            tpu.enqueue_dma source(%arg9 : memref<80x128xf32, #tpu.memory_space<vmem>>) target(%dma_start3A_133 : memref<80x128xf32, #tpu.memory_space<vmem_shared>>) target_semaphore(%run_scoped3A : memref<!tpu.dma_semaphore, #tpu.memory_space<semaphore_mem>>)
            %dma_wait3A_134 = arith.constant 0 : i32
            %dma_wait3A_135 = tpu.memref_slice %arg21[%add3A_129, %dma_wait3A_134] : memref<10240x128xf32, #tpu.memory_space<vmem_shared>> -> memref<80x128xf32, #tpu.memory_space<vmem_shared>>
            %dma_wait3A_136 = arith.constant 0 : i32
            %dma_wait3A_137 = tpu.memref_slice %arg21[%add3A_129, %dma_wait3A_136] : memref<10240x128xf32, #tpu.memory_space<vmem_shared>> -> memref<80x128xf32, #tpu.memory_space<vmem_shared>>
            tpu.wait_dma2 semaphore(%run_scoped3A : memref<!tpu.dma_semaphore, #tpu.memory_space<semaphore_mem>>) src(%arg9 : memref<80x128xf32, #tpu.memory_space<vmem>>) dst(%dma_wait3A_137 : memref<80x128xf32, #tpu.memory_space<vmem_shared>>)
            tpu.yield
          }) : () -> ()
        }
        %scan3A_125 = arith.constant 8 : i32
      } else {
      }
    } else {
    }
    %eq3A_10 = arith.constant 1 : i32
    %eq3A_11 = arith.cmpi eq, %arg0, %eq3A_10 : i32
    %convert_element_type3A_12 = arith.extui %eq3A_11 : i1 to i32
    %cond3A_13 = arith.constant 0 : i32
    %cond3A_14 = arith.cmpi ne, %convert_element_type3A_12, %cond3A_13 : i32
    scf.if %cond3A_14 {
      %mul3A_105 = arith.constant 640 : i32
      %mul3A_106 = arith.muli %arg1, %mul3A_105 : i32
      %scan3A_107 = arith.constant 0 : i32
      %scan3A_108 = arith.constant 0 : i32
      %scan3A_109 = arith.constant 8 : i32
      %scan3A_110 = arith.addi %scan3A_108, %scan3A_109 : i32
      %scan3A_111 = arith.constant 1 : i32
      scf.for %scan3A_113 = %scan3A_108 to %scan3A_110 step %scan3A_111  : i32 {
        %mul3A_114 = arith.constant 80 : i32
        %mul3A_115 = arith.muli %scan3A_113, %mul3A_114 : i32
        %add3A_116 = arith.addi %mul3A_106, %mul3A_115 : i32
        "tpu.region"() ({
          %run_scoped3A = tpu.sem_alloc : memref<!tpu.dma_semaphore, #tpu.memory_space<semaphore_mem>>
          %dma_start3A_117 = arith.constant 0 : i32
          %dma_start3A_118 = tpu.memref_slice %arg21[%add3A_116, %dma_start3A_117] : memref<10240x128xf32, #tpu.memory_space<vmem_shared>> -> memref<80x128xf32, #tpu.memory_space<vmem_shared>>
          %dma_start3A_119 = arith.constant 0 : i32
          %dma_start3A_120 = tpu.memref_slice %arg21[%add3A_116, %dma_start3A_119] : memref<10240x128xf32, #tpu.memory_space<vmem_shared>> -> memref<80x128xf32, #tpu.memory_space<vmem_shared>>
          tpu.enqueue_dma source(%arg9 : memref<80x128xf32, #tpu.memory_space<vmem>>) target(%dma_start3A_120 : memref<80x128xf32, #tpu.memory_space<vmem_shared>>) target_semaphore(%run_scoped3A : memref<!tpu.dma_semaphore, #tpu.memory_space<semaphore_mem>>)
          %dma_wait3A_121 = arith.constant 0 : i32
          %dma_wait3A_122 = tpu.memref_slice %arg21[%add3A_116, %dma_wait3A_121] : memref<10240x128xf32, #tpu.memory_space<vmem_shared>> -> memref<80x128xf32, #tpu.memory_space<vmem_shared>>
          %dma_wait3A_123 = arith.constant 0 : i32
          %dma_wait3A_124 = tpu.memref_slice %arg21[%add3A_116, %dma_wait3A_123] : memref<10240x128xf32, #tpu.memory_space<vmem_shared>> -> memref<80x128xf32, #tpu.memory_space<vmem_shared>>
          tpu.wait_dma2 semaphore(%run_scoped3A : memref<!tpu.dma_semaphore, #tpu.memory_space<semaphore_mem>>) src(%arg9 : memref<80x128xf32, #tpu.memory_space<vmem>>) dst(%dma_wait3A_124 : memref<80x128xf32, #tpu.memory_space<vmem_shared>>)
          tpu.yield
        }) : () -> ()
      }
      %scan3A_112 = arith.constant 8 : i32
    } else {
    }
    %barrier3A = arith.constant 0 : index
    tpu.barrier barrier_id(%barrier3A)
    %add3A_15 = arith.constant 320000 : i32
    %add3A_16 = arith.addi %add3A_15, %mul3A_2 : i32
    %add3A_17 = arith.constant 0 : i32
    %add3A_18 = arith.addi %add3A_16, %add3A_17 : i32
    %dma_start3A = tpu.memref_slice %arg3[%add3A_18] : memref<640000xi32, #tpu.memory_space<hbm>> -> memref<80xi32, #tpu.memory_space<hbm>>
    %dma_start3A_19 = tpu.memref_slice %arg3[%add3A_18] : memref<640000xi32, #tpu.memory_space<hbm>> -> memref<80xi32, #tpu.memory_space<hbm>>
    tpu.enqueue_dma source(%dma_start3A_19 : memref<80xi32, #tpu.memory_space<hbm>>) target(%arg6 : memref<80xi32, #tpu.memory_space<vmem>>) target_semaphore(%arg15 : memref<!tpu.dma_semaphore, #tpu.memory_space<semaphore_mem>>)
    %add3A_20 = arith.constant 320000 : i32
    %add3A_21 = arith.addi %add3A_20, %mul3A_2 : i32
    %add3A_22 = arith.constant 0 : i32
    %add3A_23 = arith.addi %add3A_21, %add3A_22 : i32
    %dma_wait3A = tpu.memref_slice %arg3[%add3A_23] : memref<640000xi32, #tpu.memory_space<hbm>> -> memref<80xi32, #tpu.memory_space<hbm>>
    %dma_wait3A_24 = tpu.memref_slice %arg3[%add3A_23] : memref<640000xi32, #tpu.memory_space<hbm>> -> memref<80xi32, #tpu.memory_space<hbm>>
    tpu.wait_dma2 semaphore(%arg15 : memref<!tpu.dma_semaphore, #tpu.memory_space<semaphore_mem>>) src(%dma_wait3A_24 : memref<80xi32, #tpu.memory_space<hbm>>) dst(%arg6 : memref<80xi32, #tpu.memory_space<vmem>>)
    %dma_start3A_25 = arith.constant 0 : i32
    %dma_start3A_26 = tpu.memref_slice %arg5[%dma_start3A_25] : memref<10000xi32, #tpu.memory_space<vmem>> -> memref<80xi32, #tpu.memory_space<vmem>>
    %dma_start3A_27 = arith.constant 0 : i32
    %dma_start3A_28 = arith.constant 0 : i32
    %dma_start3A_29 = tpu.memref_slice %arg2[%dma_start3A_27, %dma_start3A_28] : memref<10000x128xf32, #tpu.memory_space<hbm>> -> memref<10000x128xf32, #tpu.memory_space<hbm>>
    tpu.enqueue_indirect_dma source(%dma_start3A_29 : memref<10000x128xf32, #tpu.memory_space<hbm>>) target(%arg9 : memref<80x128xf32, #tpu.memory_space<vmem>>) offsets(%dma_start3A_26 : memref<80xi32, #tpu.memory_space<vmem>>) semaphore(%arg12 : memref<!tpu.dma_semaphore, #tpu.memory_space<semaphore_mem>>)
    %dma_wait3A_30 = arith.constant 0 : i32
    %dma_wait3A_31 = tpu.memref_slice %arg5[%dma_wait3A_30] : memref<10000xi32, #tpu.memory_space<vmem>> -> memref<80xi32, #tpu.memory_space<vmem>>
    %dma_wait3A_32 = arith.constant 0 : i32
    %dma_wait3A_33 = arith.constant 0 : i32
    %dma_wait3A_34 = tpu.memref_slice %arg2[%dma_wait3A_32, %dma_wait3A_33] : memref<10000x128xf32, #tpu.memory_space<hbm>> -> memref<10000x128xf32, #tpu.memory_space<hbm>>
    tpu.wait_indirect_dma semaphore(%arg12 : memref<!tpu.dma_semaphore, #tpu.memory_space<semaphore_mem>>) src(%dma_wait3A_34 : memref<10000x128xf32, #tpu.memory_space<hbm>>) dst(%arg9 : memref<80x128xf32, #tpu.memory_space<vmem>>)
    %dma_start3A_35 = arith.constant 0 : i32
    %dma_start3A_36 = arith.constant 0 : i32
    %dma_start3A_37 = tpu.memref_slice %arg21[%dma_start3A_35, %dma_start3A_36] : memref<10240x128xf32, #tpu.memory_space<vmem_shared>> -> memref<10240x128xf32, #tpu.memory_space<vmem_shared>>
    tpu.enqueue_indirect_dma source(%arg9 : memref<80x128xf32, #tpu.memory_space<vmem>>) target(%dma_start3A_37 : memref<10240x128xf32, #tpu.memory_space<vmem_shared>>) offsets(%arg6 : memref<80xi32, #tpu.memory_space<vmem>>) semaphore(%arg18 : memref<!tpu.dma_semaphore, #tpu.memory_space<semaphore_mem>>) {add = true}
    %dma_wait3A_38 = arith.constant 0 : i32
    %dma_wait3A_39 = arith.constant 0 : i32
    %dma_wait3A_40 = tpu.memref_slice %arg21[%dma_wait3A_38, %dma_wait3A_39] : memref<10240x128xf32, #tpu.memory_space<vmem_shared>> -> memref<10240x128xf32, #tpu.memory_space<vmem_shared>>
    tpu.wait_indirect_dma semaphore(%arg18 : memref<!tpu.dma_semaphore, #tpu.memory_space<semaphore_mem>>) src(%arg9 : memref<80x128xf32, #tpu.memory_space<vmem>>) dst(%dma_wait3A_40 : memref<10240x128xf32, #tpu.memory_space<vmem_shared>>)
    %add3A_41 = arith.constant 320000 : i32
    %add3A_42 = arith.addi %add3A_41, %mul3A_2 : i32
    %add3A_43 = arith.constant 80 : i32
    %add3A_44 = arith.addi %add3A_42, %add3A_43 : i32
    %dma_start3A_45 = tpu.memref_slice %arg3[%add3A_44] : memref<640000xi32, #tpu.memory_space<hbm>> -> memref<80xi32, #tpu.memory_space<hbm>>
    %dma_start3A_46 = tpu.memref_slice %arg3[%add3A_44] : memref<640000xi32, #tpu.memory_space<hbm>> -> memref<80xi32, #tpu.memory_space<hbm>>
    tpu.enqueue_dma source(%dma_start3A_46 : memref<80xi32, #tpu.memory_space<hbm>>) target(%arg6 : memref<80xi32, #tpu.memory_space<vmem>>) target_semaphore(%arg15 : memref<!tpu.dma_semaphore, #tpu.memory_space<semaphore_mem>>)
    %add3A_47 = arith.constant 320000 : i32
    %add3A_48 = arith.addi %add3A_47, %mul3A_2 : i32
    %add3A_49 = arith.constant 80 : i32
    %add3A_50 = arith.addi %add3A_48, %add3A_49 : i32
    %dma_wait3A_51 = tpu.memref_slice %arg3[%add3A_50] : memref<640000xi32, #tpu.memory_space<hbm>> -> memref<80xi32, #tpu.memory_space<hbm>>
    %dma_wait3A_52 = tpu.memref_slice %arg3[%add3A_50] : memref<640000xi32, #tpu.memory_space<hbm>> -> memref<80xi32, #tpu.memory_space<hbm>>
    tpu.wait_dma2 semaphore(%arg15 : memref<!tpu.dma_semaphore, #tpu.memory_space<semaphore_mem>>) src(%dma_wait3A_52 : memref<80xi32, #tpu.memory_space<hbm>>) dst(%arg6 : memref<80xi32, #tpu.memory_space<vmem>>)
    %dma_start3A_53 = arith.constant 80 : i32
    %dma_start3A_54 = tpu.memref_slice %arg5[%dma_start3A_53] : memref<10000xi32, #tpu.memory_space<vmem>> -> memref<80xi32, #tpu.memory_space<vmem>>
    %dma_start3A_55 = arith.constant 0 : i32
    %dma_start3A_56 = arith.constant 0 : i32
    %dma_start3A_57 = tpu.memref_slice %arg2[%dma_start3A_55, %dma_start3A_56] : memref<10000x128xf32, #tpu.memory_space<hbm>> -> memref<10000x128xf32, #tpu.memory_space<hbm>>
    tpu.enqueue_indirect_dma source(%dma_start3A_57 : memref<10000x128xf32, #tpu.memory_space<hbm>>) target(%arg9 : memref<80x128xf32, #tpu.memory_space<vmem>>) offsets(%dma_start3A_54 : memref<80xi32, #tpu.memory_space<vmem>>) semaphore(%arg12 : memref<!tpu.dma_semaphore, #tpu.memory_space<semaphore_mem>>)
    %dma_wait3A_58 = arith.constant 80 : i32
    %dma_wait3A_59 = tpu.memref_slice %arg5[%dma_wait3A_58] : memref<10000xi32, #tpu.memory_space<vmem>> -> memref<80xi32, #tpu.memory_space<vmem>>
    %dma_wait3A_60 = arith.constant 0 : i32
    %dma_wait3A_61 = arith.constant 0 : i32
    %dma_wait3A_62 = tpu.memref_slice %arg2[%dma_wait3A_60, %dma_wait3A_61] : memref<10000x128xf32, #tpu.memory_space<hbm>> -> memref<10000x128xf32, #tpu.memory_space<hbm>>
    tpu.wait_indirect_dma semaphore(%arg12 : memref<!tpu.dma_semaphore, #tpu.memory_space<semaphore_mem>>) src(%dma_wait3A_62 : memref<10000x128xf32, #tpu.memory_space<hbm>>) dst(%arg9 : memref<80x128xf32, #tpu.memory_space<vmem>>)
    %dma_start3A_63 = arith.constant 0 : i32
    %dma_start3A_64 = arith.constant 0 : i32
    %dma_start3A_65 = tpu.memref_slice %arg21[%dma_start3A_63, %dma_start3A_64] : memref<10240x128xf32, #tpu.memory_space<vmem_shared>> -> memref<10240x128xf32, #tpu.memory_space<vmem_shared>>
    tpu.enqueue_indirect_dma source(%arg9 : memref<80x128xf32, #tpu.memory_space<vmem>>) target(%dma_start3A_65 : memref<10240x128xf32, #tpu.memory_space<vmem_shared>>) offsets(%arg6 : memref<80xi32, #tpu.memory_space<vmem>>) semaphore(%arg18 : memref<!tpu.dma_semaphore, #tpu.memory_space<semaphore_mem>>) {add = true}
    %dma_wait3A_66 = arith.constant 0 : i32
    %dma_wait3A_67 = arith.constant 0 : i32
    %dma_wait3A_68 = tpu.memref_slice %arg21[%dma_wait3A_66, %dma_wait3A_67] : memref<10240x128xf32, #tpu.memory_space<vmem_shared>> -> memref<10240x128xf32, #tpu.memory_space<vmem_shared>>
    tpu.wait_indirect_dma semaphore(%arg18 : memref<!tpu.dma_semaphore, #tpu.memory_space<semaphore_mem>>) src(%arg9 : memref<80x128xf32, #tpu.memory_space<vmem>>) dst(%dma_wait3A_68 : memref<10240x128xf32, #tpu.memory_space<vmem_shared>>)
    %add3A_69 = arith.constant 320000 : i32
    %add3A_70 = arith.addi %add3A_69, %mul3A_2 : i32
    %add3A_71 = arith.constant 160 : i32
    %add3A_72 = arith.addi %add3A_70, %add3A_71 : i32
    %dma_start3A_73 = tpu.memref_slice %arg3[%add3A_72] : memref<640000xi32, #tpu.memory_space<hbm>> -> memref<80xi32, #tpu.memory_space<hbm>>
    %dma_start3A_74 = tpu.memref_slice %arg3[%add3A_72] : memref<640000xi32, #tpu.memory_space<hbm>> -> memref<80xi32, #tpu.memory_space<hbm>>
    tpu.enqueue_dma source(%dma_start3A_74 : memref<80xi32, #tpu.memory_space<hbm>>) target(%arg6 : memref<80xi32, #tpu.memory_space<vmem>>) target_semaphore(%arg15 : memref<!tpu.dma_semaphore, #tpu.memory_space<semaphore_mem>>)
    %dma_start3A_75 = arith.constant 160 : i32
    %dma_start3A_76 = tpu.memref_slice %arg5[%dma_start3A_75] : memref<10000xi32, #tpu.memory_space<vmem>> -> memref<80xi32, #tpu.memory_space<vmem>>
    %dma_start3A_77 = arith.constant 0 : i32
    %dma_start3A_78 = arith.constant 0 : i32
    %dma_start3A_79 = tpu.memref_slice %arg2[%dma_start3A_77, %dma_start3A_78] : memref<10000x128xf32, #tpu.memory_space<hbm>> -> memref<10000x128xf32, #tpu.memory_space<hbm>>
    tpu.enqueue_indirect_dma source(%dma_start3A_79 : memref<10000x128xf32, #tpu.memory_space<hbm>>) target(%arg9 : memref<80x128xf32, #tpu.memory_space<vmem>>) offsets(%dma_start3A_76 : memref<80xi32, #tpu.memory_space<vmem>>) semaphore(%arg12 : memref<!tpu.dma_semaphore, #tpu.memory_space<semaphore_mem>>)
    %add3A_80 = arith.constant 320000 : i32
    %add3A_81 = arith.addi %add3A_80, %mul3A_2 : i32
    %add3A_82 = arith.constant 240 : i32
    %add3A_83 = arith.addi %add3A_81, %add3A_82 : i32
    %dma_start3A_84 = tpu.memref_slice %arg3[%add3A_83] : memref<640000xi32, #tpu.memory_space<hbm>> -> memref<80xi32, #tpu.memory_space<hbm>>
    %dma_start3A_85 = tpu.memref_slice %arg3[%add3A_83] : memref<640000xi32, #tpu.memory_space<hbm>> -> memref<80xi32, #tpu.memory_space<hbm>>
    tpu.enqueue_dma source(%dma_start3A_85 : memref<80xi32, #tpu.memory_space<hbm>>) target(%arg7 : memref<80xi32, #tpu.memory_space<vmem>>) target_semaphore(%arg16 : memref<!tpu.dma_semaphore, #tpu.memory_space<semaphore_mem>>)
    %dma_start3A_86 = arith.constant 240 : i32
    %dma_start3A_87 = tpu.memref_slice %arg5[%dma_start3A_86] : memref<10000xi32, #tpu.memory_space<vmem>> -> memref<80xi32, #tpu.memory_space<vmem>>
    %dma_start3A_88 = arith.constant 0 : i32
    %dma_start3A_89 = arith.constant 0 : i32
    %dma_start3A_90 = tpu.memref_slice %arg2[%dma_start3A_88, %dma_start3A_89] : memref<10000x128xf32, #tpu.memory_space<hbm>> -> memref<10000x128xf32, #tpu.memory_space<hbm>>
    tpu.enqueue_indirect_dma source(%dma_start3A_90 : memref<10000x128xf32, #tpu.memory_space<hbm>>) target(%arg10 : memref<80x128xf32, #tpu.memory_space<vmem>>) offsets(%dma_start3A_87 : memref<80xi32, #tpu.memory_space<vmem>>) semaphore(%arg13 : memref<!tpu.dma_semaphore, #tpu.memory_space<semaphore_mem>>)
    %scan3A_91 = arith.constant 0 : i32
    %scan3A_92 = arith.constant 0 : i32
    %scan3A_93 = arith.constant 41 : i32
    %scan3A_94 = arith.addi %scan3A_92, %scan3A_93 : i32
    %scan3A_95 = arith.constant 1 : i32
    scf.for %scan3A_105 = %scan3A_92 to %scan3A_94 step %scan3A_95  : i32 {
      %mul3A_106 = arith.constant 3 : i32
      %mul3A_107 = arith.muli %mul3A_106, %scan3A_105 : i32
      %add3A_108 = arith.constant 2 : i32
      %add3A_109 = arith.addi %add3A_108, %mul3A_107 : i32
      %add3A_110 = arith.constant 0 : i32
      %add3A_111 = arith.addi %add3A_109, %add3A_110 : i32
      %add3A_112 = arith.constant 320000 : i32
      %add3A_113 = arith.addi %add3A_112, %mul3A_2 : i32
      %mul3A_114 = arith.constant 80 : i32
      %mul3A_115 = arith.muli %add3A_111, %mul3A_114 : i32
      %add3A_116 = arith.addi %add3A_113, %mul3A_115 : i32
      %dma_wait3A_117 = tpu.memref_slice %arg3[%add3A_116] : memref<640000xi32, #tpu.memory_space<hbm>> -> memref<80xi32, #tpu.memory_space<hbm>>
      %dma_wait3A_118 = tpu.memref_slice %arg3[%add3A_116] : memref<640000xi32, #tpu.memory_space<hbm>> -> memref<80xi32, #tpu.memory_space<hbm>>
      tpu.wait_dma2 semaphore(%arg15 : memref<!tpu.dma_semaphore, #tpu.memory_space<semaphore_mem>>) src(%dma_wait3A_118 : memref<80xi32, #tpu.memory_space<hbm>>) dst(%arg6 : memref<80xi32, #tpu.memory_space<vmem>>)
      %mul3A_119 = arith.constant 80 : i32
      %mul3A_120 = arith.muli %add3A_111, %mul3A_119 : i32
      %dma_wait3A_121 = tpu.memref_slice %arg5[%mul3A_120] : memref<10000xi32, #tpu.memory_space<vmem>> -> memref<80xi32, #tpu.memory_space<vmem>>
      %dma_wait3A_122 = arith.constant 0 : i32
      %dma_wait3A_123 = arith.constant 0 : i32
      %dma_wait3A_124 = tpu.memref_slice %arg2[%dma_wait3A_122, %dma_wait3A_123] : memref<10000x128xf32, #tpu.memory_space<hbm>> -> memref<10000x128xf32, #tpu.memory_space<hbm>>
      tpu.wait_indirect_dma semaphore(%arg12 : memref<!tpu.dma_semaphore, #tpu.memory_space<semaphore_mem>>) src(%dma_wait3A_124 : memref<10000x128xf32, #tpu.memory_space<hbm>>) dst(%arg9 : memref<80x128xf32, #tpu.memory_space<vmem>>)
      %dma_start3A_125 = arith.constant 0 : i32
      %dma_start3A_126 = arith.constant 0 : i32
      %dma_start3A_127 = tpu.memref_slice %arg21[%dma_start3A_125, %dma_start3A_126] : memref<10240x128xf32, #tpu.memory_space<vmem_shared>> -> memref<10240x128xf32, #tpu.memory_space<vmem_shared>>
      tpu.enqueue_indirect_dma source(%arg9 : memref<80x128xf32, #tpu.memory_space<vmem>>) target(%dma_start3A_127 : memref<10240x128xf32, #tpu.memory_space<vmem_shared>>) offsets(%arg6 : memref<80xi32, #tpu.memory_space<vmem>>) semaphore(%arg18 : memref<!tpu.dma_semaphore, #tpu.memory_space<semaphore_mem>>) {add = true}
      %ge3A = arith.constant 1 : i32
      %ge3A_128 = arith.cmpi sge, %scan3A_105, %ge3A : i32
      %convert_element_type3A_129 = arith.extui %ge3A_128 : i1 to i32
      %cond3A_130 = arith.constant 0 : i32
      %cond3A_131 = arith.cmpi ne, %convert_element_type3A_129, %cond3A_130 : i32
      scf.if %cond3A_131 {
        %dma_wait3A_202 = arith.constant 0 : i32
        %dma_wait3A_203 = arith.constant 0 : i32
        %dma_wait3A_204 = tpu.memref_slice %arg21[%dma_wait3A_202, %dma_wait3A_203] : memref<10240x128xf32, #tpu.memory_space<vmem_shared>> -> memref<10240x128xf32, #tpu.memory_space<vmem_shared>>
        tpu.wait_indirect_dma semaphore(%arg20 : memref<!tpu.dma_semaphore, #tpu.memory_space<semaphore_mem>>) src(%arg11 : memref<80x128xf32, #tpu.memory_space<vmem>>) dst(%dma_wait3A_204 : memref<10240x128xf32, #tpu.memory_space<vmem_shared>>)
      } else {
      }
      %add3A_132 = arith.constant 2 : i32
      %add3A_133 = arith.addi %add3A_111, %add3A_132 : i32
      %lt3A = arith.constant 125 : i32
      %lt3A_134 = arith.cmpi slt, %add3A_133, %lt3A : i32
      %convert_element_type3A_135 = arith.extui %lt3A_134 : i1 to i32
      %cond3A_136 = arith.constant 0 : i32
      %cond3A_137 = arith.cmpi ne, %convert_element_type3A_135, %cond3A_136 : i32
      scf.if %cond3A_137 {
        %add3A_202 = arith.constant 2 : i32
        %add3A_203 = arith.addi %add3A_111, %add3A_202 : i32
        %add3A_204 = arith.constant 320000 : i32
        %add3A_205 = arith.addi %add3A_204, %mul3A_2 : i32
        %mul3A_206 = arith.constant 80 : i32
        %mul3A_207 = arith.muli %add3A_203, %mul3A_206 : i32
        %add3A_208 = arith.addi %add3A_205, %mul3A_207 : i32
        %dma_start3A_209 = tpu.memref_slice %arg3[%add3A_208] : memref<640000xi32, #tpu.memory_space<hbm>> -> memref<80xi32, #tpu.memory_space<hbm>>
        %dma_start3A_210 = tpu.memref_slice %arg3[%add3A_208] : memref<640000xi32, #tpu.memory_space<hbm>> -> memref<80xi32, #tpu.memory_space<hbm>>
        tpu.enqueue_dma source(%dma_start3A_210 : memref<80xi32, #tpu.memory_space<hbm>>) target(%arg8 : memref<80xi32, #tpu.memory_space<vmem>>) target_semaphore(%arg17 : memref<!tpu.dma_semaphore, #tpu.memory_space<semaphore_mem>>)
        %add3A_211 = arith.constant 2 : i32
        %add3A_212 = arith.addi %add3A_111, %add3A_211 : i32
        %mul3A_213 = arith.constant 80 : i32
        %mul3A_214 = arith.muli %add3A_212, %mul3A_213 : i32
        %dma_start3A_215 = tpu.memref_slice %arg5[%mul3A_214] : memref<10000xi32, #tpu.memory_space<vmem>> -> memref<80xi32, #tpu.memory_space<vmem>>
        %dma_start3A_216 = arith.constant 0 : i32
        %dma_start3A_217 = arith.constant 0 : i32
        %dma_start3A_218 = tpu.memref_slice %arg2[%dma_start3A_216, %dma_start3A_217] : memref<10000x128xf32, #tpu.memory_space<hbm>> -> memref<10000x128xf32, #tpu.memory_space<hbm>>
        tpu.enqueue_indirect_dma source(%dma_start3A_218 : memref<10000x128xf32, #tpu.memory_space<hbm>>) target(%arg11 : memref<80x128xf32, #tpu.memory_space<vmem>>) offsets(%dma_start3A_215 : memref<80xi32, #tpu.memory_space<vmem>>) semaphore(%arg14 : memref<!tpu.dma_semaphore, #tpu.memory_space<semaphore_mem>>)
      } else {
      }
      %mul3A_138 = arith.constant 3 : i32
      %mul3A_139 = arith.muli %mul3A_138, %scan3A_105 : i32
      %add3A_140 = arith.constant 2 : i32
      %add3A_141 = arith.addi %add3A_140, %mul3A_139 : i32
      %add3A_142 = arith.constant 1 : i32
      %add3A_143 = arith.addi %add3A_141, %add3A_142 : i32
      %add3A_144 = arith.constant 320000 : i32
      %add3A_145 = arith.addi %add3A_144, %mul3A_2 : i32
      %mul3A_146 = arith.constant 80 : i32
      %mul3A_147 = arith.muli %add3A_143, %mul3A_146 : i32
      %add3A_148 = arith.addi %add3A_145, %mul3A_147 : i32
      %dma_wait3A_149 = tpu.memref_slice %arg3[%add3A_148] : memref<640000xi32, #tpu.memory_space<hbm>> -> memref<80xi32, #tpu.memory_space<hbm>>
      %dma_wait3A_150 = tpu.memref_slice %arg3[%add3A_148] : memref<640000xi32, #tpu.memory_space<hbm>> -> memref<80xi32, #tpu.memory_space<hbm>>
      tpu.wait_dma2 semaphore(%arg16 : memref<!tpu.dma_semaphore, #tpu.memory_space<semaphore_mem>>) src(%dma_wait3A_150 : memref<80xi32, #tpu.memory_space<hbm>>) dst(%arg7 : memref<80xi32, #tpu.memory_space<vmem>>)
      %mul3A_151 = arith.constant 80 : i32
      %mul3A_152 = arith.muli %add3A_143, %mul3A_151 : i32
      %dma_wait3A_153 = tpu.memref_slice %arg5[%mul3A_152] : memref<10000xi32, #tpu.memory_space<vmem>> -> memref<80xi32, #tpu.memory_space<vmem>>
      %dma_wait3A_154 = arith.constant 0 : i32
      %dma_wait3A_155 = arith.constant 0 : i32
      %dma_wait3A_156 = tpu.memref_slice %arg2[%dma_wait3A_154, %dma_wait3A_155] : memref<10000x128xf32, #tpu.memory_space<hbm>> -> memref<10000x128xf32, #tpu.memory_space<hbm>>
      tpu.wait_indirect_dma semaphore(%arg13 : memref<!tpu.dma_semaphore, #tpu.memory_space<semaphore_mem>>) src(%dma_wait3A_156 : memref<10000x128xf32, #tpu.memory_space<hbm>>) dst(%arg10 : memref<80x128xf32, #tpu.memory_space<vmem>>)
      %dma_start3A_157 = arith.constant 0 : i32
      %dma_start3A_158 = arith.constant 0 : i32
      %dma_start3A_159 = tpu.memref_slice %arg21[%dma_start3A_157, %dma_start3A_158] : memref<10240x128xf32, #tpu.memory_space<vmem_shared>> -> memref<10240x128xf32, #tpu.memory_space<vmem_shared>>
      tpu.enqueue_indirect_dma source(%arg10 : memref<80x128xf32, #tpu.memory_space<vmem>>) target(%dma_start3A_159 : memref<10240x128xf32, #tpu.memory_space<vmem_shared>>) offsets(%arg7 : memref<80xi32, #tpu.memory_space<vmem>>) semaphore(%arg19 : memref<!tpu.dma_semaphore, #tpu.memory_space<semaphore_mem>>) {add = true}
      %dma_wait3A_160 = arith.constant 0 : i32
      %dma_wait3A_161 = arith.constant 0 : i32
      %dma_wait3A_162 = tpu.memref_slice %arg21[%dma_wait3A_160, %dma_wait3A_161] : memref<10240x128xf32, #tpu.memory_space<vmem_shared>> -> memref<10240x128xf32, #tpu.memory_space<vmem_shared>>
      tpu.wait_indirect_dma semaphore(%arg18 : memref<!tpu.dma_semaphore, #tpu.memory_space<semaphore_mem>>) src(%arg9 : memref<80x128xf32, #tpu.memory_space<vmem>>) dst(%dma_wait3A_162 : memref<10240x128xf32, #tpu.memory_space<vmem_shared>>)
      %add3A_163 = arith.constant 2 : i32
      %add3A_164 = arith.addi %add3A_143, %add3A_163 : i32
      %lt3A_165 = arith.constant 125 : i32
      %lt3A_166 = arith.cmpi slt, %add3A_164, %lt3A_165 : i32
      %convert_element_type3A_167 = arith.extui %lt3A_166 : i1 to i32
      %cond3A_168 = arith.constant 0 : i32
      %cond3A_169 = arith.cmpi ne, %convert_element_type3A_167, %cond3A_168 : i32
      scf.if %cond3A_169 {
        %add3A_202 = arith.constant 2 : i32
        %add3A_203 = arith.addi %add3A_143, %add3A_202 : i32
        %add3A_204 = arith.constant 320000 : i32
        %add3A_205 = arith.addi %add3A_204, %mul3A_2 : i32
        %mul3A_206 = arith.constant 80 : i32
        %mul3A_207 = arith.muli %add3A_203, %mul3A_206 : i32
        %add3A_208 = arith.addi %add3A_205, %mul3A_207 : i32
        %dma_start3A_209 = tpu.memref_slice %arg3[%add3A_208] : memref<640000xi32, #tpu.memory_space<hbm>> -> memref<80xi32, #tpu.memory_space<hbm>>
        %dma_start3A_210 = tpu.memref_slice %arg3[%add3A_208] : memref<640000xi32, #tpu.memory_space<hbm>> -> memref<80xi32, #tpu.memory_space<hbm>>
        tpu.enqueue_dma source(%dma_start3A_210 : memref<80xi32, #tpu.memory_space<hbm>>) target(%arg6 : memref<80xi32, #tpu.memory_space<vmem>>) target_semaphore(%arg15 : memref<!tpu.dma_semaphore, #tpu.memory_space<semaphore_mem>>)
        %add3A_211 = arith.constant 2 : i32
        %add3A_212 = arith.addi %add3A_143, %add3A_211 : i32
        %mul3A_213 = arith.constant 80 : i32
        %mul3A_214 = arith.muli %add3A_212, %mul3A_213 : i32
        %dma_start3A_215 = tpu.memref_slice %arg5[%mul3A_214] : memref<10000xi32, #tpu.memory_space<vmem>> -> memref<80xi32, #tpu.memory_space<vmem>>
        %dma_start3A_216 = arith.constant 0 : i32
        %dma_start3A_217 = arith.constant 0 : i32
        %dma_start3A_218 = tpu.memref_slice %arg2[%dma_start3A_216, %dma_start3A_217] : memref<10000x128xf32, #tpu.memory_space<hbm>> -> memref<10000x128xf32, #tpu.memory_space<hbm>>
        tpu.enqueue_indirect_dma source(%dma_start3A_218 : memref<10000x128xf32, #tpu.memory_space<hbm>>) target(%arg9 : memref<80x128xf32, #tpu.memory_space<vmem>>) offsets(%dma_start3A_215 : memref<80xi32, #tpu.memory_space<vmem>>) semaphore(%arg12 : memref<!tpu.dma_semaphore, #tpu.memory_space<semaphore_mem>>)
      } else {
      }
      %mul3A_170 = arith.constant 3 : i32
      %mul3A_171 = arith.muli %mul3A_170, %scan3A_105 : i32
      %add3A_172 = arith.constant 2 : i32
      %add3A_173 = arith.addi %add3A_172, %mul3A_171 : i32
      %add3A_174 = arith.constant 2 : i32
      %add3A_175 = arith.addi %add3A_173, %add3A_174 : i32
      %add3A_176 = arith.constant 320000 : i32
      %add3A_177 = arith.addi %add3A_176, %mul3A_2 : i32
      %mul3A_178 = arith.constant 80 : i32
      %mul3A_179 = arith.muli %add3A_175, %mul3A_178 : i32
      %add3A_180 = arith.addi %add3A_177, %mul3A_179 : i32
      %dma_wait3A_181 = tpu.memref_slice %arg3[%add3A_180] : memref<640000xi32, #tpu.memory_space<hbm>> -> memref<80xi32, #tpu.memory_space<hbm>>
      %dma_wait3A_182 = tpu.memref_slice %arg3[%add3A_180] : memref<640000xi32, #tpu.memory_space<hbm>> -> memref<80xi32, #tpu.memory_space<hbm>>
      tpu.wait_dma2 semaphore(%arg17 : memref<!tpu.dma_semaphore, #tpu.memory_space<semaphore_mem>>) src(%dma_wait3A_182 : memref<80xi32, #tpu.memory_space<hbm>>) dst(%arg8 : memref<80xi32, #tpu.memory_space<vmem>>)
      %mul3A_183 = arith.constant 80 : i32
      %mul3A_184 = arith.muli %add3A_175, %mul3A_183 : i32
      %dma_wait3A_185 = tpu.memref_slice %arg5[%mul3A_184] : memref<10000xi32, #tpu.memory_space<vmem>> -> memref<80xi32, #tpu.memory_space<vmem>>
      %dma_wait3A_186 = arith.constant 0 : i32
      %dma_wait3A_187 = arith.constant 0 : i32
      %dma_wait3A_188 = tpu.memref_slice %arg2[%dma_wait3A_186, %dma_wait3A_187] : memref<10000x128xf32, #tpu.memory_space<hbm>> -> memref<10000x128xf32, #tpu.memory_space<hbm>>
      tpu.wait_indirect_dma semaphore(%arg14 : memref<!tpu.dma_semaphore, #tpu.memory_space<semaphore_mem>>) src(%dma_wait3A_188 : memref<10000x128xf32, #tpu.memory_space<hbm>>) dst(%arg11 : memref<80x128xf32, #tpu.memory_space<vmem>>)
      %dma_start3A_189 = arith.constant 0 : i32
      %dma_start3A_190 = arith.constant 0 : i32
      %dma_start3A_191 = tpu.memref_slice %arg21[%dma_start3A_189, %dma_start3A_190] : memref<10240x128xf32, #tpu.memory_space<vmem_shared>> -> memref<10240x128xf32, #tpu.memory_space<vmem_shared>>
      tpu.enqueue_indirect_dma source(%arg11 : memref<80x128xf32, #tpu.memory_space<vmem>>) target(%dma_start3A_191 : memref<10240x128xf32, #tpu.memory_space<vmem_shared>>) offsets(%arg8 : memref<80xi32, #tpu.memory_space<vmem>>) semaphore(%arg20 : memref<!tpu.dma_semaphore, #tpu.memory_space<semaphore_mem>>) {add = true}
      %dma_wait3A_192 = arith.constant 0 : i32
      %dma_wait3A_193 = arith.constant 0 : i32
      %dma_wait3A_194 = tpu.memref_slice %arg21[%dma_wait3A_192, %dma_wait3A_193] : memref<10240x128xf32, #tpu.memory_space<vmem_shared>> -> memref<10240x128xf32, #tpu.memory_space<vmem_shared>>
      tpu.wait_indirect_dma semaphore(%arg19 : memref<!tpu.dma_semaphore, #tpu.memory_space<semaphore_mem>>) src(%arg10 : memref<80x128xf32, #tpu.memory_space<vmem>>) dst(%dma_wait3A_194 : memref<10240x128xf32, #tpu.memory_space<vmem_shared>>)
      %add3A_195 = arith.constant 2 : i32
      %add3A_196 = arith.addi %add3A_175, %add3A_195 : i32
      %lt3A_197 = arith.constant 125 : i32
      %lt3A_198 = arith.cmpi slt, %add3A_196, %lt3A_197 : i32
      %convert_element_type3A_199 = arith.extui %lt3A_198 : i1 to i32
      %cond3A_200 = arith.constant 0 : i32
      %cond3A_201 = arith.cmpi ne, %convert_element_type3A_199, %cond3A_200 : i32
      scf.if %cond3A_201 {
        %add3A_202 = arith.constant 2 : i32
        %add3A_203 = arith.addi %add3A_175, %add3A_202 : i32
        %add3A_204 = arith.constant 320000 : i32
        %add3A_205 = arith.addi %add3A_204, %mul3A_2 : i32
        %mul3A_206 = arith.constant 80 : i32
        %mul3A_207 = arith.muli %add3A_203, %mul3A_206 : i32
        %add3A_208 = arith.addi %add3A_205, %mul3A_207 : i32
        %dma_start3A_209 = tpu.memref_slice %arg3[%add3A_208] : memref<640000xi32, #tpu.memory_space<hbm>> -> memref<80xi32, #tpu.memory_space<hbm>>
        %dma_start3A_210 = tpu.memref_slice %arg3[%add3A_208] : memref<640000xi32, #tpu.memory_space<hbm>> -> memref<80xi32, #tpu.memory_space<hbm>>
        tpu.enqueue_dma source(%dma_start3A_210 : memref<80xi32, #tpu.memory_space<hbm>>) target(%arg7 : memref<80xi32, #tpu.memory_space<vmem>>) target_semaphore(%arg16 : memref<!tpu.dma_semaphore, #tpu.memory_space<semaphore_mem>>)
        %add3A_211 = arith.constant 2 : i32
        %add3A_212 = arith.addi %add3A_175, %add3A_211 : i32
        %mul3A_213 = arith.constant 80 : i32
        %mul3A_214 = arith.muli %add3A_212, %mul3A_213 : i32
        %dma_start3A_215 = tpu.memref_slice %arg5[%mul3A_214] : memref<10000xi32, #tpu.memory_space<vmem>> -> memref<80xi32, #tpu.memory_space<vmem>>
        %dma_start3A_216 = arith.constant 0 : i32
        %dma_start3A_217 = arith.constant 0 : i32
        %dma_start3A_218 = tpu.memref_slice %arg2[%dma_start3A_216, %dma_start3A_217] : memref<10000x128xf32, #tpu.memory_space<hbm>> -> memref<10000x128xf32, #tpu.memory_space<hbm>>
        tpu.enqueue_indirect_dma source(%dma_start3A_218 : memref<10000x128xf32, #tpu.memory_space<hbm>>) target(%arg10 : memref<80x128xf32, #tpu.memory_space<vmem>>) offsets(%dma_start3A_215 : memref<80xi32, #tpu.memory_space<vmem>>) semaphore(%arg13 : memref<!tpu.dma_semaphore, #tpu.memory_space<semaphore_mem>>)
      } else {
      }
    }
    %scan3A_96 = arith.constant 41 : i32
    %dma_wait3A_97 = arith.constant 0 : i32
    %dma_wait3A_98 = arith.constant 0 : i32
    %dma_wait3A_99 = tpu.memref_slice %arg21[%dma_wait3A_97, %dma_wait3A_98] : memref<10240x128xf32, #tpu.memory_space<vmem_shared>> -> memref<10240x128xf32, #tpu.memory_space<vmem_shared>>
    tpu.wait_indirect_dma semaphore(%arg20 : memref<!tpu.dma_semaphore, #tpu.memory_space<semaphore_mem>>) src(%arg11 : memref<80x128xf32, #tpu.memory_space<vmem>>) dst(%dma_wait3A_99 : memref<10240x128xf32, #tpu.memory_space<vmem_shared>>)
    %barrier3A_100 = arith.constant 0 : index
    tpu.barrier barrier_id(%barrier3A_100)
    %mul3A_101 = arith.constant 640 : i32
    %mul3A_102 = arith.muli %arg1, %mul3A_101 : i32
    %mul3A_103 = arith.constant 640 : i32
    %mul3A_104 = arith.muli %arg1, %mul3A_103 : i32
    "tpu.region"() ({
      %run_scoped3A = tpu.sem_alloc : memref<!tpu.dma_semaphore, #tpu.memory_space<semaphore_mem>>
      %dma_start3A_105 = arith.constant 0 : i32
      %dma_start3A_106 = tpu.memref_slice %arg4[%arg0, %mul3A_104, %dma_start3A_105] : memref<2x10240x128xf32, #tpu.memory_space<hbm>> -> memref<1x640x128xf32, #tpu.memory_space<hbm>>
      %dma_start3A_107 = tpu.memref_squeeze %dma_start3A_106 : memref<1x640x128xf32, #tpu.memory_space<hbm>> -> memref<640x128xf32, #tpu.memory_space<hbm>>
      %dma_start3A_108 = arith.constant 0 : i32
      %dma_start3A_109 = tpu.memref_slice %arg21[%mul3A_102, %dma_start3A_108] : memref<10240x128xf32, #tpu.memory_space<vmem_shared>> -> memref<640x128xf32, #tpu.memory_space<vmem_shared>>
      tpu.enqueue_dma source(%dma_start3A_109 : memref<640x128xf32, #tpu.memory_space<vmem_shared>>) target(%dma_start3A_107 : memref<640x128xf32, #tpu.memory_space<hbm>>) target_semaphore(%run_scoped3A : memref<!tpu.dma_semaphore, #tpu.memory_space<semaphore_mem>>)
      %dma_wait3A_110 = arith.constant 0 : i32
      %dma_wait3A_111 = tpu.memref_slice %arg4[%arg0, %mul3A_104, %dma_wait3A_110] : memref<2x10240x128xf32, #tpu.memory_space<hbm>> -> memref<1x640x128xf32, #tpu.memory_space<hbm>>
      %dma_wait3A_112 = tpu.memref_squeeze %dma_wait3A_111 : memref<1x640x128xf32, #tpu.memory_space<hbm>> -> memref<640x128xf32, #tpu.memory_space<hbm>>
      %dma_wait3A_113 = arith.constant 0 : i32
      %dma_wait3A_114 = tpu.memref_slice %arg21[%mul3A_102, %dma_wait3A_113] : memref<10240x128xf32, #tpu.memory_space<vmem_shared>> -> memref<640x128xf32, #tpu.memory_space<vmem_shared>>
      tpu.wait_dma2 semaphore(%run_scoped3A : memref<!tpu.dma_semaphore, #tpu.memory_space<semaphore_mem>>) src(%dma_wait3A_114 : memref<640x128xf32, #tpu.memory_space<vmem_shared>>) dst(%dma_wait3A_112 : memref<640x128xf32, #tpu.memory_space<hbm>>)
      tpu.yield
    }) : () -> ()
    return
  }
}

#map = affine_map<(d0, d1) -> (0)>
#map1 = affine_map<(d0, d1) -> (0, 0)>
module attributes {stable_mosaic.version = 14 : i64} {
  func.func @k(%arg0: i32, %arg1: i32, %arg2: memref<640000xi32, #tpu.memory_space<hbm>>, %arg3: memref<2x10240xf32, #tpu.memory_space<hbm>>, %arg4: memref<10000xi32, #tpu.memory_space<vmem>>, %arg5: memref<80xf32, #tpu.memory_space<vmem>>, %arg6: memref<640xf32, #tpu.memory_space<vmem>>, %arg7: memref<10240xf32, #tpu.memory_space<vmem_shared>>, %arg8: memref<!tpu.dma_semaphore, #tpu.memory_space<semaphore_mem>>) attributes {dimension_semantics = [#tpu.dimension_semantics<core_parallel>, #tpu.dimension_semantics<subcore_parallel>], iteration_bounds = array<i64: 2, 16>, scalar_prefetch = 0 : i64, scratch_operands = 5 : i64, tpu.core_type = #tpu.core_type<sc_vector_subcore>, window_params = [{transform_indices = #map}, {transform_indices = #map1}]} {
    %mul3A = arith.constant 2 : i32
    %mul3A_0 = arith.muli %arg1, %mul3A : i32
    %add3A = arith.addi %mul3A_0, %arg0 : i32
    %mul3A_1 = arith.constant 10000 : i32
    %mul3A_2 = arith.muli %add3A, %mul3A_1 : i32
    %broadcast_in_dim3A = arith.constant 1.000000e+00 : f32
    %broadcast_in_dim3A_3 = vector.broadcast %broadcast_in_dim3A : f32 to vector<16xf32>
    %swap3A = arith.constant 0 : index
    %swap3A_4 = tpu.vector_load %arg5[%swap3A] {strides = array<i32>} : memref<80xf32, #tpu.memory_space<vmem>>, vector<16xf32>,
    %swap3A_5 = vector.shape_cast %swap3A_4 : vector<16xf32> to vector<16xf32>
    %swap3A_6 = vector.shape_cast %broadcast_in_dim3A_3 : vector<16xf32> to vector<16xf32>
    tpu.vector_store %arg5[%swap3A], %swap3A_6 {strides = array<i32>} : memref<80xf32, #tpu.memory_space<vmem>>, vector<16xf32>,
    %broadcast_in_dim3A_7 = arith.constant 1.000000e+00 : f32
    %broadcast_in_dim3A_8 = vector.broadcast %broadcast_in_dim3A_7 : f32 to vector<16xf32>
    %swap3A_9 = arith.constant 16 : index
    %swap3A_10 = tpu.vector_load %arg5[%swap3A_9] {strides = array<i32>} : memref<80xf32, #tpu.memory_space<vmem>>, vector<16xf32>,
    %swap3A_11 = vector.shape_cast %swap3A_10 : vector<16xf32> to vector<16xf32>
    %swap3A_12 = vector.shape_cast %broadcast_in_dim3A_8 : vector<16xf32> to vector<16xf32>
    tpu.vector_store %arg5[%swap3A_9], %swap3A_12 {strides = array<i32>} : memref<80xf32, #tpu.memory_space<vmem>>, vector<16xf32>,
    %broadcast_in_dim3A_13 = arith.constant 1.000000e+00 : f32
    %broadcast_in_dim3A_14 = vector.broadcast %broadcast_in_dim3A_13 : f32 to vector<16xf32>
    %swap3A_15 = arith.constant 32 : index
    %swap3A_16 = tpu.vector_load %arg5[%swap3A_15] {strides = array<i32>} : memref<80xf32, #tpu.memory_space<vmem>>, vector<16xf32>,
    %swap3A_17 = vector.shape_cast %swap3A_16 : vector<16xf32> to vector<16xf32>
    %swap3A_18 = vector.shape_cast %broadcast_in_dim3A_14 : vector<16xf32> to vector<16xf32>
    tpu.vector_store %arg5[%swap3A_15], %swap3A_18 {strides = array<i32>} : memref<80xf32, #tpu.memory_space<vmem>>, vector<16xf32>,
    %broadcast_in_dim3A_19 = arith.constant 1.000000e+00 : f32
    %broadcast_in_dim3A_20 = vector.broadcast %broadcast_in_dim3A_19 : f32 to vector<16xf32>
    %swap3A_21 = arith.constant 48 : index
    %swap3A_22 = tpu.vector_load %arg5[%swap3A_21] {strides = array<i32>} : memref<80xf32, #tpu.memory_space<vmem>>, vector<16xf32>,
    %swap3A_23 = vector.shape_cast %swap3A_22 : vector<16xf32> to vector<16xf32>
    %swap3A_24 = vector.shape_cast %broadcast_in_dim3A_20 : vector<16xf32> to vector<16xf32>
    tpu.vector_store %arg5[%swap3A_21], %swap3A_24 {strides = array<i32>} : memref<80xf32, #tpu.memory_space<vmem>>, vector<16xf32>,
    %broadcast_in_dim3A_25 = arith.constant 1.000000e+00 : f32
    %broadcast_in_dim3A_26 = vector.broadcast %broadcast_in_dim3A_25 : f32 to vector<16xf32>
    %swap3A_27 = arith.constant 64 : index
    %swap3A_28 = tpu.vector_load %arg5[%swap3A_27] {strides = array<i32>} : memref<80xf32, #tpu.memory_space<vmem>>, vector<16xf32>,
    %swap3A_29 = vector.shape_cast %swap3A_28 : vector<16xf32> to vector<16xf32>
    %swap3A_30 = vector.shape_cast %broadcast_in_dim3A_26 : vector<16xf32> to vector<16xf32>
    tpu.vector_store %arg5[%swap3A_27], %swap3A_30 {strides = array<i32>} : memref<80xf32, #tpu.memory_space<vmem>>, vector<16xf32>,
    %scan3A = arith.constant 0 : i32
    %scan3A_31 = arith.constant 0 : i32
    %scan3A_32 = arith.constant 40 : i32
    %scan3A_33 = arith.addi %scan3A_31, %scan3A_32 : i32
    %scan3A_34 = arith.constant 1 : i32
    scf.for %scan3A_51 = %scan3A_31 to %scan3A_33 step %scan3A_34  : i32 {
      %broadcast_in_dim3A_52 = arith.constant 0.000000e+00 : f32
      %broadcast_in_dim3A_53 = vector.broadcast %broadcast_in_dim3A_52 : f32 to vector<16xf32>
      %mul3A_54 = arith.constant 16 : i32
      %mul3A_55 = arith.muli %scan3A_51, %mul3A_54 : i32
      %swap3A_56 = arith.index_cast %mul3A_55 : i32 to index
      %swap3A_57 = tpu.vector_load %arg6[%swap3A_56] {strides = array<i32>} : memref<640xf32, #tpu.memory_space<vmem>>, vector<16xf32>,
      %swap3A_58 = vector.shape_cast %swap3A_57 : vector<16xf32> to vector<16xf32>
      %swap3A_59 = vector.shape_cast %broadcast_in_dim3A_53 : vector<16xf32> to vector<16xf32>
      tpu.vector_store %arg6[%swap3A_56], %swap3A_59 {strides = array<i32>} : memref<640xf32, #tpu.memory_space<vmem>>, vector<16xf32>,
    }
    %scan3A_35 = arith.constant 40 : i32
    %add3A_36 = arith.constant 320000 : i32
    %add3A_37 = arith.addi %add3A_36, %mul3A_2 : i32
    "tpu.region"() ({
      %run_scoped3A = tpu.sem_alloc : memref<!tpu.dma_semaphore, #tpu.memory_space<semaphore_mem>>
      %dma_start3A = tpu.memref_slice %arg2[%add3A_37] : memref<640000xi32, #tpu.memory_space<hbm>> -> memref<10000xi32, #tpu.memory_space<hbm>>
      %dma_start3A_51 = tpu.memref_slice %arg2[%add3A_37] : memref<640000xi32, #tpu.memory_space<hbm>> -> memref<10000xi32, #tpu.memory_space<hbm>>
      tpu.enqueue_dma source(%dma_start3A_51 : memref<10000xi32, #tpu.memory_space<hbm>>) target(%arg4 : memref<10000xi32, #tpu.memory_space<vmem>>) target_semaphore(%run_scoped3A : memref<!tpu.dma_semaphore, #tpu.memory_space<semaphore_mem>>)
      %dma_wait3A = tpu.memref_slice %arg2[%add3A_37] : memref<640000xi32, #tpu.memory_space<hbm>> -> memref<10000xi32, #tpu.memory_space<hbm>>
      %dma_wait3A_52 = tpu.memref_slice %arg2[%add3A_37] : memref<640000xi32, #tpu.memory_space<hbm>> -> memref<10000xi32, #tpu.memory_space<hbm>>
      tpu.wait_dma2 semaphore(%run_scoped3A : memref<!tpu.dma_semaphore, #tpu.memory_space<semaphore_mem>>) src(%dma_wait3A_52 : memref<10000xi32, #tpu.memory_space<hbm>>) dst(%arg4 : memref<10000xi32, #tpu.memory_space<vmem>>)
      tpu.yield
    }) : () -> ()
    %mul3A_38 = arith.constant 640 : i32
    %mul3A_39 = arith.muli %arg1, %mul3A_38 : i32
    "tpu.region"() ({
      %run_scoped3A = tpu.sem_alloc : memref<!tpu.dma_semaphore, #tpu.memory_space<semaphore_mem>>
      %dma_start3A = tpu.memref_slice %arg7[%mul3A_39] : memref<10240xf32, #tpu.memory_space<vmem_shared>> -> memref<640xf32, #tpu.memory_space<vmem_shared>>
      %dma_start3A_51 = tpu.memref_slice %arg7[%mul3A_39] : memref<10240xf32, #tpu.memory_space<vmem_shared>> -> memref<640xf32, #tpu.memory_space<vmem_shared>>
      tpu.enqueue_dma source(%arg6 : memref<640xf32, #tpu.memory_space<vmem>>) target(%dma_start3A_51 : memref<640xf32, #tpu.memory_space<vmem_shared>>) target_semaphore(%run_scoped3A : memref<!tpu.dma_semaphore, #tpu.memory_space<semaphore_mem>>)
      %dma_wait3A = tpu.memref_slice %arg7[%mul3A_39] : memref<10240xf32, #tpu.memory_space<vmem_shared>> -> memref<640xf32, #tpu.memory_space<vmem_shared>>
      %dma_wait3A_52 = tpu.memref_slice %arg7[%mul3A_39] : memref<10240xf32, #tpu.memory_space<vmem_shared>> -> memref<640xf32, #tpu.memory_space<vmem_shared>>
      tpu.wait_dma2 semaphore(%run_scoped3A : memref<!tpu.dma_semaphore, #tpu.memory_space<semaphore_mem>>) src(%arg6 : memref<640xf32, #tpu.memory_space<vmem>>) dst(%dma_wait3A_52 : memref<640xf32, #tpu.memory_space<vmem_shared>>)
      tpu.yield
    }) : () -> ()
    %barrier3A = arith.constant 0 : index
    tpu.barrier barrier_id(%barrier3A)
    %scan3A_40 = arith.constant 0 : i32
    %scan3A_41 = arith.constant 0 : i32
    %scan3A_42 = arith.constant 25 : i32
    %scan3A_43 = arith.addi %scan3A_41, %scan3A_42 : i32
    %scan3A_44 = arith.constant 1 : i32
    scf.for %scan3A_51 = %scan3A_41 to %scan3A_43 step %scan3A_44  : i32 {
      %mul3A_52 = arith.constant 5 : i32
      %mul3A_53 = arith.muli %scan3A_51, %mul3A_52 : i32
      %add3A_54 = arith.constant 0 : i32
      %add3A_55 = arith.addi %mul3A_53, %add3A_54 : i32
      %mul3A_56 = arith.constant 80 : i32
      %mul3A_57 = arith.muli %add3A_55, %mul3A_56 : i32
      %dma_start3A = tpu.memref_slice %arg4[%mul3A_57] : memref<10000xi32, #tpu.memory_space<vmem>> -> memref<80xi32, #tpu.memory_space<vmem>>
      %dma_start3A_58 = arith.constant 0 : i32
      %dma_start3A_59 = tpu.memref_slice %arg7[%dma_start3A_58] : memref<10240xf32, #tpu.memory_space<vmem_shared>> -> memref<10240xf32, #tpu.memory_space<vmem_shared>>
      tpu.enqueue_indirect_dma source(%arg5 : memref<80xf32, #tpu.memory_space<vmem>>) target(%dma_start3A_59 : memref<10240xf32, #tpu.memory_space<vmem_shared>>) offsets(%dma_start3A : memref<80xi32, #tpu.memory_space<vmem>>) semaphore(%arg8 : memref<!tpu.dma_semaphore, #tpu.memory_space<semaphore_mem>>) {add = true}
      %mul3A_60 = arith.constant 5 : i32
      %mul3A_61 = arith.muli %scan3A_51, %mul3A_60 : i32
      %add3A_62 = arith.constant 1 : i32
      %add3A_63 = arith.addi %mul3A_61, %add3A_62 : i32
      %mul3A_64 = arith.constant 80 : i32
      %mul3A_65 = arith.muli %add3A_63, %mul3A_64 : i32
      %dma_start3A_66 = tpu.memref_slice %arg4[%mul3A_65] : memref<10000xi32, #tpu.memory_space<vmem>> -> memref<80xi32, #tpu.memory_space<vmem>>
      %dma_start3A_67 = arith.constant 0 : i32
      %dma_start3A_68 = tpu.memref_slice %arg7[%dma_start3A_67] : memref<10240xf32, #tpu.memory_space<vmem_shared>> -> memref<10240xf32, #tpu.memory_space<vmem_shared>>
      tpu.enqueue_indirect_dma source(%arg5 : memref<80xf32, #tpu.memory_space<vmem>>) target(%dma_start3A_68 : memref<10240xf32, #tpu.memory_space<vmem_shared>>) offsets(%dma_start3A_66 : memref<80xi32, #tpu.memory_space<vmem>>) semaphore(%arg8 : memref<!tpu.dma_semaphore, #tpu.memory_space<semaphore_mem>>) {add = true}
      %mul3A_69 = arith.constant 5 : i32
      %mul3A_70 = arith.muli %scan3A_51, %mul3A_69 : i32
      %add3A_71 = arith.constant 2 : i32
      %add3A_72 = arith.addi %mul3A_70, %add3A_71 : i32
      %mul3A_73 = arith.constant 80 : i32
      %mul3A_74 = arith.muli %add3A_72, %mul3A_73 : i32
      %dma_start3A_75 = tpu.memref_slice %arg4[%mul3A_74] : memref<10000xi32, #tpu.memory_space<vmem>> -> memref<80xi32, #tpu.memory_space<vmem>>
      %dma_start3A_76 = arith.constant 0 : i32
      %dma_start3A_77 = tpu.memref_slice %arg7[%dma_start3A_76] : memref<10240xf32, #tpu.memory_space<vmem_shared>> -> memref<10240xf32, #tpu.memory_space<vmem_shared>>
      tpu.enqueue_indirect_dma source(%arg5 : memref<80xf32, #tpu.memory_space<vmem>>) target(%dma_start3A_77 : memref<10240xf32, #tpu.memory_space<vmem_shared>>) offsets(%dma_start3A_75 : memref<80xi32, #tpu.memory_space<vmem>>) semaphore(%arg8 : memref<!tpu.dma_semaphore, #tpu.memory_space<semaphore_mem>>) {add = true}
      %mul3A_78 = arith.constant 5 : i32
      %mul3A_79 = arith.muli %scan3A_51, %mul3A_78 : i32
      %add3A_80 = arith.constant 3 : i32
      %add3A_81 = arith.addi %mul3A_79, %add3A_80 : i32
      %mul3A_82 = arith.constant 80 : i32
      %mul3A_83 = arith.muli %add3A_81, %mul3A_82 : i32
      %dma_start3A_84 = tpu.memref_slice %arg4[%mul3A_83] : memref<10000xi32, #tpu.memory_space<vmem>> -> memref<80xi32, #tpu.memory_space<vmem>>
      %dma_start3A_85 = arith.constant 0 : i32
      %dma_start3A_86 = tpu.memref_slice %arg7[%dma_start3A_85] : memref<10240xf32, #tpu.memory_space<vmem_shared>> -> memref<10240xf32, #tpu.memory_space<vmem_shared>>
      tpu.enqueue_indirect_dma source(%arg5 : memref<80xf32, #tpu.memory_space<vmem>>) target(%dma_start3A_86 : memref<10240xf32, #tpu.memory_space<vmem_shared>>) offsets(%dma_start3A_84 : memref<80xi32, #tpu.memory_space<vmem>>) semaphore(%arg8 : memref<!tpu.dma_semaphore, #tpu.memory_space<semaphore_mem>>) {add = true}
      %mul3A_87 = arith.constant 5 : i32
      %mul3A_88 = arith.muli %scan3A_51, %mul3A_87 : i32
      %add3A_89 = arith.constant 4 : i32
      %add3A_90 = arith.addi %mul3A_88, %add3A_89 : i32
      %mul3A_91 = arith.constant 80 : i32
      %mul3A_92 = arith.muli %add3A_90, %mul3A_91 : i32
      %dma_start3A_93 = tpu.memref_slice %arg4[%mul3A_92] : memref<10000xi32, #tpu.memory_space<vmem>> -> memref<80xi32, #tpu.memory_space<vmem>>
      %dma_start3A_94 = arith.constant 0 : i32
      %dma_start3A_95 = tpu.memref_slice %arg7[%dma_start3A_94] : memref<10240xf32, #tpu.memory_space<vmem_shared>> -> memref<10240xf32, #tpu.memory_space<vmem_shared>>
      tpu.enqueue_indirect_dma source(%arg5 : memref<80xf32, #tpu.memory_space<vmem>>) target(%dma_start3A_95 : memref<10240xf32, #tpu.memory_space<vmem_shared>>) offsets(%dma_start3A_93 : memref<80xi32, #tpu.memory_space<vmem>>) semaphore(%arg8 : memref<!tpu.dma_semaphore, #tpu.memory_space<semaphore_mem>>) {add = true}
      %mul3A_96 = arith.constant 5 : i32
      %mul3A_97 = arith.muli %scan3A_51, %mul3A_96 : i32
      %add3A_98 = arith.constant 0 : i32
      %add3A_99 = arith.addi %mul3A_97, %add3A_98 : i32
      %mul3A_100 = arith.constant 80 : i32
      %mul3A_101 = arith.muli %add3A_99, %mul3A_100 : i32
      %dma_wait3A = tpu.memref_slice %arg4[%mul3A_101] : memref<10000xi32, #tpu.memory_space<vmem>> -> memref<80xi32, #tpu.memory_space<vmem>>
      %dma_wait3A_102 = arith.constant 0 : i32
      %dma_wait3A_103 = tpu.memref_slice %arg7[%dma_wait3A_102] : memref<10240xf32, #tpu.memory_space<vmem_shared>> -> memref<10240xf32, #tpu.memory_space<vmem_shared>>
      tpu.wait_indirect_dma semaphore(%arg8 : memref<!tpu.dma_semaphore, #tpu.memory_space<semaphore_mem>>) src(%arg5 : memref<80xf32, #tpu.memory_space<vmem>>) dst(%dma_wait3A_103 : memref<10240xf32, #tpu.memory_space<vmem_shared>>)
      %mul3A_104 = arith.constant 5 : i32
      %mul3A_105 = arith.muli %scan3A_51, %mul3A_104 : i32
      %add3A_106 = arith.constant 1 : i32
      %add3A_107 = arith.addi %mul3A_105, %add3A_106 : i32
      %mul3A_108 = arith.constant 80 : i32
      %mul3A_109 = arith.muli %add3A_107, %mul3A_108 : i32
      %dma_wait3A_110 = tpu.memref_slice %arg4[%mul3A_109] : memref<10000xi32, #tpu.memory_space<vmem>> -> memref<80xi32, #tpu.memory_space<vmem>>
      %dma_wait3A_111 = arith.constant 0 : i32
      %dma_wait3A_112 = tpu.memref_slice %arg7[%dma_wait3A_111] : memref<10240xf32, #tpu.memory_space<vmem_shared>> -> memref<10240xf32, #tpu.memory_space<vmem_shared>>
      tpu.wait_indirect_dma semaphore(%arg8 : memref<!tpu.dma_semaphore, #tpu.memory_space<semaphore_mem>>) src(%arg5 : memref<80xf32, #tpu.memory_space<vmem>>) dst(%dma_wait3A_112 : memref<10240xf32, #tpu.memory_space<vmem_shared>>)
      %mul3A_113 = arith.constant 5 : i32
      %mul3A_114 = arith.muli %scan3A_51, %mul3A_113 : i32
      %add3A_115 = arith.constant 2 : i32
      %add3A_116 = arith.addi %mul3A_114, %add3A_115 : i32
      %mul3A_117 = arith.constant 80 : i32
      %mul3A_118 = arith.muli %add3A_116, %mul3A_117 : i32
      %dma_wait3A_119 = tpu.memref_slice %arg4[%mul3A_118] : memref<10000xi32, #tpu.memory_space<vmem>> -> memref<80xi32, #tpu.memory_space<vmem>>
      %dma_wait3A_120 = arith.constant 0 : i32
      %dma_wait3A_121 = tpu.memref_slice %arg7[%dma_wait3A_120] : memref<10240xf32, #tpu.memory_space<vmem_shared>> -> memref<10240xf32, #tpu.memory_space<vmem_shared>>
      tpu.wait_indirect_dma semaphore(%arg8 : memref<!tpu.dma_semaphore, #tpu.memory_space<semaphore_mem>>) src(%arg5 : memref<80xf32, #tpu.memory_space<vmem>>) dst(%dma_wait3A_121 : memref<10240xf32, #tpu.memory_space<vmem_shared>>)
      %mul3A_122 = arith.constant 5 : i32
      %mul3A_123 = arith.muli %scan3A_51, %mul3A_122 : i32
      %add3A_124 = arith.constant 3 : i32
      %add3A_125 = arith.addi %mul3A_123, %add3A_124 : i32
      %mul3A_126 = arith.constant 80 : i32
      %mul3A_127 = arith.muli %add3A_125, %mul3A_126 : i32
      %dma_wait3A_128 = tpu.memref_slice %arg4[%mul3A_127] : memref<10000xi32, #tpu.memory_space<vmem>> -> memref<80xi32, #tpu.memory_space<vmem>>
      %dma_wait3A_129 = arith.constant 0 : i32
      %dma_wait3A_130 = tpu.memref_slice %arg7[%dma_wait3A_129] : memref<10240xf32, #tpu.memory_space<vmem_shared>> -> memref<10240xf32, #tpu.memory_space<vmem_shared>>
      tpu.wait_indirect_dma semaphore(%arg8 : memref<!tpu.dma_semaphore, #tpu.memory_space<semaphore_mem>>) src(%arg5 : memref<80xf32, #tpu.memory_space<vmem>>) dst(%dma_wait3A_130 : memref<10240xf32, #tpu.memory_space<vmem_shared>>)
      %mul3A_131 = arith.constant 5 : i32
      %mul3A_132 = arith.muli %scan3A_51, %mul3A_131 : i32
      %add3A_133 = arith.constant 4 : i32
      %add3A_134 = arith.addi %mul3A_132, %add3A_133 : i32
      %mul3A_135 = arith.constant 80 : i32
      %mul3A_136 = arith.muli %add3A_134, %mul3A_135 : i32
      %dma_wait3A_137 = tpu.memref_slice %arg4[%mul3A_136] : memref<10000xi32, #tpu.memory_space<vmem>> -> memref<80xi32, #tpu.memory_space<vmem>>
      %dma_wait3A_138 = arith.constant 0 : i32
      %dma_wait3A_139 = tpu.memref_slice %arg7[%dma_wait3A_138] : memref<10240xf32, #tpu.memory_space<vmem_shared>> -> memref<10240xf32, #tpu.memory_space<vmem_shared>>
      tpu.wait_indirect_dma semaphore(%arg8 : memref<!tpu.dma_semaphore, #tpu.memory_space<semaphore_mem>>) src(%arg5 : memref<80xf32, #tpu.memory_space<vmem>>) dst(%dma_wait3A_139 : memref<10240xf32, #tpu.memory_space<vmem_shared>>)
    }
    %scan3A_45 = arith.constant 25 : i32
    %barrier3A_46 = arith.constant 0 : index
    tpu.barrier barrier_id(%barrier3A_46)
    %mul3A_47 = arith.constant 640 : i32
    %mul3A_48 = arith.muli %arg1, %mul3A_47 : i32
    %mul3A_49 = arith.constant 640 : i32
    %mul3A_50 = arith.muli %arg1, %mul3A_49 : i32
    "tpu.region"() ({
      %run_scoped3A = tpu.sem_alloc : memref<!tpu.dma_semaphore, #tpu.memory_space<semaphore_mem>>
      %dma_start3A = tpu.memref_slice %arg3[%arg0, %mul3A_50] : memref<2x10240xf32, #tpu.memory_space<hbm>> -> memref<1x640xf32, #tpu.memory_space<hbm>>
      %dma_start3A_51 = tpu.memref_squeeze %dma_start3A : memref<1x640xf32, #tpu.memory_space<hbm>> -> memref<640xf32, #tpu.memory_space<hbm>>
      %dma_start3A_52 = tpu.memref_slice %arg7[%mul3A_48] : memref<10240xf32, #tpu.memory_space<vmem_shared>> -> memref<640xf32, #tpu.memory_space<vmem_shared>>
      tpu.enqueue_dma source(%dma_start3A_52 : memref<640xf32, #tpu.memory_space<vmem_shared>>) target(%dma_start3A_51 : memref<640xf32, #tpu.memory_space<hbm>>) target_semaphore(%run_scoped3A : memref<!tpu.dma_semaphore, #tpu.memory_space<semaphore_mem>>)
      %dma_wait3A = tpu.memref_slice %arg3[%arg0, %mul3A_50] : memref<2x10240xf32, #tpu.memory_space<hbm>> -> memref<1x640xf32, #tpu.memory_space<hbm>>
      %dma_wait3A_53 = tpu.memref_squeeze %dma_wait3A : memref<1x640xf32, #tpu.memory_space<hbm>> -> memref<640xf32, #tpu.memory_space<hbm>>
      %dma_wait3A_54 = tpu.memref_slice %arg7[%mul3A_48] : memref<10240xf32, #tpu.memory_space<vmem_shared>> -> memref<640xf32, #tpu.memory_space<vmem_shared>>
      tpu.wait_dma2 semaphore(%run_scoped3A : memref<!tpu.dma_semaphore, #tpu.memory_space<semaphore_mem>>) src(%dma_wait3A_54 : memref<640xf32, #tpu.memory_space<vmem_shared>>) dst(%dma_wait3A_53 : memref<640xf32, #tpu.memory_space<hbm>>)
      tpu.yield
    }) : () -> ()
    return
  }
}

#map = affine_map<(d0, d1) -> (0, 0)>
#map1 = affine_map<(d0, d1) -> (0)>
#map2 = affine_map<(d0, d1) -> (0, 0, 0)>
module attributes {stable_mosaic.version = 14 : i64} {
  func.func @k(%arg0: i32, %arg1: i32, %arg2: memref<10000x128xf32, #tpu.memory_space<hbm>>, %arg3: memref<640000xi32, #tpu.memory_space<hbm>>, %arg4: memref<2x10240x128xf32, #tpu.memory_space<hbm>>, %arg5: memref<10000xi32, #tpu.memory_space<vmem>>, %arg6: memref<80xi32, #tpu.memory_space<vmem>>, %arg7: memref<80xi32, #tpu.memory_space<vmem>>, %arg8: memref<80xi32, #tpu.memory_space<vmem>>, %arg9: memref<80x128xf32, #tpu.memory_space<vmem>>, %arg10: memref<80x128xf32, #tpu.memory_space<vmem>>, %arg11: memref<80x128xf32, #tpu.memory_space<vmem>>, %arg12: memref<!tpu.dma_semaphore, #tpu.memory_space<semaphore_mem>>, %arg13: memref<!tpu.dma_semaphore, #tpu.memory_space<semaphore_mem>>, %arg14: memref<!tpu.dma_semaphore, #tpu.memory_space<semaphore_mem>>, %arg15: memref<!tpu.dma_semaphore, #tpu.memory_space<semaphore_mem>>, %arg16: memref<!tpu.dma_semaphore, #tpu.memory_space<semaphore_mem>>, %arg17: memref<!tpu.dma_semaphore, #tpu.memory_space<semaphore_mem>>, %arg18: memref<!tpu.dma_semaphore, #tpu.memory_space<semaphore_mem>>, %arg19: memref<!tpu.dma_semaphore, #tpu.memory_space<semaphore_mem>>, %arg20: memref<!tpu.dma_semaphore, #tpu.memory_space<semaphore_mem>>, %arg21: memref<10240x128xf32, #tpu.memory_space<vmem_shared>>) attributes {dimension_semantics = [#tpu.dimension_semantics<core_parallel>, #tpu.dimension_semantics<subcore_parallel>], iteration_bounds = array<i64: 2, 16>, scalar_prefetch = 0 : i64, scratch_operands = 17 : i64, tpu.core_type = #tpu.core_type<sc_vector_subcore>, window_params = [{transform_indices = #map}, {transform_indices = #map1}, {transform_indices = #map2}]} {
    %mul3A = arith.constant 2 : i32
    %mul3A_0 = arith.muli %arg1, %mul3A : i32
    %add3A = arith.addi %mul3A_0, %arg0 : i32
    %mul3A_1 = arith.constant 10000 : i32
    %mul3A_2 = arith.muli %add3A, %mul3A_1 : i32
    "tpu.region"() ({
      %run_scoped3A = tpu.sem_alloc : memref<!tpu.dma_semaphore, #tpu.memory_space<semaphore_mem>>
      %dma_start3A_105 = tpu.memref_slice %arg3[%mul3A_2] : memref<640000xi32, #tpu.memory_space<hbm>> -> memref<10000xi32, #tpu.memory_space<hbm>>
      %dma_start3A_106 = tpu.memref_slice %arg3[%mul3A_2] : memref<640000xi32, #tpu.memory_space<hbm>> -> memref<10000xi32, #tpu.memory_space<hbm>>
      tpu.enqueue_dma source(%dma_start3A_106 : memref<10000xi32, #tpu.memory_space<hbm>>) target(%arg5 : memref<10000xi32, #tpu.memory_space<vmem>>) target_semaphore(%run_scoped3A : memref<!tpu.dma_semaphore, #tpu.memory_space<semaphore_mem>>)
      %dma_wait3A_107 = tpu.memref_slice %arg3[%mul3A_2] : memref<640000xi32, #tpu.memory_space<hbm>> -> memref<10000xi32, #tpu.memory_space<hbm>>
      %dma_wait3A_108 = tpu.memref_slice %arg3[%mul3A_2] : memref<640000xi32, #tpu.memory_space<hbm>> -> memref<10000xi32, #tpu.memory_space<hbm>>
      tpu.wait_dma2 semaphore(%run_scoped3A : memref<!tpu.dma_semaphore, #tpu.memory_space<semaphore_mem>>) src(%dma_wait3A_108 : memref<10000xi32, #tpu.memory_space<hbm>>) dst(%arg5 : memref<10000xi32, #tpu.memory_space<vmem>>)
      tpu.yield
    }) : () -> ()
    %scan3A = arith.constant 0 : i32
    %scan3A_3 = arith.constant 0 : i32
    %scan3A_4 = arith.constant 80 : i32
    %scan3A_5 = arith.addi %scan3A_3, %scan3A_4 : i32
    %scan3A_6 = arith.constant 1 : i32
    scf.for %scan3A_105 = %scan3A_3 to %scan3A_5 step %scan3A_6  : i32 {
      %broadcast_in_dim3A = arith.constant 0.000000e+00 : f32
      %broadcast_in_dim3A_106 = vector.broadcast %broadcast_in_dim3A : f32 to vector<16xf32>
      %swap3A = arith.index_cast %scan3A_105 : i32 to index
      %swap3A_107 = arith.constant 0 : index
      %swap3A_108 = tpu.vector_load %arg9[%swap3A, %swap3A_107] {strides = array<i32>} : memref<80x128xf32, #tpu.memory_space<vmem>>, vector<1x16xf32>,
      %swap3A_109 = vector.shape_cast %swap3A_108 : vector<1x16xf32> to vector<16xf32>
      %swap3A_110 = vector.shape_cast %broadcast_in_dim3A_106 : vector<16xf32> to vector<1x16xf32>
      tpu.vector_store %arg9[%swap3A, %swap3A_107], %swap3A_110 {strides = array<i32>} : memref<80x128xf32, #tpu.memory_space<vmem>>, vector<1x16xf32>,
      %broadcast_in_dim3A_111 = arith.constant 0.000000e+00 : f32
      %broadcast_in_dim3A_112 = vector.broadcast %broadcast_in_dim3A_111 : f32 to vector<16xf32>
      %swap3A_113 = arith.index_cast %scan3A_105 : i32 to index
      %swap3A_114 = arith.constant 16 : index
      %swap3A_115 = tpu.vector_load %arg9[%swap3A_113, %swap3A_114] {strides = array<i32>} : memref<80x128xf32, #tpu.memory_space<vmem>>, vector<1x16xf32>,
      %swap3A_116 = vector.shape_cast %swap3A_115 : vector<1x16xf32> to vector<16xf32>
      %swap3A_117 = vector.shape_cast %broadcast_in_dim3A_112 : vector<16xf32> to vector<1x16xf32>
      tpu.vector_store %arg9[%swap3A_113, %swap3A_114], %swap3A_117 {strides = array<i32>} : memref<80x128xf32, #tpu.memory_space<vmem>>, vector<1x16xf32>,
      %broadcast_in_dim3A_118 = arith.constant 0.000000e+00 : f32
      %broadcast_in_dim3A_119 = vector.broadcast %broadcast_in_dim3A_118 : f32 to vector<16xf32>
      %swap3A_120 = arith.index_cast %scan3A_105 : i32 to index
      %swap3A_121 = arith.constant 32 : index
      %swap3A_122 = tpu.vector_load %arg9[%swap3A_120, %swap3A_121] {strides = array<i32>} : memref<80x128xf32, #tpu.memory_space<vmem>>, vector<1x16xf32>,
      %swap3A_123 = vector.shape_cast %swap3A_122 : vector<1x16xf32> to vector<16xf32>
      %swap3A_124 = vector.shape_cast %broadcast_in_dim3A_119 : vector<16xf32> to vector<1x16xf32>
      tpu.vector_store %arg9[%swap3A_120, %swap3A_121], %swap3A_124 {strides = array<i32>} : memref<80x128xf32, #tpu.memory_space<vmem>>, vector<1x16xf32>,
      %broadcast_in_dim3A_125 = arith.constant 0.000000e+00 : f32
      %broadcast_in_dim3A_126 = vector.broadcast %broadcast_in_dim3A_125 : f32 to vector<16xf32>
      %swap3A_127 = arith.index_cast %scan3A_105 : i32 to index
      %swap3A_128 = arith.constant 48 : index
      %swap3A_129 = tpu.vector_load %arg9[%swap3A_127, %swap3A_128] {strides = array<i32>} : memref<80x128xf32, #tpu.memory_space<vmem>>, vector<1x16xf32>,
      %swap3A_130 = vector.shape_cast %swap3A_129 : vector<1x16xf32> to vector<16xf32>
      %swap3A_131 = vector.shape_cast %broadcast_in_dim3A_126 : vector<16xf32> to vector<1x16xf32>
      tpu.vector_store %arg9[%swap3A_127, %swap3A_128], %swap3A_131 {strides = array<i32>} : memref<80x128xf32, #tpu.memory_space<vmem>>, vector<1x16xf32>,
      %broadcast_in_dim3A_132 = arith.constant 0.000000e+00 : f32
      %broadcast_in_dim3A_133 = vector.broadcast %broadcast_in_dim3A_132 : f32 to vector<16xf32>
      %swap3A_134 = arith.index_cast %scan3A_105 : i32 to index
      %swap3A_135 = arith.constant 64 : index
      %swap3A_136 = tpu.vector_load %arg9[%swap3A_134, %swap3A_135] {strides = array<i32>} : memref<80x128xf32, #tpu.memory_space<vmem>>, vector<1x16xf32>,
      %swap3A_137 = vector.shape_cast %swap3A_136 : vector<1x16xf32> to vector<16xf32>
      %swap3A_138 = vector.shape_cast %broadcast_in_dim3A_133 : vector<16xf32> to vector<1x16xf32>
      tpu.vector_store %arg9[%swap3A_134, %swap3A_135], %swap3A_138 {strides = array<i32>} : memref<80x128xf32, #tpu.memory_space<vmem>>, vector<1x16xf32>,
      %broadcast_in_dim3A_139 = arith.constant 0.000000e+00 : f32
      %broadcast_in_dim3A_140 = vector.broadcast %broadcast_in_dim3A_139 : f32 to vector<16xf32>
      %swap3A_141 = arith.index_cast %scan3A_105 : i32 to index
      %swap3A_142 = arith.constant 80 : index
      %swap3A_143 = tpu.vector_load %arg9[%swap3A_141, %swap3A_142] {strides = array<i32>} : memref<80x128xf32, #tpu.memory_space<vmem>>, vector<1x16xf32>,
      %swap3A_144 = vector.shape_cast %swap3A_143 : vector<1x16xf32> to vector<16xf32>
      %swap3A_145 = vector.shape_cast %broadcast_in_dim3A_140 : vector<16xf32> to vector<1x16xf32>
      tpu.vector_store %arg9[%swap3A_141, %swap3A_142], %swap3A_145 {strides = array<i32>} : memref<80x128xf32, #tpu.memory_space<vmem>>, vector<1x16xf32>,
      %broadcast_in_dim3A_146 = arith.constant 0.000000e+00 : f32
      %broadcast_in_dim3A_147 = vector.broadcast %broadcast_in_dim3A_146 : f32 to vector<16xf32>
      %swap3A_148 = arith.index_cast %scan3A_105 : i32 to index
      %swap3A_149 = arith.constant 96 : index
      %swap3A_150 = tpu.vector_load %arg9[%swap3A_148, %swap3A_149] {strides = array<i32>} : memref<80x128xf32, #tpu.memory_space<vmem>>, vector<1x16xf32>,
      %swap3A_151 = vector.shape_cast %swap3A_150 : vector<1x16xf32> to vector<16xf32>
      %swap3A_152 = vector.shape_cast %broadcast_in_dim3A_147 : vector<16xf32> to vector<1x16xf32>
      tpu.vector_store %arg9[%swap3A_148, %swap3A_149], %swap3A_152 {strides = array<i32>} : memref<80x128xf32, #tpu.memory_space<vmem>>, vector<1x16xf32>,
      %broadcast_in_dim3A_153 = arith.constant 0.000000e+00 : f32
      %broadcast_in_dim3A_154 = vector.broadcast %broadcast_in_dim3A_153 : f32 to vector<16xf32>
      %swap3A_155 = arith.index_cast %scan3A_105 : i32 to index
      %swap3A_156 = arith.constant 112 : index
      %swap3A_157 = tpu.vector_load %arg9[%swap3A_155, %swap3A_156] {strides = array<i32>} : memref<80x128xf32, #tpu.memory_space<vmem>>, vector<1x16xf32>,
      %swap3A_158 = vector.shape_cast %swap3A_157 : vector<1x16xf32> to vector<16xf32>
      %swap3A_159 = vector.shape_cast %broadcast_in_dim3A_154 : vector<16xf32> to vector<1x16xf32>
      tpu.vector_store %arg9[%swap3A_155, %swap3A_156], %swap3A_159 {strides = array<i32>} : memref<80x128xf32, #tpu.memory_space<vmem>>, vector<1x16xf32>,
    }
    %scan3A_7 = arith.constant 80 : i32
    %eq3A = arith.constant 0 : i32
    %eq3A_8 = arith.cmpi eq, %arg0, %eq3A : i32
    %convert_element_type3A = arith.extui %eq3A_8 : i1 to i32
    %cond3A = arith.constant 0 : i32
    %cond3A_9 = arith.cmpi ne, %convert_element_type3A, %cond3A : i32
    scf.if %cond3A_9 {
      %lt3A = arith.constant 15 : i32
      %lt3A_105 = arith.cmpi slt, %arg1, %lt3A : i32
      %convert_element_type3A_106 = arith.extui %lt3A_105 : i1 to i32
      %cond3A_107 = arith.constant 0 : i32
      %cond3A_108 = arith.cmpi ne, %convert_element_type3A_106, %cond3A_107 : i32
      scf.if %cond3A_108 {
        %mul3A_118 = arith.constant 640 : i32
        %mul3A_119 = arith.muli %arg1, %mul3A_118 : i32
        %mul3A_120 = arith.constant 640 : i32
        %mul3A_121 = arith.muli %arg1, %mul3A_120 : i32
        "tpu.region"() ({
          %run_scoped3A = tpu.sem_alloc : memref<!tpu.dma_semaphore, #tpu.memory_space<semaphore_mem>>
          %dma_start3A_122 = arith.constant 0 : i32
          %dma_start3A_123 = tpu.memref_slice %arg21[%mul3A_121, %dma_start3A_122] : memref<10240x128xf32, #tpu.memory_space<vmem_shared>> -> memref<640x128xf32, #tpu.memory_space<vmem_shared>>
          %dma_start3A_124 = arith.constant 0 : i32
          %dma_start3A_125 = tpu.memref_slice %arg2[%mul3A_119, %dma_start3A_124] : memref<10000x128xf32, #tpu.memory_space<hbm>> -> memref<640x128xf32, #tpu.memory_space<hbm>>
          tpu.enqueue_dma source(%dma_start3A_125 : memref<640x128xf32, #tpu.memory_space<hbm>>) target(%dma_start3A_123 : memref<640x128xf32, #tpu.memory_space<vmem_shared>>) target_semaphore(%run_scoped3A : memref<!tpu.dma_semaphore, #tpu.memory_space<semaphore_mem>>)
          %dma_wait3A_126 = arith.constant 0 : i32
          %dma_wait3A_127 = tpu.memref_slice %arg21[%mul3A_121, %dma_wait3A_126] : memref<10240x128xf32, #tpu.memory_space<vmem_shared>> -> memref<640x128xf32, #tpu.memory_space<vmem_shared>>
          %dma_wait3A_128 = arith.constant 0 : i32
          %dma_wait3A_129 = tpu.memref_slice %arg2[%mul3A_119, %dma_wait3A_128] : memref<10000x128xf32, #tpu.memory_space<hbm>> -> memref<640x128xf32, #tpu.memory_space<hbm>>
          tpu.wait_dma2 semaphore(%run_scoped3A : memref<!tpu.dma_semaphore, #tpu.memory_space<semaphore_mem>>) src(%dma_wait3A_129 : memref<640x128xf32, #tpu.memory_space<hbm>>) dst(%dma_wait3A_127 : memref<640x128xf32, #tpu.memory_space<vmem_shared>>)
          tpu.yield
        }) : () -> ()
      } else {
      }
      %eq3A_109 = arith.constant 15 : i32
      %eq3A_110 = arith.cmpi eq, %arg1, %eq3A_109 : i32
      %convert_element_type3A_111 = arith.extui %eq3A_110 : i1 to i32
      %cond3A_112 = arith.constant 0 : i32
      %cond3A_113 = arith.cmpi ne, %convert_element_type3A_111, %cond3A_112 : i32
      scf.if %cond3A_113 {
        "tpu.region"() ({
          %run_scoped3A = tpu.sem_alloc : memref<!tpu.dma_semaphore, #tpu.memory_space<semaphore_mem>>
          %dma_start3A_124 = arith.constant 9600 : i32
          %dma_start3A_125 = arith.constant 0 : i32
          %dma_start3A_126 = tpu.memref_slice %arg21[%dma_start3A_124, %dma_start3A_125] : memref<10240x128xf32, #tpu.memory_space<vmem_shared>> -> memref<400x128xf32, #tpu.memory_space<vmem_shared>>
          %dma_start3A_127 = arith.constant 9600 : i32
          %dma_start3A_128 = arith.constant 0 : i32
          %dma_start3A_129 = tpu.memref_slice %arg2[%dma_start3A_127, %dma_start3A_128] : memref<10000x128xf32, #tpu.memory_space<hbm>> -> memref<400x128xf32, #tpu.memory_space<hbm>>
          tpu.enqueue_dma source(%dma_start3A_129 : memref<400x128xf32, #tpu.memory_space<hbm>>) target(%dma_start3A_126 : memref<400x128xf32, #tpu.memory_space<vmem_shared>>) target_semaphore(%run_scoped3A : memref<!tpu.dma_semaphore, #tpu.memory_space<semaphore_mem>>)
          %dma_wait3A_130 = arith.constant 9600 : i32
          %dma_wait3A_131 = arith.constant 0 : i32
          %dma_wait3A_132 = tpu.memref_slice %arg21[%dma_wait3A_130, %dma_wait3A_131] : memref<10240x128xf32, #tpu.memory_space<vmem_shared>> -> memref<400x128xf32, #tpu.memory_space<vmem_shared>>
          %dma_wait3A_133 = arith.constant 9600 : i32
          %dma_wait3A_134 = arith.constant 0 : i32
          %dma_wait3A_135 = tpu.memref_slice %arg2[%dma_wait3A_133, %dma_wait3A_134] : memref<10000x128xf32, #tpu.memory_space<hbm>> -> memref<400x128xf32, #tpu.memory_space<hbm>>
          tpu.wait_dma2 semaphore(%run_scoped3A : memref<!tpu.dma_semaphore, #tpu.memory_space<semaphore_mem>>) src(%dma_wait3A_135 : memref<400x128xf32, #tpu.memory_space<hbm>>) dst(%dma_wait3A_132 : memref<400x128xf32, #tpu.memory_space<vmem_shared>>)
          tpu.yield
        }) : () -> ()
        %scan3A_118 = arith.constant 0 : i32
        %scan3A_119 = arith.constant 0 : i32
        %scan3A_120 = arith.constant 3 : i32
        %scan3A_121 = arith.addi %scan3A_119, %scan3A_120 : i32
        %scan3A_122 = arith.constant 1 : i32
        scf.for %scan3A_124 = %scan3A_119 to %scan3A_121 step %scan3A_122  : i32 {
          %mul3A_125 = arith.constant 80 : i32
          %mul3A_126 = arith.muli %scan3A_124, %mul3A_125 : i32
          %add3A_127 = arith.constant 10000 : i32
          %add3A_128 = arith.addi %add3A_127, %mul3A_126 : i32
          "tpu.region"() ({
            %run_scoped3A = tpu.sem_alloc : memref<!tpu.dma_semaphore, #tpu.memory_space<semaphore_mem>>
            %dma_start3A_129 = arith.constant 0 : i32
            %dma_start3A_130 = tpu.memref_slice %arg21[%add3A_128, %dma_start3A_129] : memref<10240x128xf32, #tpu.memory_space<vmem_shared>> -> memref<80x128xf32, #tpu.memory_space<vmem_shared>>
            %dma_start3A_131 = arith.constant 0 : i32
            %dma_start3A_132 = tpu.memref_slice %arg21[%add3A_128, %dma_start3A_131] : memref<10240x128xf32, #tpu.memory_space<vmem_shared>> -> memref<80x128xf32, #tpu.memory_space<vmem_shared>>
            tpu.enqueue_dma source(%arg9 : memref<80x128xf32, #tpu.memory_space<vmem>>) target(%dma_start3A_132 : memref<80x128xf32, #tpu.memory_space<vmem_shared>>) target_semaphore(%run_scoped3A : memref<!tpu.dma_semaphore, #tpu.memory_space<semaphore_mem>>)
            %dma_wait3A_133 = arith.constant 0 : i32
            %dma_wait3A_134 = tpu.memref_slice %arg21[%add3A_128, %dma_wait3A_133] : memref<10240x128xf32, #tpu.memory_space<vmem_shared>> -> memref<80x128xf32, #tpu.memory_space<vmem_shared>>
            %dma_wait3A_135 = arith.constant 0 : i32
            %dma_wait3A_136 = tpu.memref_slice %arg21[%add3A_128, %dma_wait3A_135] : memref<10240x128xf32, #tpu.memory_space<vmem_shared>> -> memref<80x128xf32, #tpu.memory_space<vmem_shared>>
            tpu.wait_dma2 semaphore(%run_scoped3A : memref<!tpu.dma_semaphore, #tpu.memory_space<semaphore_mem>>) src(%arg9 : memref<80x128xf32, #tpu.memory_space<vmem>>) dst(%dma_wait3A_136 : memref<80x128xf32, #tpu.memory_space<vmem_shared>>)
            tpu.yield
          }) : () -> ()
        }
        %scan3A_123 = arith.constant 3 : i32
      } else {
      }
      %gt3A = arith.constant 15 : i32
      %gt3A_114 = arith.cmpi sgt, %arg1, %gt3A : i32
      %convert_element_type3A_115 = arith.extui %gt3A_114 : i1 to i32
      %cond3A_116 = arith.constant 0 : i32
      %cond3A_117 = arith.cmpi ne, %convert_element_type3A_115, %cond3A_116 : i32
      scf.if %cond3A_117 {
        %mul3A_118 = arith.constant 640 : i32
        %mul3A_119 = arith.muli %arg1, %mul3A_118 : i32
        %scan3A_120 = arith.constant 0 : i32
        %scan3A_121 = arith.constant 0 : i32
        %scan3A_122 = arith.constant 8 : i32
        %scan3A_123 = arith.addi %scan3A_121, %scan3A_122 : i32
        %scan3A_124 = arith.constant 1 : i32
        scf.for %scan3A_126 = %scan3A_121 to %scan3A_123 step %scan3A_124  : i32 {
          %mul3A_127 = arith.constant 80 : i32
          %mul3A_128 = arith.muli %scan3A_126, %mul3A_127 : i32
          %add3A_129 = arith.addi %mul3A_119, %mul3A_128 : i32
          "tpu.region"() ({
            %run_scoped3A = tpu.sem_alloc : memref<!tpu.dma_semaphore, #tpu.memory_space<semaphore_mem>>
            %dma_start3A_130 = arith.constant 0 : i32
            %dma_start3A_131 = tpu.memref_slice %arg21[%add3A_129, %dma_start3A_130] : memref<10240x128xf32, #tpu.memory_space<vmem_shared>> -> memref<80x128xf32, #tpu.memory_space<vmem_shared>>
            %dma_start3A_132 = arith.constant 0 : i32
            %dma_start3A_133 = tpu.memref_slice %arg21[%add3A_129, %dma_start3A_132] : memref<10240x128xf32, #tpu.memory_space<vmem_shared>> -> memref<80x128xf32, #tpu.memory_space<vmem_shared>>
            tpu.enqueue_dma source(%arg9 : memref<80x128xf32, #tpu.memory_space<vmem>>) target(%dma_start3A_133 : memref<80x128xf32, #tpu.memory_space<vmem_shared>>) target_semaphore(%run_scoped3A : memref<!tpu.dma_semaphore, #tpu.memory_space<semaphore_mem>>)
            %dma_wait3A_134 = arith.constant 0 : i32
            %dma_wait3A_135 = tpu.memref_slice %arg21[%add3A_129, %dma_wait3A_134] : memref<10240x128xf32, #tpu.memory_space<vmem_shared>> -> memref<80x128xf32, #tpu.memory_space<vmem_shared>>
            %dma_wait3A_136 = arith.constant 0 : i32
            %dma_wait3A_137 = tpu.memref_slice %arg21[%add3A_129, %dma_wait3A_136] : memref<10240x128xf32, #tpu.memory_space<vmem_shared>> -> memref<80x128xf32, #tpu.memory_space<vmem_shared>>
            tpu.wait_dma2 semaphore(%run_scoped3A : memref<!tpu.dma_semaphore, #tpu.memory_space<semaphore_mem>>) src(%arg9 : memref<80x128xf32, #tpu.memory_space<vmem>>) dst(%dma_wait3A_137 : memref<80x128xf32, #tpu.memory_space<vmem_shared>>)
            tpu.yield
          }) : () -> ()
        }
        %scan3A_125 = arith.constant 8 : i32
      } else {
      }
    } else {
    }
    %eq3A_10 = arith.constant 1 : i32
    %eq3A_11 = arith.cmpi eq, %arg0, %eq3A_10 : i32
    %convert_element_type3A_12 = arith.extui %eq3A_11 : i1 to i32
    %cond3A_13 = arith.constant 0 : i32
    %cond3A_14 = arith.cmpi ne, %convert_element_type3A_12, %cond3A_13 : i32
    scf.if %cond3A_14 {
      %mul3A_105 = arith.constant 640 : i32
      %mul3A_106 = arith.muli %arg1, %mul3A_105 : i32
      %scan3A_107 = arith.constant 0 : i32
      %scan3A_108 = arith.constant 0 : i32
      %scan3A_109 = arith.constant 8 : i32
      %scan3A_110 = arith.addi %scan3A_108, %scan3A_109 : i32
      %scan3A_111 = arith.constant 1 : i32
      scf.for %scan3A_113 = %scan3A_108 to %scan3A_110 step %scan3A_111  : i32 {
        %mul3A_114 = arith.constant 80 : i32
        %mul3A_115 = arith.muli %scan3A_113, %mul3A_114 : i32
        %add3A_116 = arith.addi %mul3A_106, %mul3A_115 : i32
        "tpu.region"() ({
          %run_scoped3A = tpu.sem_alloc : memref<!tpu.dma_semaphore, #tpu.memory_space<semaphore_mem>>
          %dma_start3A_117 = arith.constant 0 : i32
          %dma_start3A_118 = tpu.memref_slice %arg21[%add3A_116, %dma_start3A_117] : memref<10240x128xf32, #tpu.memory_space<vmem_shared>> -> memref<80x128xf32, #tpu.memory_space<vmem_shared>>
          %dma_start3A_119 = arith.constant 0 : i32
          %dma_start3A_120 = tpu.memref_slice %arg21[%add3A_116, %dma_start3A_119] : memref<10240x128xf32, #tpu.memory_space<vmem_shared>> -> memref<80x128xf32, #tpu.memory_space<vmem_shared>>
          tpu.enqueue_dma source(%arg9 : memref<80x128xf32, #tpu.memory_space<vmem>>) target(%dma_start3A_120 : memref<80x128xf32, #tpu.memory_space<vmem_shared>>) target_semaphore(%run_scoped3A : memref<!tpu.dma_semaphore, #tpu.memory_space<semaphore_mem>>)
          %dma_wait3A_121 = arith.constant 0 : i32
          %dma_wait3A_122 = tpu.memref_slice %arg21[%add3A_116, %dma_wait3A_121] : memref<10240x128xf32, #tpu.memory_space<vmem_shared>> -> memref<80x128xf32, #tpu.memory_space<vmem_shared>>
          %dma_wait3A_123 = arith.constant 0 : i32
          %dma_wait3A_124 = tpu.memref_slice %arg21[%add3A_116, %dma_wait3A_123] : memref<10240x128xf32, #tpu.memory_space<vmem_shared>> -> memref<80x128xf32, #tpu.memory_space<vmem_shared>>
          tpu.wait_dma2 semaphore(%run_scoped3A : memref<!tpu.dma_semaphore, #tpu.memory_space<semaphore_mem>>) src(%arg9 : memref<80x128xf32, #tpu.memory_space<vmem>>) dst(%dma_wait3A_124 : memref<80x128xf32, #tpu.memory_space<vmem_shared>>)
          tpu.yield
        }) : () -> ()
      }
      %scan3A_112 = arith.constant 8 : i32
    } else {
    }
    %barrier3A = arith.constant 0 : index
    tpu.barrier barrier_id(%barrier3A)
    %add3A_15 = arith.constant 320000 : i32
    %add3A_16 = arith.addi %add3A_15, %mul3A_2 : i32
    %add3A_17 = arith.constant 0 : i32
    %add3A_18 = arith.addi %add3A_16, %add3A_17 : i32
    %dma_start3A = tpu.memref_slice %arg3[%add3A_18] : memref<640000xi32, #tpu.memory_space<hbm>> -> memref<80xi32, #tpu.memory_space<hbm>>
    %dma_start3A_19 = tpu.memref_slice %arg3[%add3A_18] : memref<640000xi32, #tpu.memory_space<hbm>> -> memref<80xi32, #tpu.memory_space<hbm>>
    tpu.enqueue_dma source(%dma_start3A_19 : memref<80xi32, #tpu.memory_space<hbm>>) target(%arg6 : memref<80xi32, #tpu.memory_space<vmem>>) target_semaphore(%arg15 : memref<!tpu.dma_semaphore, #tpu.memory_space<semaphore_mem>>)
    %add3A_20 = arith.constant 320000 : i32
    %add3A_21 = arith.addi %add3A_20, %mul3A_2 : i32
    %add3A_22 = arith.constant 0 : i32
    %add3A_23 = arith.addi %add3A_21, %add3A_22 : i32
    %dma_wait3A = tpu.memref_slice %arg3[%add3A_23] : memref<640000xi32, #tpu.memory_space<hbm>> -> memref<80xi32, #tpu.memory_space<hbm>>
    %dma_wait3A_24 = tpu.memref_slice %arg3[%add3A_23] : memref<640000xi32, #tpu.memory_space<hbm>> -> memref<80xi32, #tpu.memory_space<hbm>>
    tpu.wait_dma2 semaphore(%arg15 : memref<!tpu.dma_semaphore, #tpu.memory_space<semaphore_mem>>) src(%dma_wait3A_24 : memref<80xi32, #tpu.memory_space<hbm>>) dst(%arg6 : memref<80xi32, #tpu.memory_space<vmem>>)
    %dma_start3A_25 = arith.constant 0 : i32
    %dma_start3A_26 = tpu.memref_slice %arg5[%dma_start3A_25] : memref<10000xi32, #tpu.memory_space<vmem>> -> memref<80xi32, #tpu.memory_space<vmem>>
    %dma_start3A_27 = arith.constant 0 : i32
    %dma_start3A_28 = arith.constant 0 : i32
    %dma_start3A_29 = tpu.memref_slice %arg2[%dma_start3A_27, %dma_start3A_28] : memref<10000x128xf32, #tpu.memory_space<hbm>> -> memref<10000x128xf32, #tpu.memory_space<hbm>>
    tpu.enqueue_indirect_dma source(%dma_start3A_29 : memref<10000x128xf32, #tpu.memory_space<hbm>>) target(%arg9 : memref<80x128xf32, #tpu.memory_space<vmem>>) offsets(%dma_start3A_26 : memref<80xi32, #tpu.memory_space<vmem>>) semaphore(%arg12 : memref<!tpu.dma_semaphore, #tpu.memory_space<semaphore_mem>>)
    %dma_wait3A_30 = arith.constant 0 : i32
    %dma_wait3A_31 = tpu.memref_slice %arg5[%dma_wait3A_30] : memref<10000xi32, #tpu.memory_space<vmem>> -> memref<80xi32, #tpu.memory_space<vmem>>
    %dma_wait3A_32 = arith.constant 0 : i32
    %dma_wait3A_33 = arith.constant 0 : i32
    %dma_wait3A_34 = tpu.memref_slice %arg2[%dma_wait3A_32, %dma_wait3A_33] : memref<10000x128xf32, #tpu.memory_space<hbm>> -> memref<10000x128xf32, #tpu.memory_space<hbm>>
    tpu.wait_indirect_dma semaphore(%arg12 : memref<!tpu.dma_semaphore, #tpu.memory_space<semaphore_mem>>) src(%dma_wait3A_34 : memref<10000x128xf32, #tpu.memory_space<hbm>>) dst(%arg9 : memref<80x128xf32, #tpu.memory_space<vmem>>)
    %dma_start3A_35 = arith.constant 0 : i32
    %dma_start3A_36 = arith.constant 0 : i32
    %dma_start3A_37 = tpu.memref_slice %arg21[%dma_start3A_35, %dma_start3A_36] : memref<10240x128xf32, #tpu.memory_space<vmem_shared>> -> memref<10240x128xf32, #tpu.memory_space<vmem_shared>>
    tpu.enqueue_indirect_dma source(%arg9 : memref<80x128xf32, #tpu.memory_space<vmem>>) target(%dma_start3A_37 : memref<10240x128xf32, #tpu.memory_space<vmem_shared>>) offsets(%arg6 : memref<80xi32, #tpu.memory_space<vmem>>) semaphore(%arg18 : memref<!tpu.dma_semaphore, #tpu.memory_space<semaphore_mem>>) {add = true}
    %dma_wait3A_38 = arith.constant 0 : i32
    %dma_wait3A_39 = arith.constant 0 : i32
    %dma_wait3A_40 = tpu.memref_slice %arg21[%dma_wait3A_38, %dma_wait3A_39] : memref<10240x128xf32, #tpu.memory_space<vmem_shared>> -> memref<10240x128xf32, #tpu.memory_space<vmem_shared>>
    tpu.wait_indirect_dma semaphore(%arg18 : memref<!tpu.dma_semaphore, #tpu.memory_space<semaphore_mem>>) src(%arg9 : memref<80x128xf32, #tpu.memory_space<vmem>>) dst(%dma_wait3A_40 : memref<10240x128xf32, #tpu.memory_space<vmem_shared>>)
    %add3A_41 = arith.constant 320000 : i32
    %add3A_42 = arith.addi %add3A_41, %mul3A_2 : i32
    %add3A_43 = arith.constant 80 : i32
    %add3A_44 = arith.addi %add3A_42, %add3A_43 : i32
    %dma_start3A_45 = tpu.memref_slice %arg3[%add3A_44] : memref<640000xi32, #tpu.memory_space<hbm>> -> memref<80xi32, #tpu.memory_space<hbm>>
    %dma_start3A_46 = tpu.memref_slice %arg3[%add3A_44] : memref<640000xi32, #tpu.memory_space<hbm>> -> memref<80xi32, #tpu.memory_space<hbm>>
    tpu.enqueue_dma source(%dma_start3A_46 : memref<80xi32, #tpu.memory_space<hbm>>) target(%arg6 : memref<80xi32, #tpu.memory_space<vmem>>) target_semaphore(%arg15 : memref<!tpu.dma_semaphore, #tpu.memory_space<semaphore_mem>>)
    %add3A_47 = arith.constant 320000 : i32
    %add3A_48 = arith.addi %add3A_47, %mul3A_2 : i32
    %add3A_49 = arith.constant 80 : i32
    %add3A_50 = arith.addi %add3A_48, %add3A_49 : i32
    %dma_wait3A_51 = tpu.memref_slice %arg3[%add3A_50] : memref<640000xi32, #tpu.memory_space<hbm>> -> memref<80xi32, #tpu.memory_space<hbm>>
    %dma_wait3A_52 = tpu.memref_slice %arg3[%add3A_50] : memref<640000xi32, #tpu.memory_space<hbm>> -> memref<80xi32, #tpu.memory_space<hbm>>
    tpu.wait_dma2 semaphore(%arg15 : memref<!tpu.dma_semaphore, #tpu.memory_space<semaphore_mem>>) src(%dma_wait3A_52 : memref<80xi32, #tpu.memory_space<hbm>>) dst(%arg6 : memref<80xi32, #tpu.memory_space<vmem>>)
    %dma_start3A_53 = arith.constant 80 : i32
    %dma_start3A_54 = tpu.memref_slice %arg5[%dma_start3A_53] : memref<10000xi32, #tpu.memory_space<vmem>> -> memref<80xi32, #tpu.memory_space<vmem>>
    %dma_start3A_55 = arith.constant 0 : i32
    %dma_start3A_56 = arith.constant 0 : i32
    %dma_start3A_57 = tpu.memref_slice %arg2[%dma_start3A_55, %dma_start3A_56] : memref<10000x128xf32, #tpu.memory_space<hbm>> -> memref<10000x128xf32, #tpu.memory_space<hbm>>
    tpu.enqueue_indirect_dma source(%dma_start3A_57 : memref<10000x128xf32, #tpu.memory_space<hbm>>) target(%arg9 : memref<80x128xf32, #tpu.memory_space<vmem>>) offsets(%dma_start3A_54 : memref<80xi32, #tpu.memory_space<vmem>>) semaphore(%arg12 : memref<!tpu.dma_semaphore, #tpu.memory_space<semaphore_mem>>)
    %dma_wait3A_58 = arith.constant 80 : i32
    %dma_wait3A_59 = tpu.memref_slice %arg5[%dma_wait3A_58] : memref<10000xi32, #tpu.memory_space<vmem>> -> memref<80xi32, #tpu.memory_space<vmem>>
    %dma_wait3A_60 = arith.constant 0 : i32
    %dma_wait3A_61 = arith.constant 0 : i32
    %dma_wait3A_62 = tpu.memref_slice %arg2[%dma_wait3A_60, %dma_wait3A_61] : memref<10000x128xf32, #tpu.memory_space<hbm>> -> memref<10000x128xf32, #tpu.memory_space<hbm>>
    tpu.wait_indirect_dma semaphore(%arg12 : memref<!tpu.dma_semaphore, #tpu.memory_space<semaphore_mem>>) src(%dma_wait3A_62 : memref<10000x128xf32, #tpu.memory_space<hbm>>) dst(%arg9 : memref<80x128xf32, #tpu.memory_space<vmem>>)
    %dma_start3A_63 = arith.constant 0 : i32
    %dma_start3A_64 = arith.constant 0 : i32
    %dma_start3A_65 = tpu.memref_slice %arg21[%dma_start3A_63, %dma_start3A_64] : memref<10240x128xf32, #tpu.memory_space<vmem_shared>> -> memref<10240x128xf32, #tpu.memory_space<vmem_shared>>
    tpu.enqueue_indirect_dma source(%arg9 : memref<80x128xf32, #tpu.memory_space<vmem>>) target(%dma_start3A_65 : memref<10240x128xf32, #tpu.memory_space<vmem_shared>>) offsets(%arg6 : memref<80xi32, #tpu.memory_space<vmem>>) semaphore(%arg18 : memref<!tpu.dma_semaphore, #tpu.memory_space<semaphore_mem>>) {add = true}
    %dma_wait3A_66 = arith.constant 0 : i32
    %dma_wait3A_67 = arith.constant 0 : i32
    %dma_wait3A_68 = tpu.memref_slice %arg21[%dma_wait3A_66, %dma_wait3A_67] : memref<10240x128xf32, #tpu.memory_space<vmem_shared>> -> memref<10240x128xf32, #tpu.memory_space<vmem_shared>>
    tpu.wait_indirect_dma semaphore(%arg18 : memref<!tpu.dma_semaphore, #tpu.memory_space<semaphore_mem>>) src(%arg9 : memref<80x128xf32, #tpu.memory_space<vmem>>) dst(%dma_wait3A_68 : memref<10240x128xf32, #tpu.memory_space<vmem_shared>>)
    %add3A_69 = arith.constant 320000 : i32
    %add3A_70 = arith.addi %add3A_69, %mul3A_2 : i32
    %add3A_71 = arith.constant 160 : i32
    %add3A_72 = arith.addi %add3A_70, %add3A_71 : i32
    %dma_start3A_73 = tpu.memref_slice %arg3[%add3A_72] : memref<640000xi32, #tpu.memory_space<hbm>> -> memref<80xi32, #tpu.memory_space<hbm>>
    %dma_start3A_74 = tpu.memref_slice %arg3[%add3A_72] : memref<640000xi32, #tpu.memory_space<hbm>> -> memref<80xi32, #tpu.memory_space<hbm>>
    tpu.enqueue_dma source(%dma_start3A_74 : memref<80xi32, #tpu.memory_space<hbm>>) target(%arg6 : memref<80xi32, #tpu.memory_space<vmem>>) target_semaphore(%arg15 : memref<!tpu.dma_semaphore, #tpu.memory_space<semaphore_mem>>)
    %dma_start3A_75 = arith.constant 160 : i32
    %dma_start3A_76 = tpu.memref_slice %arg5[%dma_start3A_75] : memref<10000xi32, #tpu.memory_space<vmem>> -> memref<80xi32, #tpu.memory_space<vmem>>
    %dma_start3A_77 = arith.constant 0 : i32
    %dma_start3A_78 = arith.constant 0 : i32
    %dma_start3A_79 = tpu.memref_slice %arg2[%dma_start3A_77, %dma_start3A_78] : memref<10000x128xf32, #tpu.memory_space<hbm>> -> memref<10000x128xf32, #tpu.memory_space<hbm>>
    tpu.enqueue_indirect_dma source(%dma_start3A_79 : memref<10000x128xf32, #tpu.memory_space<hbm>>) target(%arg9 : memref<80x128xf32, #tpu.memory_space<vmem>>) offsets(%dma_start3A_76 : memref<80xi32, #tpu.memory_space<vmem>>) semaphore(%arg12 : memref<!tpu.dma_semaphore, #tpu.memory_space<semaphore_mem>>)
    %add3A_80 = arith.constant 320000 : i32
    %add3A_81 = arith.addi %add3A_80, %mul3A_2 : i32
    %add3A_82 = arith.constant 240 : i32
    %add3A_83 = arith.addi %add3A_81, %add3A_82 : i32
    %dma_start3A_84 = tpu.memref_slice %arg3[%add3A_83] : memref<640000xi32, #tpu.memory_space<hbm>> -> memref<80xi32, #tpu.memory_space<hbm>>
    %dma_start3A_85 = tpu.memref_slice %arg3[%add3A_83] : memref<640000xi32, #tpu.memory_space<hbm>> -> memref<80xi32, #tpu.memory_space<hbm>>
    tpu.enqueue_dma source(%dma_start3A_85 : memref<80xi32, #tpu.memory_space<hbm>>) target(%arg7 : memref<80xi32, #tpu.memory_space<vmem>>) target_semaphore(%arg16 : memref<!tpu.dma_semaphore, #tpu.memory_space<semaphore_mem>>)
    %dma_start3A_86 = arith.constant 240 : i32
    %dma_start3A_87 = tpu.memref_slice %arg5[%dma_start3A_86] : memref<10000xi32, #tpu.memory_space<vmem>> -> memref<80xi32, #tpu.memory_space<vmem>>
    %dma_start3A_88 = arith.constant 0 : i32
    %dma_start3A_89 = arith.constant 0 : i32
    %dma_start3A_90 = tpu.memref_slice %arg2[%dma_start3A_88, %dma_start3A_89] : memref<10000x128xf32, #tpu.memory_space<hbm>> -> memref<10000x128xf32, #tpu.memory_space<hbm>>
    tpu.enqueue_indirect_dma source(%dma_start3A_90 : memref<10000x128xf32, #tpu.memory_space<hbm>>) target(%arg10 : memref<80x128xf32, #tpu.memory_space<vmem>>) offsets(%dma_start3A_87 : memref<80xi32, #tpu.memory_space<vmem>>) semaphore(%arg13 : memref<!tpu.dma_semaphore, #tpu.memory_space<semaphore_mem>>)
    %scan3A_91 = arith.constant 0 : i32
    %scan3A_92 = arith.constant 0 : i32
    %scan3A_93 = arith.constant 41 : i32
    %scan3A_94 = arith.addi %scan3A_92, %scan3A_93 : i32
    %scan3A_95 = arith.constant 1 : i32
    scf.for %scan3A_105 = %scan3A_92 to %scan3A_94 step %scan3A_95  : i32 {
      %mul3A_106 = arith.constant 3 : i32
      %mul3A_107 = arith.muli %mul3A_106, %scan3A_105 : i32
      %add3A_108 = arith.constant 2 : i32
      %add3A_109 = arith.addi %add3A_108, %mul3A_107 : i32
      %add3A_110 = arith.constant 0 : i32
      %add3A_111 = arith.addi %add3A_109, %add3A_110 : i32
      %add3A_112 = arith.constant 320000 : i32
      %add3A_113 = arith.addi %add3A_112, %mul3A_2 : i32
      %mul3A_114 = arith.constant 80 : i32
      %mul3A_115 = arith.muli %add3A_111, %mul3A_114 : i32
      %add3A_116 = arith.addi %add3A_113, %mul3A_115 : i32
      %dma_wait3A_117 = tpu.memref_slice %arg3[%add3A_116] : memref<640000xi32, #tpu.memory_space<hbm>> -> memref<80xi32, #tpu.memory_space<hbm>>
      %dma_wait3A_118 = tpu.memref_slice %arg3[%add3A_116] : memref<640000xi32, #tpu.memory_space<hbm>> -> memref<80xi32, #tpu.memory_space<hbm>>
      tpu.wait_dma2 semaphore(%arg15 : memref<!tpu.dma_semaphore, #tpu.memory_space<semaphore_mem>>) src(%dma_wait3A_118 : memref<80xi32, #tpu.memory_space<hbm>>) dst(%arg6 : memref<80xi32, #tpu.memory_space<vmem>>)
      %mul3A_119 = arith.constant 80 : i32
      %mul3A_120 = arith.muli %add3A_111, %mul3A_119 : i32
      %dma_wait3A_121 = tpu.memref_slice %arg5[%mul3A_120] : memref<10000xi32, #tpu.memory_space<vmem>> -> memref<80xi32, #tpu.memory_space<vmem>>
      %dma_wait3A_122 = arith.constant 0 : i32
      %dma_wait3A_123 = arith.constant 0 : i32
      %dma_wait3A_124 = tpu.memref_slice %arg2[%dma_wait3A_122, %dma_wait3A_123] : memref<10000x128xf32, #tpu.memory_space<hbm>> -> memref<10000x128xf32, #tpu.memory_space<hbm>>
      tpu.wait_indirect_dma semaphore(%arg12 : memref<!tpu.dma_semaphore, #tpu.memory_space<semaphore_mem>>) src(%dma_wait3A_124 : memref<10000x128xf32, #tpu.memory_space<hbm>>) dst(%arg9 : memref<80x128xf32, #tpu.memory_space<vmem>>)
      %dma_start3A_125 = arith.constant 0 : i32
      %dma_start3A_126 = arith.constant 0 : i32
      %dma_start3A_127 = tpu.memref_slice %arg21[%dma_start3A_125, %dma_start3A_126] : memref<10240x128xf32, #tpu.memory_space<vmem_shared>> -> memref<10240x128xf32, #tpu.memory_space<vmem_shared>>
      tpu.enqueue_indirect_dma source(%arg9 : memref<80x128xf32, #tpu.memory_space<vmem>>) target(%dma_start3A_127 : memref<10240x128xf32, #tpu.memory_space<vmem_shared>>) offsets(%arg6 : memref<80xi32, #tpu.memory_space<vmem>>) semaphore(%arg18 : memref<!tpu.dma_semaphore, #tpu.memory_space<semaphore_mem>>) {add = true}
      %ge3A = arith.constant 1 : i32
      %ge3A_128 = arith.cmpi sge, %scan3A_105, %ge3A : i32
      %convert_element_type3A_129 = arith.extui %ge3A_128 : i1 to i32
      %cond3A_130 = arith.constant 0 : i32
      %cond3A_131 = arith.cmpi ne, %convert_element_type3A_129, %cond3A_130 : i32
      scf.if %cond3A_131 {
        %dma_wait3A_202 = arith.constant 0 : i32
        %dma_wait3A_203 = arith.constant 0 : i32
        %dma_wait3A_204 = tpu.memref_slice %arg21[%dma_wait3A_202, %dma_wait3A_203] : memref<10240x128xf32, #tpu.memory_space<vmem_shared>> -> memref<10240x128xf32, #tpu.memory_space<vmem_shared>>
        tpu.wait_indirect_dma semaphore(%arg20 : memref<!tpu.dma_semaphore, #tpu.memory_space<semaphore_mem>>) src(%arg11 : memref<80x128xf32, #tpu.memory_space<vmem>>) dst(%dma_wait3A_204 : memref<10240x128xf32, #tpu.memory_space<vmem_shared>>)
      } else {
      }
      %add3A_132 = arith.constant 2 : i32
      %add3A_133 = arith.addi %add3A_111, %add3A_132 : i32
      %lt3A = arith.constant 125 : i32
      %lt3A_134 = arith.cmpi slt, %add3A_133, %lt3A : i32
      %convert_element_type3A_135 = arith.extui %lt3A_134 : i1 to i32
      %cond3A_136 = arith.constant 0 : i32
      %cond3A_137 = arith.cmpi ne, %convert_element_type3A_135, %cond3A_136 : i32
      scf.if %cond3A_137 {
        %add3A_202 = arith.constant 2 : i32
        %add3A_203 = arith.addi %add3A_111, %add3A_202 : i32
        %add3A_204 = arith.constant 320000 : i32
        %add3A_205 = arith.addi %add3A_204, %mul3A_2 : i32
        %mul3A_206 = arith.constant 80 : i32
        %mul3A_207 = arith.muli %add3A_203, %mul3A_206 : i32
        %add3A_208 = arith.addi %add3A_205, %mul3A_207 : i32
        %dma_start3A_209 = tpu.memref_slice %arg3[%add3A_208] : memref<640000xi32, #tpu.memory_space<hbm>> -> memref<80xi32, #tpu.memory_space<hbm>>
        %dma_start3A_210 = tpu.memref_slice %arg3[%add3A_208] : memref<640000xi32, #tpu.memory_space<hbm>> -> memref<80xi32, #tpu.memory_space<hbm>>
        tpu.enqueue_dma source(%dma_start3A_210 : memref<80xi32, #tpu.memory_space<hbm>>) target(%arg8 : memref<80xi32, #tpu.memory_space<vmem>>) target_semaphore(%arg17 : memref<!tpu.dma_semaphore, #tpu.memory_space<semaphore_mem>>)
        %add3A_211 = arith.constant 2 : i32
        %add3A_212 = arith.addi %add3A_111, %add3A_211 : i32
        %mul3A_213 = arith.constant 80 : i32
        %mul3A_214 = arith.muli %add3A_212, %mul3A_213 : i32
        %dma_start3A_215 = tpu.memref_slice %arg5[%mul3A_214] : memref<10000xi32, #tpu.memory_space<vmem>> -> memref<80xi32, #tpu.memory_space<vmem>>
        %dma_start3A_216 = arith.constant 0 : i32
        %dma_start3A_217 = arith.constant 0 : i32
        %dma_start3A_218 = tpu.memref_slice %arg2[%dma_start3A_216, %dma_start3A_217] : memref<10000x128xf32, #tpu.memory_space<hbm>> -> memref<10000x128xf32, #tpu.memory_space<hbm>>
        tpu.enqueue_indirect_dma source(%dma_start3A_218 : memref<10000x128xf32, #tpu.memory_space<hbm>>) target(%arg11 : memref<80x128xf32, #tpu.memory_space<vmem>>) offsets(%dma_start3A_215 : memref<80xi32, #tpu.memory_space<vmem>>) semaphore(%arg14 : memref<!tpu.dma_semaphore, #tpu.memory_space<semaphore_mem>>)
      } else {
      }
      %mul3A_138 = arith.constant 3 : i32
      %mul3A_139 = arith.muli %mul3A_138, %scan3A_105 : i32
      %add3A_140 = arith.constant 2 : i32
      %add3A_141 = arith.addi %add3A_140, %mul3A_139 : i32
      %add3A_142 = arith.constant 1 : i32
      %add3A_143 = arith.addi %add3A_141, %add3A_142 : i32
      %add3A_144 = arith.constant 320000 : i32
      %add3A_145 = arith.addi %add3A_144, %mul3A_2 : i32
      %mul3A_146 = arith.constant 80 : i32
      %mul3A_147 = arith.muli %add3A_143, %mul3A_146 : i32
      %add3A_148 = arith.addi %add3A_145, %mul3A_147 : i32
      %dma_wait3A_149 = tpu.memref_slice %arg3[%add3A_148] : memref<640000xi32, #tpu.memory_space<hbm>> -> memref<80xi32, #tpu.memory_space<hbm>>
      %dma_wait3A_150 = tpu.memref_slice %arg3[%add3A_148] : memref<640000xi32, #tpu.memory_space<hbm>> -> memref<80xi32, #tpu.memory_space<hbm>>
      tpu.wait_dma2 semaphore(%arg16 : memref<!tpu.dma_semaphore, #tpu.memory_space<semaphore_mem>>) src(%dma_wait3A_150 : memref<80xi32, #tpu.memory_space<hbm>>) dst(%arg7 : memref<80xi32, #tpu.memory_space<vmem>>)
      %mul3A_151 = arith.constant 80 : i32
      %mul3A_152 = arith.muli %add3A_143, %mul3A_151 : i32
      %dma_wait3A_153 = tpu.memref_slice %arg5[%mul3A_152] : memref<10000xi32, #tpu.memory_space<vmem>> -> memref<80xi32, #tpu.memory_space<vmem>>
      %dma_wait3A_154 = arith.constant 0 : i32
      %dma_wait3A_155 = arith.constant 0 : i32
      %dma_wait3A_156 = tpu.memref_slice %arg2[%dma_wait3A_154, %dma_wait3A_155] : memref<10000x128xf32, #tpu.memory_space<hbm>> -> memref<10000x128xf32, #tpu.memory_space<hbm>>
      tpu.wait_indirect_dma semaphore(%arg13 : memref<!tpu.dma_semaphore, #tpu.memory_space<semaphore_mem>>) src(%dma_wait3A_156 : memref<10000x128xf32, #tpu.memory_space<hbm>>) dst(%arg10 : memref<80x128xf32, #tpu.memory_space<vmem>>)
      %dma_start3A_157 = arith.constant 0 : i32
      %dma_start3A_158 = arith.constant 0 : i32
      %dma_start3A_159 = tpu.memref_slice %arg21[%dma_start3A_157, %dma_start3A_158] : memref<10240x128xf32, #tpu.memory_space<vmem_shared>> -> memref<10240x128xf32, #tpu.memory_space<vmem_shared>>
      tpu.enqueue_indirect_dma source(%arg10 : memref<80x128xf32, #tpu.memory_space<vmem>>) target(%dma_start3A_159 : memref<10240x128xf32, #tpu.memory_space<vmem_shared>>) offsets(%arg7 : memref<80xi32, #tpu.memory_space<vmem>>) semaphore(%arg19 : memref<!tpu.dma_semaphore, #tpu.memory_space<semaphore_mem>>) {add = true}
      %dma_wait3A_160 = arith.constant 0 : i32
      %dma_wait3A_161 = arith.constant 0 : i32
      %dma_wait3A_162 = tpu.memref_slice %arg21[%dma_wait3A_160, %dma_wait3A_161] : memref<10240x128xf32, #tpu.memory_space<vmem_shared>> -> memref<10240x128xf32, #tpu.memory_space<vmem_shared>>
      tpu.wait_indirect_dma semaphore(%arg18 : memref<!tpu.dma_semaphore, #tpu.memory_space<semaphore_mem>>) src(%arg9 : memref<80x128xf32, #tpu.memory_space<vmem>>) dst(%dma_wait3A_162 : memref<10240x128xf32, #tpu.memory_space<vmem_shared>>)
      %add3A_163 = arith.constant 2 : i32
      %add3A_164 = arith.addi %add3A_143, %add3A_163 : i32
      %lt3A_165 = arith.constant 125 : i32
      %lt3A_166 = arith.cmpi slt, %add3A_164, %lt3A_165 : i32
      %convert_element_type3A_167 = arith.extui %lt3A_166 : i1 to i32
      %cond3A_168 = arith.constant 0 : i32
      %cond3A_169 = arith.cmpi ne, %convert_element_type3A_167, %cond3A_168 : i32
      scf.if %cond3A_169 {
        %add3A_202 = arith.constant 2 : i32
        %add3A_203 = arith.addi %add3A_143, %add3A_202 : i32
        %add3A_204 = arith.constant 320000 : i32
        %add3A_205 = arith.addi %add3A_204, %mul3A_2 : i32
        %mul3A_206 = arith.constant 80 : i32
        %mul3A_207 = arith.muli %add3A_203, %mul3A_206 : i32
        %add3A_208 = arith.addi %add3A_205, %mul3A_207 : i32
        %dma_start3A_209 = tpu.memref_slice %arg3[%add3A_208] : memref<640000xi32, #tpu.memory_space<hbm>> -> memref<80xi32, #tpu.memory_space<hbm>>
        %dma_start3A_210 = tpu.memref_slice %arg3[%add3A_208] : memref<640000xi32, #tpu.memory_space<hbm>> -> memref<80xi32, #tpu.memory_space<hbm>>
        tpu.enqueue_dma source(%dma_start3A_210 : memref<80xi32, #tpu.memory_space<hbm>>) target(%arg6 : memref<80xi32, #tpu.memory_space<vmem>>) target_semaphore(%arg15 : memref<!tpu.dma_semaphore, #tpu.memory_space<semaphore_mem>>)
        %add3A_211 = arith.constant 2 : i32
        %add3A_212 = arith.addi %add3A_143, %add3A_211 : i32
        %mul3A_213 = arith.constant 80 : i32
        %mul3A_214 = arith.muli %add3A_212, %mul3A_213 : i32
        %dma_start3A_215 = tpu.memref_slice %arg5[%mul3A_214] : memref<10000xi32, #tpu.memory_space<vmem>> -> memref<80xi32, #tpu.memory_space<vmem>>
        %dma_start3A_216 = arith.constant 0 : i32
        %dma_start3A_217 = arith.constant 0 : i32
        %dma_start3A_218 = tpu.memref_slice %arg2[%dma_start3A_216, %dma_start3A_217] : memref<10000x128xf32, #tpu.memory_space<hbm>> -> memref<10000x128xf32, #tpu.memory_space<hbm>>
        tpu.enqueue_indirect_dma source(%dma_start3A_218 : memref<10000x128xf32, #tpu.memory_space<hbm>>) target(%arg9 : memref<80x128xf32, #tpu.memory_space<vmem>>) offsets(%dma_start3A_215 : memref<80xi32, #tpu.memory_space<vmem>>) semaphore(%arg12 : memref<!tpu.dma_semaphore, #tpu.memory_space<semaphore_mem>>)
      } else {
      }
      %mul3A_170 = arith.constant 3 : i32
      %mul3A_171 = arith.muli %mul3A_170, %scan3A_105 : i32
      %add3A_172 = arith.constant 2 : i32
      %add3A_173 = arith.addi %add3A_172, %mul3A_171 : i32
      %add3A_174 = arith.constant 2 : i32
      %add3A_175 = arith.addi %add3A_173, %add3A_174 : i32
      %add3A_176 = arith.constant 320000 : i32
      %add3A_177 = arith.addi %add3A_176, %mul3A_2 : i32
      %mul3A_178 = arith.constant 80 : i32
      %mul3A_179 = arith.muli %add3A_175, %mul3A_178 : i32
      %add3A_180 = arith.addi %add3A_177, %mul3A_179 : i32
      %dma_wait3A_181 = tpu.memref_slice %arg3[%add3A_180] : memref<640000xi32, #tpu.memory_space<hbm>> -> memref<80xi32, #tpu.memory_space<hbm>>
      %dma_wait3A_182 = tpu.memref_slice %arg3[%add3A_180] : memref<640000xi32, #tpu.memory_space<hbm>> -> memref<80xi32, #tpu.memory_space<hbm>>
      tpu.wait_dma2 semaphore(%arg17 : memref<!tpu.dma_semaphore, #tpu.memory_space<semaphore_mem>>) src(%dma_wait3A_182 : memref<80xi32, #tpu.memory_space<hbm>>) dst(%arg8 : memref<80xi32, #tpu.memory_space<vmem>>)
      %mul3A_183 = arith.constant 80 : i32
      %mul3A_184 = arith.muli %add3A_175, %mul3A_183 : i32
      %dma_wait3A_185 = tpu.memref_slice %arg5[%mul3A_184] : memref<10000xi32, #tpu.memory_space<vmem>> -> memref<80xi32, #tpu.memory_space<vmem>>
      %dma_wait3A_186 = arith.constant 0 : i32
      %dma_wait3A_187 = arith.constant 0 : i32
      %dma_wait3A_188 = tpu.memref_slice %arg2[%dma_wait3A_186, %dma_wait3A_187] : memref<10000x128xf32, #tpu.memory_space<hbm>> -> memref<10000x128xf32, #tpu.memory_space<hbm>>
      tpu.wait_indirect_dma semaphore(%arg14 : memref<!tpu.dma_semaphore, #tpu.memory_space<semaphore_mem>>) src(%dma_wait3A_188 : memref<10000x128xf32, #tpu.memory_space<hbm>>) dst(%arg11 : memref<80x128xf32, #tpu.memory_space<vmem>>)
      %dma_start3A_189 = arith.constant 0 : i32
      %dma_start3A_190 = arith.constant 0 : i32
      %dma_start3A_191 = tpu.memref_slice %arg21[%dma_start3A_189, %dma_start3A_190] : memref<10240x128xf32, #tpu.memory_space<vmem_shared>> -> memref<10240x128xf32, #tpu.memory_space<vmem_shared>>
      tpu.enqueue_indirect_dma source(%arg11 : memref<80x128xf32, #tpu.memory_space<vmem>>) target(%dma_start3A_191 : memref<10240x128xf32, #tpu.memory_space<vmem_shared>>) offsets(%arg8 : memref<80xi32, #tpu.memory_space<vmem>>) semaphore(%arg20 : memref<!tpu.dma_semaphore, #tpu.memory_space<semaphore_mem>>) {add = true}
      %dma_wait3A_192 = arith.constant 0 : i32
      %dma_wait3A_193 = arith.constant 0 : i32
      %dma_wait3A_194 = tpu.memref_slice %arg21[%dma_wait3A_192, %dma_wait3A_193] : memref<10240x128xf32, #tpu.memory_space<vmem_shared>> -> memref<10240x128xf32, #tpu.memory_space<vmem_shared>>
      tpu.wait_indirect_dma semaphore(%arg19 : memref<!tpu.dma_semaphore, #tpu.memory_space<semaphore_mem>>) src(%arg10 : memref<80x128xf32, #tpu.memory_space<vmem>>) dst(%dma_wait3A_194 : memref<10240x128xf32, #tpu.memory_space<vmem_shared>>)
      %add3A_195 = arith.constant 2 : i32
      %add3A_196 = arith.addi %add3A_175, %add3A_195 : i32
      %lt3A_197 = arith.constant 125 : i32
      %lt3A_198 = arith.cmpi slt, %add3A_196, %lt3A_197 : i32
      %convert_element_type3A_199 = arith.extui %lt3A_198 : i1 to i32
      %cond3A_200 = arith.constant 0 : i32
      %cond3A_201 = arith.cmpi ne, %convert_element_type3A_199, %cond3A_200 : i32
      scf.if %cond3A_201 {
        %add3A_202 = arith.constant 2 : i32
        %add3A_203 = arith.addi %add3A_175, %add3A_202 : i32
        %add3A_204 = arith.constant 320000 : i32
        %add3A_205 = arith.addi %add3A_204, %mul3A_2 : i32
        %mul3A_206 = arith.constant 80 : i32
        %mul3A_207 = arith.muli %add3A_203, %mul3A_206 : i32
        %add3A_208 = arith.addi %add3A_205, %mul3A_207 : i32
        %dma_start3A_209 = tpu.memref_slice %arg3[%add3A_208] : memref<640000xi32, #tpu.memory_space<hbm>> -> memref<80xi32, #tpu.memory_space<hbm>>
        %dma_start3A_210 = tpu.memref_slice %arg3[%add3A_208] : memref<640000xi32, #tpu.memory_space<hbm>> -> memref<80xi32, #tpu.memory_space<hbm>>
        tpu.enqueue_dma source(%dma_start3A_210 : memref<80xi32, #tpu.memory_space<hbm>>) target(%arg7 : memref<80xi32, #tpu.memory_space<vmem>>) target_semaphore(%arg16 : memref<!tpu.dma_semaphore, #tpu.memory_space<semaphore_mem>>)
        %add3A_211 = arith.constant 2 : i32
        %add3A_212 = arith.addi %add3A_175, %add3A_211 : i32
        %mul3A_213 = arith.constant 80 : i32
        %mul3A_214 = arith.muli %add3A_212, %mul3A_213 : i32
        %dma_start3A_215 = tpu.memref_slice %arg5[%mul3A_214] : memref<10000xi32, #tpu.memory_space<vmem>> -> memref<80xi32, #tpu.memory_space<vmem>>
        %dma_start3A_216 = arith.constant 0 : i32
        %dma_start3A_217 = arith.constant 0 : i32
        %dma_start3A_218 = tpu.memref_slice %arg2[%dma_start3A_216, %dma_start3A_217] : memref<10000x128xf32, #tpu.memory_space<hbm>> -> memref<10000x128xf32, #tpu.memory_space<hbm>>
        tpu.enqueue_indirect_dma source(%dma_start3A_218 : memref<10000x128xf32, #tpu.memory_space<hbm>>) target(%arg10 : memref<80x128xf32, #tpu.memory_space<vmem>>) offsets(%dma_start3A_215 : memref<80xi32, #tpu.memory_space<vmem>>) semaphore(%arg13 : memref<!tpu.dma_semaphore, #tpu.memory_space<semaphore_mem>>)
      } else {
      }
    }
    %scan3A_96 = arith.constant 41 : i32
    %dma_wait3A_97 = arith.constant 0 : i32
    %dma_wait3A_98 = arith.constant 0 : i32
    %dma_wait3A_99 = tpu.memref_slice %arg21[%dma_wait3A_97, %dma_wait3A_98] : memref<10240x128xf32, #tpu.memory_space<vmem_shared>> -> memref<10240x128xf32, #tpu.memory_space<vmem_shared>>
    tpu.wait_indirect_dma semaphore(%arg20 : memref<!tpu.dma_semaphore, #tpu.memory_space<semaphore_mem>>) src(%arg11 : memref<80x128xf32, #tpu.memory_space<vmem>>) dst(%dma_wait3A_99 : memref<10240x128xf32, #tpu.memory_space<vmem_shared>>)
    %barrier3A_100 = arith.constant 0 : index
    tpu.barrier barrier_id(%barrier3A_100)
    %mul3A_101 = arith.constant 640 : i32
    %mul3A_102 = arith.muli %arg1, %mul3A_101 : i32
    %mul3A_103 = arith.constant 640 : i32
    %mul3A_104 = arith.muli %arg1, %mul3A_103 : i32
    "tpu.region"() ({
      %run_scoped3A = tpu.sem_alloc : memref<!tpu.dma_semaphore, #tpu.memory_space<semaphore_mem>>
      %dma_start3A_105 = arith.constant 0 : i32
      %dma_start3A_106 = tpu.memref_slice %arg4[%arg0, %mul3A_104, %dma_start3A_105] : memref<2x10240x128xf32, #tpu.memory_space<hbm>> -> memref<1x640x128xf32, #tpu.memory_space<hbm>>
      %dma_start3A_107 = tpu.memref_squeeze %dma_start3A_106 : memref<1x640x128xf32, #tpu.memory_space<hbm>> -> memref<640x128xf32, #tpu.memory_space<hbm>>
      %dma_start3A_108 = arith.constant 0 : i32
      %dma_start3A_109 = tpu.memref_slice %arg21[%mul3A_102, %dma_start3A_108] : memref<10240x128xf32, #tpu.memory_space<vmem_shared>> -> memref<640x128xf32, #tpu.memory_space<vmem_shared>>
      tpu.enqueue_dma source(%dma_start3A_109 : memref<640x128xf32, #tpu.memory_space<vmem_shared>>) target(%dma_start3A_107 : memref<640x128xf32, #tpu.memory_space<hbm>>) target_semaphore(%run_scoped3A : memref<!tpu.dma_semaphore, #tpu.memory_space<semaphore_mem>>)
      %dma_wait3A_110 = arith.constant 0 : i32
      %dma_wait3A_111 = tpu.memref_slice %arg4[%arg0, %mul3A_104, %dma_wait3A_110] : memref<2x10240x128xf32, #tpu.memory_space<hbm>> -> memref<1x640x128xf32, #tpu.memory_space<hbm>>
      %dma_wait3A_112 = tpu.memref_squeeze %dma_wait3A_111 : memref<1x640x128xf32, #tpu.memory_space<hbm>> -> memref<640x128xf32, #tpu.memory_space<hbm>>
      %dma_wait3A_113 = arith.constant 0 : i32
      %dma_wait3A_114 = tpu.memref_slice %arg21[%mul3A_102, %dma_wait3A_113] : memref<10240x128xf32, #tpu.memory_space<vmem_shared>> -> memref<640x128xf32, #tpu.memory_space<vmem_shared>>
      tpu.wait_dma2 semaphore(%run_scoped3A : memref<!tpu.dma_semaphore, #tpu.memory_space<semaphore_mem>>) src(%dma_wait3A_114 : memref<640x128xf32, #tpu.memory_space<vmem_shared>>) dst(%dma_wait3A_112 : memref<640x128xf32, #tpu.memory_space<hbm>>)
      tpu.yield
    }) : () -> ()
    return
  }
}

module attributes {stable_mosaic.version = 14 : i64} {
  func.func @_k1_body(%arg0: i32, %arg1: memref<1000x128xf32, #tpu.memory_space<vmem>>, %arg2: memref<128x128xf32, #tpu.memory_space<vmem>>, %arg3: memref<1000x1xf32, #tpu.memory_space<vmem>>, %arg4: memref<1000x1xf32, #tpu.memory_space<vmem>>, %arg5: memref<1000x128xf32, #tpu.memory_space<vmem>>) attributes {dimension_semantics = [#tpu.dimension_semantics<arbitrary>], iteration_bounds = array<i64: 10>, scalar_prefetch = 0 : i64, scratch_operands = 0 : i64, tpu.core_type = #tpu.core_type<tc>, window_params = [{transform_indices = @transform_0, window_bounds = array<i64: 1000, 128>}, {pipeline_mode = #tpu.pipeline_mode<synchronous>, transform_indices = @transform_1, window_bounds = array<i64: 128, 128>}, {transform_indices = @transform_2, window_bounds = array<i64: 1000, 1>}, {transform_indices = @transform_3, window_bounds = array<i64: 1000, 1>}, {transform_indices = @transform_4, window_bounds = array<i64: 1000, 128>}]} {
    %get3A = arith.constant 0 : index
    %get3A_0 = arith.constant 0 : index
    %get3A_1 = vector.load %arg3[%get3A, %get3A_0] : memref<1000x1xf32, #tpu.memory_space<vmem>>, vector<1000x1xf32>
    %get3A_2 = arith.constant 0 : index
    %get3A_3 = arith.constant 0 : index
    %get3A_4 = vector.load %arg4[%get3A_2, %get3A_3] : memref<1000x1xf32, #tpu.memory_space<vmem>>, vector<1000x1xf32>
    %add3A = arith.addf %get3A_1, %get3A_4 : vector<1000x1xf32>
    %add3A_5 = arith.constant 1.000000e+00 : f32
    %add3A_6 = vector.broadcast %add3A_5 : f32 to vector<1000x1xf32>
    %add3A_7 = arith.addf %add3A, %add3A_6 : vector<1000x1xf32>
    %rsqrt3A = math.rsqrt %add3A_7 : vector<1000x1xf32>
    %get3A_8 = arith.constant 0 : index
    %get3A_9 = arith.constant 0 : index
    %get3A_10 = vector.load %arg1[%get3A_8, %get3A_9] : memref<1000x128xf32, #tpu.memory_space<vmem>>, vector<1000x128xf32>
    %get3A_11 = arith.constant 0 : index
    %get3A_12 = arith.constant 0 : index
    %get3A_13 = vector.load %arg2[%get3A_11, %get3A_12] : memref<128x128xf32, #tpu.memory_space<vmem>>, vector<128x128xf32>
    %dot_general3A = arith.constant dense<0.000000e+00> : vector<1000x128xf32>
    %dot_general3A_14 = tpu.matmul %get3A_10, %get3A_13, %dot_general3A {dimension_numbers = #tpu.dot_dimension_numbers<[1], [0], [0], [1], [0, 0, 1, 1], [], []>, transpose_lhs_hint = false} : vector<1000x128xf32>, vector<128x128xf32>, vector<1000x128xf32> -> vector<1000x128xf32>
    %mul3A = vector.broadcast %rsqrt3A : vector<1000x1xf32> to vector<1000x128xf32>
    %mul3A_15 = arith.mulf %dot_general3A_14, %mul3A : vector<1000x128xf32>
    %swap3A = arith.constant 0 : index
    %swap3A_16 = arith.constant 0 : index
    %swap3A_17 = vector.load %arg5[%swap3A, %swap3A_16] : memref<1000x128xf32, #tpu.memory_space<vmem>>, vector<1000x128xf32>
    tpu.vector_store %arg5[%swap3A, %swap3A_16], %mul3A_15 {strides = array<i32>} : memref<1000x128xf32, #tpu.memory_space<vmem>>, vector<1000x128xf32>,
    return
  }
  func.func @transform_0(%arg0: i32) -> (i32, i32) {
    %c0_i32 = arith.constant 0 : i32
    %c0_i32_0 = arith.constant 0 : i32
    return %arg0, %c0_i32 : i32, i32
  }
  func.func @transform_1(%arg0: i32) -> (i32, i32) {
    %c0_i32 = arith.constant 0 : i32
    %c0_i32_0 = arith.constant 0 : i32
    %c0_i32_1 = arith.constant 0 : i32
    return %c0_i32, %c0_i32_0 : i32, i32
  }
  func.func @transform_2(%arg0: i32) -> (i32, i32) {
    %c0_i32 = arith.constant 0 : i32
    %c0_i32_0 = arith.constant 0 : i32
    return %arg0, %c0_i32 : i32, i32
  }
  func.func @transform_3(%arg0: i32) -> (i32, i32) {
    %c0_i32 = arith.constant 0 : i32
    %c0_i32_0 = arith.constant 0 : i32
    return %arg0, %c0_i32 : i32, i32
  }
  func.func @transform_4(%arg0: i32) -> (i32, i32) {
    %c0_i32 = arith.constant 0 : i32
    %c0_i32_0 = arith.constant 0 : i32
    return %arg0, %c0_i32 : i32, i32
  }
}

module attributes {stable_mosaic.version = 14 : i64} {
  func.func @_k2k1_body(%arg0: i32, %arg1: memref<1000x128xf32, #tpu.memory_space<vmem>>, %arg2: memref<1x1000x128xf32, #tpu.memory_space<vmem>>, %arg3: memref<1x1000x128xf32, #tpu.memory_space<vmem>>, %arg4: memref<1000x1xf32, #tpu.memory_space<vmem>>, %arg5: memref<1000x1xf32, #tpu.memory_space<vmem>>, %arg6: memref<1x128xf32, #tpu.memory_space<vmem>>, %arg7: memref<128x256xf32, #tpu.memory_space<vmem>>, %arg8: memref<1x256xf32, #tpu.memory_space<vmem>>, %arg9: memref<256x128xf32, #tpu.memory_space<vmem>>, %arg10: memref<1x128xf32, #tpu.memory_space<vmem>>, %arg11: memref<1x128xf32, #tpu.memory_space<vmem>>, %arg12: memref<1x128xf32, #tpu.memory_space<vmem>>, %arg13: memref<1x128xf32, #tpu.memory_space<vmem>>, %arg14: memref<1x128xf32, #tpu.memory_space<vmem>>, %arg15: memref<128x128xf32, #tpu.memory_space<vmem>>, %arg16: memref<1000x128xf32, #tpu.memory_space<vmem>>, %arg17: memref<1000x128xf32, #tpu.memory_space<vmem>>) attributes {dimension_semantics = [#tpu.dimension_semantics<arbitrary>], iteration_bounds = array<i64: 10>, scalar_prefetch = 0 : i64, scratch_operands = 0 : i64, tpu.core_type = #tpu.core_type<tc>, window_params = [{transform_indices = @transform_0, window_bounds = array<i64: 1000, 128>}, {transform_indices = @transform_1, window_bounds = array<i64: 1, 1000, 128>}, {transform_indices = @transform_2, window_bounds = array<i64: 1, 1000, 128>}, {transform_indices = @transform_3, window_bounds = array<i64: 1000, 1>}, {transform_indices = @transform_4, window_bounds = array<i64: 1000, 1>}, {pipeline_mode = #tpu.pipeline_mode<synchronous>, transform_indices = @transform_5, window_bounds = array<i64: 1, 128>}, {pipeline_mode = #tpu.pipeline_mode<synchronous>, transform_indices = @transform_6, window_bounds = array<i64: 128, 256>}, {pipeline_mode = #tpu.pipeline_mode<synchronous>, transform_indices = @transform_7, window_bounds = array<i64: 1, 256>}, {pipeline_mode = #tpu.pipeline_mode<synchronous>, transform_indices = @transform_8, window_bounds = array<i64: 256, 128>}, {pipeline_mode = #tpu.pipeline_mode<synchronous>, transform_indices = @transform_9, window_bounds = array<i64: 1, 128>}, {pipeline_mode = #tpu.pipeline_mode<synchronous>, transform_indices = @transform_10, window_bounds = array<i64: 1, 128>}, {pipeline_mode = #tpu.pipeline_mode<synchronous>, transform_indices = @transform_11, window_bounds = array<i64: 1, 128>}, {pipeline_mode = #tpu.pipeline_mode<synchronous>, transform_indices = @transform_12, window_bounds = array<i64: 1, 128>}, {pipeline_mode = #tpu.pipeline_mode<synchronous>, transform_indices = @transform_13, window_bounds = array<i64: 1, 128>}, {pipeline_mode = #tpu.pipeline_mode<synchronous>, transform_indices = @transform_14, window_bounds = array<i64: 128, 128>}, {transform_indices = @transform_15, window_bounds = array<i64: 1000, 128>}, {transform_indices = @transform_16, window_bounds = array<i64: 1000, 128>}]} {
    %get3A = arith.constant 0 : index
    %get3A_0 = arith.constant 0 : index
    %get3A_1 = vector.load %arg4[%get3A, %get3A_0] : memref<1000x1xf32, #tpu.memory_space<vmem>>, vector<1000x1xf32>
    %get3A_2 = arith.constant 0 : index
    %get3A_3 = arith.constant 0 : index
    %get3A_4 = vector.load %arg5[%get3A_2, %get3A_3] : memref<1000x1xf32, #tpu.memory_space<vmem>>, vector<1000x1xf32>
    %add3A = arith.addf %get3A_1, %get3A_4 : vector<1000x1xf32>
    %add3A_5 = arith.constant 1.000000e+00 : f32
    %add3A_6 = vector.broadcast %add3A_5 : f32 to vector<1000x1xf32>
    %add3A_7 = arith.addf %add3A, %add3A_6 : vector<1000x1xf32>
    %rsqrt3A = math.rsqrt %add3A_7 : vector<1000x1xf32>
    %get3A_8 = arith.constant 0 : index
    %get3A_9 = arith.constant 0 : index
    %get3A_10 = arith.constant 0 : index
    %get3A_11 = vector.load %arg2[%get3A_8, %get3A_9, %get3A_10] : memref<1x1000x128xf32, #tpu.memory_space<vmem>>, vector<1x1000x128xf32>
    %get3A_12 = vector.shape_cast %get3A_11 : vector<1x1000x128xf32> to vector<1000x128xf32>
    %get3A_13 = arith.constant 0 : index
    %get3A_14 = arith.constant 0 : index
    %get3A_15 = arith.constant 0 : index
    %get3A_16 = vector.load %arg3[%get3A_13, %get3A_14, %get3A_15] : memref<1x1000x128xf32, #tpu.memory_space<vmem>>, vector<1x1000x128xf32>
    %get3A_17 = vector.shape_cast %get3A_16 : vector<1x1000x128xf32> to vector<1000x128xf32>
    %add3A_18 = arith.addf %get3A_12, %get3A_17 : vector<1000x128xf32>
    %mul3A = vector.broadcast %rsqrt3A : vector<1000x1xf32> to vector<1000x128xf32>
    %mul3A_19 = arith.mulf %mul3A, %add3A_18 : vector<1000x128xf32>
    %get3A_20 = arith.constant 0 : index
    %get3A_21 = arith.constant 0 : index
    %get3A_22 = vector.load %arg6[%get3A_20, %get3A_21] : memref<1x128xf32, #tpu.memory_space<vmem>>, vector<1x128xf32>
    %add3A_23 = vector.broadcast %get3A_22 : vector<1x128xf32> to vector<1000x128xf32>
    %add3A_24 = arith.addf %mul3A_19, %add3A_23 : vector<1000x128xf32>
    %get3A_25 = arith.constant 0 : index
    %get3A_26 = arith.constant 0 : index
    %get3A_27 = vector.load %arg1[%get3A_25, %get3A_26] : memref<1000x128xf32, #tpu.memory_space<vmem>>, vector<1000x128xf32>
    %add3A_28 = arith.addf %get3A_27, %add3A_24 : vector<1000x128xf32>
    %get3A_29 = arith.constant 0 : index
    %get3A_30 = arith.constant 0 : index
    %get3A_31 = vector.load %arg11[%get3A_29, %get3A_30] : memref<1x128xf32, #tpu.memory_space<vmem>>, vector<1x128xf32>
    %get3A_32 = arith.constant 0 : index
    %get3A_33 = arith.constant 0 : index
    %get3A_34 = vector.load %arg12[%get3A_32, %get3A_33] : memref<1x128xf32, #tpu.memory_space<vmem>>, vector<1x128xf32>
    %reduce_sum3A = arith.constant dense<0.000000e+00> : vector<1000xf32>
    %reduce_sum3A_35 = vector.multi_reduction <add>, %add3A_28, %reduce_sum3A [1] : vector<1000x128xf32> to vector<1000xf32>
    %broadcast_in_dim3A = vector.shape_cast %reduce_sum3A_35 : vector<1000xf32> to vector<1000x1xf32>
    %div3A = arith.constant 1.280000e+02 : f32
    %div3A_36 = vector.broadcast %div3A : f32 to vector<1000x1xf32>
    %div3A_37 = arith.divf %broadcast_in_dim3A, %div3A_36 : vector<1000x1xf32>
    %sub3A = vector.broadcast %div3A_37 : vector<1000x1xf32> to vector<1000x128xf32>
    %sub3A_38 = arith.subf %add3A_28, %sub3A : vector<1000x128xf32>
    %integer_pow3A = arith.mulf %sub3A_38, %sub3A_38 : vector<1000x128xf32>
    %reduce_sum3A_39 = arith.constant dense<0.000000e+00> : vector<1000xf32>
    %reduce_sum3A_40 = vector.multi_reduction <add>, %integer_pow3A, %reduce_sum3A_39 [1] : vector<1000x128xf32> to vector<1000xf32>
    %broadcast_in_dim3A_41 = vector.shape_cast %reduce_sum3A_40 : vector<1000xf32> to vector<1000x1xf32>
    %div3A_42 = arith.constant 1.280000e+02 : f32
    %div3A_43 = vector.broadcast %div3A_42 : f32 to vector<1000x1xf32>
    %div3A_44 = arith.divf %broadcast_in_dim3A_41, %div3A_43 : vector<1000x1xf32>
    %sub3A_45 = vector.broadcast %div3A_37 : vector<1000x1xf32> to vector<1000x128xf32>
    %sub3A_46 = arith.subf %add3A_28, %sub3A_45 : vector<1000x128xf32>
    %add3A_47 = arith.constant 9.99999974E-6 : f32
    %add3A_48 = vector.broadcast %add3A_47 : f32 to vector<1000x1xf32>
    %add3A_49 = arith.addf %div3A_44, %add3A_48 : vector<1000x1xf32>
    %rsqrt3A_50 = math.rsqrt %add3A_49 : vector<1000x1xf32>
    %mul3A_51 = vector.broadcast %rsqrt3A_50 : vector<1000x1xf32> to vector<1000x128xf32>
    %mul3A_52 = arith.mulf %sub3A_46, %mul3A_51 : vector<1000x128xf32>
    %mul3A_53 = vector.broadcast %get3A_31 : vector<1x128xf32> to vector<1000x128xf32>
    %mul3A_54 = arith.mulf %mul3A_52, %mul3A_53 : vector<1000x128xf32>
    %add3A_55 = vector.broadcast %get3A_34 : vector<1x128xf32> to vector<1000x128xf32>
    %add3A_56 = arith.addf %mul3A_54, %add3A_55 : vector<1000x128xf32>
    %get3A_57 = arith.constant 0 : index
    %get3A_58 = arith.constant 0 : index
    %get3A_59 = vector.load %arg7[%get3A_57, %get3A_58] : memref<128x256xf32, #tpu.memory_space<vmem>>, vector<128x256xf32>
    %dot_general3A = arith.constant dense<0.000000e+00> : vector<1000x256xf32>
    %dot_general3A_60 = tpu.matmul %add3A_56, %get3A_59, %dot_general3A {dimension_numbers = #tpu.dot_dimension_numbers<[1], [0], [0], [1], [0, 0, 1, 1], [], []>, transpose_lhs_hint = false} : vector<1000x128xf32>, vector<128x256xf32>, vector<1000x256xf32> -> vector<1000x256xf32>
    %get3A_61 = arith.constant 0 : index
    %get3A_62 = arith.constant 0 : index
    %get3A_63 = vector.load %arg8[%get3A_61, %get3A_62] : memref<1x256xf32, #tpu.memory_space<vmem>>, vector<1x256xf32>
    %add3A_64 = vector.broadcast %get3A_63 : vector<1x256xf32> to vector<1000x256xf32>
    %add3A_65 = arith.addf %dot_general3A_60, %add3A_64 : vector<1000x256xf32>
    %max3A = arith.constant 0.000000e+00 : f32
    %max3A_66 = vector.broadcast %max3A : f32 to vector<1000x256xf32>
    %max3A_67 = arith.maximumf %add3A_65, %max3A_66 : vector<1000x256xf32>
    %get3A_68 = arith.constant 0 : index
    %get3A_69 = arith.constant 0 : index
    %get3A_70 = vector.load %arg9[%get3A_68, %get3A_69] : memref<256x128xf32, #tpu.memory_space<vmem>>, vector<256x128xf32>
    %dot_general3A_71 = arith.constant dense<0.000000e+00> : vector<1000x128xf32>
    %dot_general3A_72 = tpu.matmul %max3A_67, %get3A_70, %dot_general3A_71 {dimension_numbers = #tpu.dot_dimension_numbers<[1], [0], [0], [1], [0, 0, 1, 1], [], []>, transpose_lhs_hint = false} : vector<1000x256xf32>, vector<256x128xf32>, vector<1000x128xf32> -> vector<1000x128xf32>
    %get3A_73 = arith.constant 0 : index
    %get3A_74 = arith.constant 0 : index
    %get3A_75 = vector.load %arg10[%get3A_73, %get3A_74] : memref<1x128xf32, #tpu.memory_space<vmem>>, vector<1x128xf32>
    %add3A_76 = vector.broadcast %get3A_75 : vector<1x128xf32> to vector<1000x128xf32>
    %add3A_77 = arith.addf %dot_general3A_72, %add3A_76 : vector<1000x128xf32>
    %add3A_78 = arith.addf %add3A_56, %add3A_77 : vector<1000x128xf32>
    %get3A_79 = arith.constant 0 : index
    %get3A_80 = arith.constant 0 : index
    %get3A_81 = vector.load %arg13[%get3A_79, %get3A_80] : memref<1x128xf32, #tpu.memory_space<vmem>>, vector<1x128xf32>
    %get3A_82 = arith.constant 0 : index
    %get3A_83 = arith.constant 0 : index
    %get3A_84 = vector.load %arg14[%get3A_82, %get3A_83] : memref<1x128xf32, #tpu.memory_space<vmem>>, vector<1x128xf32>
    %reduce_sum3A_85 = arith.constant dense<0.000000e+00> : vector<1000xf32>
    %reduce_sum3A_86 = vector.multi_reduction <add>, %add3A_78, %reduce_sum3A_85 [1] : vector<1000x128xf32> to vector<1000xf32>
    %broadcast_in_dim3A_87 = vector.shape_cast %reduce_sum3A_86 : vector<1000xf32> to vector<1000x1xf32>
    %div3A_88 = arith.constant 1.280000e+02 : f32
    %div3A_89 = vector.broadcast %div3A_88 : f32 to vector<1000x1xf32>
    %div3A_90 = arith.divf %broadcast_in_dim3A_87, %div3A_89 : vector<1000x1xf32>
    %sub3A_91 = vector.broadcast %div3A_90 : vector<1000x1xf32> to vector<1000x128xf32>
    %sub3A_92 = arith.subf %add3A_78, %sub3A_91 : vector<1000x128xf32>
    %integer_pow3A_93 = arith.mulf %sub3A_92, %sub3A_92 : vector<1000x128xf32>
    %reduce_sum3A_94 = arith.constant dense<0.000000e+00> : vector<1000xf32>
    %reduce_sum3A_95 = vector.multi_reduction <add>, %integer_pow3A_93, %reduce_sum3A_94 [1] : vector<1000x128xf32> to vector<1000xf32>
    %broadcast_in_dim3A_96 = vector.shape_cast %reduce_sum3A_95 : vector<1000xf32> to vector<1000x1xf32>
    %div3A_97 = arith.constant 1.280000e+02 : f32
    %div3A_98 = vector.broadcast %div3A_97 : f32 to vector<1000x1xf32>
    %div3A_99 = arith.divf %broadcast_in_dim3A_96, %div3A_98 : vector<1000x1xf32>
    %sub3A_100 = vector.broadcast %div3A_90 : vector<1000x1xf32> to vector<1000x128xf32>
    %sub3A_101 = arith.subf %add3A_78, %sub3A_100 : vector<1000x128xf32>
    %add3A_102 = arith.constant 9.99999974E-6 : f32
    %add3A_103 = vector.broadcast %add3A_102 : f32 to vector<1000x1xf32>
    %add3A_104 = arith.addf %div3A_99, %add3A_103 : vector<1000x1xf32>
    %rsqrt3A_105 = math.rsqrt %add3A_104 : vector<1000x1xf32>
    %mul3A_106 = vector.broadcast %rsqrt3A_105 : vector<1000x1xf32> to vector<1000x128xf32>
    %mul3A_107 = arith.mulf %sub3A_101, %mul3A_106 : vector<1000x128xf32>
    %mul3A_108 = vector.broadcast %get3A_81 : vector<1x128xf32> to vector<1000x128xf32>
    %mul3A_109 = arith.mulf %mul3A_107, %mul3A_108 : vector<1000x128xf32>
    %add3A_110 = vector.broadcast %get3A_84 : vector<1x128xf32> to vector<1000x128xf32>
    %add3A_111 = arith.addf %mul3A_109, %add3A_110 : vector<1000x128xf32>
    %swap3A = arith.constant 0 : index
    %swap3A_112 = arith.constant 0 : index
    %swap3A_113 = vector.load %arg16[%swap3A, %swap3A_112] : memref<1000x128xf32, #tpu.memory_space<vmem>>, vector<1000x128xf32>
    tpu.vector_store %arg16[%swap3A, %swap3A_112], %add3A_111 {strides = array<i32>} : memref<1000x128xf32, #tpu.memory_space<vmem>>, vector<1000x128xf32>,
    %get3A_114 = arith.constant 0 : index
    %get3A_115 = arith.constant 0 : index
    %get3A_116 = vector.load %arg15[%get3A_114, %get3A_115] : memref<128x128xf32, #tpu.memory_space<vmem>>, vector<128x128xf32>
    %dot_general3A_117 = arith.constant dense<0.000000e+00> : vector<1000x128xf32>
    %dot_general3A_118 = tpu.matmul %add3A_111, %get3A_116, %dot_general3A_117 {dimension_numbers = #tpu.dot_dimension_numbers<[1], [0], [0], [1], [0, 0, 1, 1], [], []>, transpose_lhs_hint = false} : vector<1000x128xf32>, vector<128x128xf32>, vector<1000x128xf32> -> vector<1000x128xf32>
    %mul3A_119 = vector.broadcast %rsqrt3A : vector<1000x1xf32> to vector<1000x128xf32>
    %mul3A_120 = arith.mulf %mul3A_119, %dot_general3A_118 : vector<1000x128xf32>
    %swap3A_121 = arith.constant 0 : index
    %swap3A_122 = arith.constant 0 : index
    %swap3A_123 = vector.load %arg17[%swap3A_121, %swap3A_122] : memref<1000x128xf32, #tpu.memory_space<vmem>>, vector<1000x128xf32>
    tpu.vector_store %arg17[%swap3A_121, %swap3A_122], %mul3A_120 {strides = array<i32>} : memref<1000x128xf32, #tpu.memory_space<vmem>>, vector<1000x128xf32>,
    return
  }
  func.func @transform_0(%arg0: i32) -> (i32, i32) {
    %c0_i32 = arith.constant 0 : i32
    %c0_i32_0 = arith.constant 0 : i32
    return %arg0, %c0_i32 : i32, i32
  }
  func.func @transform_1(%arg0: i32) -> (i32, i32, i32) {
    %c0_i32 = arith.constant 0 : i32
    %c0_i32_0 = arith.constant 0 : i32
    %c0_i32_1 = arith.constant 0 : i32
    return %c0_i32, %arg0, %c0_i32_0 : i32, i32, i32
  }
  func.func @transform_2(%arg0: i32) -> (i32, i32, i32) {
    %c1_i32 = arith.constant 1 : i32
    %c0_i32 = arith.constant 0 : i32
    %c0_i32_0 = arith.constant 0 : i32
    return %c1_i32, %arg0, %c0_i32 : i32, i32, i32
  }
  func.func @transform_3(%arg0: i32) -> (i32, i32) {
    %c0_i32 = arith.constant 0 : i32
    %c0_i32_0 = arith.constant 0 : i32
    return %arg0, %c0_i32 : i32, i32
  }
  func.func @transform_4(%arg0: i32) -> (i32, i32) {
    %c0_i32 = arith.constant 0 : i32
    %c0_i32_0 = arith.constant 0 : i32
    return %arg0, %c0_i32 : i32, i32
  }
  func.func @transform_5(%arg0: i32) -> (i32, i32) {
    %c0_i32 = arith.constant 0 : i32
    %c0_i32_0 = arith.constant 0 : i32
    %c0_i32_1 = arith.constant 0 : i32
    return %c0_i32, %c0_i32_0 : i32, i32
  }
  func.func @transform_6(%arg0: i32) -> (i32, i32) {
    %c0_i32 = arith.constant 0 : i32
    %c0_i32_0 = arith.constant 0 : i32
    %c0_i32_1 = arith.constant 0 : i32
    return %c0_i32, %c0_i32_0 : i32, i32
  }
  func.func @transform_7(%arg0: i32) -> (i32, i32) {
    %c0_i32 = arith.constant 0 : i32
    %c0_i32_0 = arith.constant 0 : i32
    %c0_i32_1 = arith.constant 0 : i32
    return %c0_i32, %c0_i32_0 : i32, i32
  }
  func.func @transform_8(%arg0: i32) -> (i32, i32) {
    %c0_i32 = arith.constant 0 : i32
    %c0_i32_0 = arith.constant 0 : i32
    %c0_i32_1 = arith.constant 0 : i32
    return %c0_i32, %c0_i32_0 : i32, i32
  }
  func.func @transform_9(%arg0: i32) -> (i32, i32) {
    %c0_i32 = arith.constant 0 : i32
    %c0_i32_0 = arith.constant 0 : i32
    %c0_i32_1 = arith.constant 0 : i32
    return %c0_i32, %c0_i32_0 : i32, i32
  }
  func.func @transform_10(%arg0: i32) -> (i32, i32) {
    %c0_i32 = arith.constant 0 : i32
    %c0_i32_0 = arith.constant 0 : i32
    %c0_i32_1 = arith.constant 0 : i32
    return %c0_i32, %c0_i32_0 : i32, i32
  }
  func.func @transform_11(%arg0: i32) -> (i32, i32) {
    %c0_i32 = arith.constant 0 : i32
    %c0_i32_0 = arith.constant 0 : i32
    %c0_i32_1 = arith.constant 0 : i32
    return %c0_i32, %c0_i32_0 : i32, i32
  }
  func.func @transform_12(%arg0: i32) -> (i32, i32) {
    %c0_i32 = arith.constant 0 : i32
    %c0_i32_0 = arith.constant 0 : i32
    %c0_i32_1 = arith.constant 0 : i32
    return %c0_i32, %c0_i32_0 : i32, i32
  }
  func.func @transform_13(%arg0: i32) -> (i32, i32) {
    %c0_i32 = arith.constant 0 : i32
    %c0_i32_0 = arith.constant 0 : i32
    %c0_i32_1 = arith.constant 0 : i32
    return %c0_i32, %c0_i32_0 : i32, i32
  }
  func.func @transform_14(%arg0: i32) -> (i32, i32) {
    %c0_i32 = arith.constant 0 : i32
    %c0_i32_0 = arith.constant 0 : i32
    %c0_i32_1 = arith.constant 0 : i32
    return %c0_i32, %c0_i32_0 : i32, i32
  }
  func.func @transform_15(%arg0: i32) -> (i32, i32) {
    %c0_i32 = arith.constant 0 : i32
    %c0_i32_0 = arith.constant 0 : i32
    return %arg0, %c0_i32 : i32, i32
  }
  func.func @transform_16(%arg0: i32) -> (i32, i32) {
    %c0_i32 = arith.constant 0 : i32
    %c0_i32_0 = arith.constant 0 : i32
    return %arg0, %c0_i32 : i32, i32
  }
}

module attributes {stable_mosaic.version = 14 : i64} {
  func.func @_k2_body(%arg0: i32, %arg1: memref<1000x128xf32, #tpu.memory_space<vmem>>, %arg2: memref<1x1000x128xf32, #tpu.memory_space<vmem>>, %arg3: memref<1x1000x128xf32, #tpu.memory_space<vmem>>, %arg4: memref<1000x1xf32, #tpu.memory_space<vmem>>, %arg5: memref<1000x1xf32, #tpu.memory_space<vmem>>, %arg6: memref<1x128xf32, #tpu.memory_space<vmem>>, %arg7: memref<128x256xf32, #tpu.memory_space<vmem>>, %arg8: memref<1x256xf32, #tpu.memory_space<vmem>>, %arg9: memref<256x128xf32, #tpu.memory_space<vmem>>, %arg10: memref<1x128xf32, #tpu.memory_space<vmem>>, %arg11: memref<1x128xf32, #tpu.memory_space<vmem>>, %arg12: memref<1x128xf32, #tpu.memory_space<vmem>>, %arg13: memref<1x128xf32, #tpu.memory_space<vmem>>, %arg14: memref<1x128xf32, #tpu.memory_space<vmem>>, %arg15: memref<1000x128xf32, #tpu.memory_space<vmem>>) attributes {dimension_semantics = [#tpu.dimension_semantics<arbitrary>], iteration_bounds = array<i64: 10>, scalar_prefetch = 0 : i64, scratch_operands = 0 : i64, tpu.core_type = #tpu.core_type<tc>, window_params = [{transform_indices = @transform_0, window_bounds = array<i64: 1000, 128>}, {transform_indices = @transform_1, window_bounds = array<i64: 1, 1000, 128>}, {transform_indices = @transform_2, window_bounds = array<i64: 1, 1000, 128>}, {transform_indices = @transform_3, window_bounds = array<i64: 1000, 1>}, {transform_indices = @transform_4, window_bounds = array<i64: 1000, 1>}, {pipeline_mode = #tpu.pipeline_mode<synchronous>, transform_indices = @transform_5, window_bounds = array<i64: 1, 128>}, {pipeline_mode = #tpu.pipeline_mode<synchronous>, transform_indices = @transform_6, window_bounds = array<i64: 128, 256>}, {pipeline_mode = #tpu.pipeline_mode<synchronous>, transform_indices = @transform_7, window_bounds = array<i64: 1, 256>}, {pipeline_mode = #tpu.pipeline_mode<synchronous>, transform_indices = @transform_8, window_bounds = array<i64: 256, 128>}, {pipeline_mode = #tpu.pipeline_mode<synchronous>, transform_indices = @transform_9, window_bounds = array<i64: 1, 128>}, {pipeline_mode = #tpu.pipeline_mode<synchronous>, transform_indices = @transform_10, window_bounds = array<i64: 1, 128>}, {pipeline_mode = #tpu.pipeline_mode<synchronous>, transform_indices = @transform_11, window_bounds = array<i64: 1, 128>}, {pipeline_mode = #tpu.pipeline_mode<synchronous>, transform_indices = @transform_12, window_bounds = array<i64: 1, 128>}, {pipeline_mode = #tpu.pipeline_mode<synchronous>, transform_indices = @transform_13, window_bounds = array<i64: 1, 128>}, {transform_indices = @transform_14, window_bounds = array<i64: 1000, 128>}]} {
    %get3A = arith.constant 0 : index
    %get3A_0 = arith.constant 0 : index
    %get3A_1 = vector.load %arg4[%get3A, %get3A_0] : memref<1000x1xf32, #tpu.memory_space<vmem>>, vector<1000x1xf32>
    %get3A_2 = arith.constant 0 : index
    %get3A_3 = arith.constant 0 : index
    %get3A_4 = vector.load %arg5[%get3A_2, %get3A_3] : memref<1000x1xf32, #tpu.memory_space<vmem>>, vector<1000x1xf32>
    %add3A = arith.addf %get3A_1, %get3A_4 : vector<1000x1xf32>
    %add3A_5 = arith.constant 1.000000e+00 : f32
    %add3A_6 = vector.broadcast %add3A_5 : f32 to vector<1000x1xf32>
    %add3A_7 = arith.addf %add3A, %add3A_6 : vector<1000x1xf32>
    %rsqrt3A = math.rsqrt %add3A_7 : vector<1000x1xf32>
    %get3A_8 = arith.constant 0 : index
    %get3A_9 = arith.constant 0 : index
    %get3A_10 = arith.constant 0 : index
    %get3A_11 = vector.load %arg2[%get3A_8, %get3A_9, %get3A_10] : memref<1x1000x128xf32, #tpu.memory_space<vmem>>, vector<1x1000x128xf32>
    %get3A_12 = vector.shape_cast %get3A_11 : vector<1x1000x128xf32> to vector<1000x128xf32>
    %get3A_13 = arith.constant 0 : index
    %get3A_14 = arith.constant 0 : index
    %get3A_15 = arith.constant 0 : index
    %get3A_16 = vector.load %arg3[%get3A_13, %get3A_14, %get3A_15] : memref<1x1000x128xf32, #tpu.memory_space<vmem>>, vector<1x1000x128xf32>
    %get3A_17 = vector.shape_cast %get3A_16 : vector<1x1000x128xf32> to vector<1000x128xf32>
    %add3A_18 = arith.addf %get3A_12, %get3A_17 : vector<1000x128xf32>
    %mul3A = vector.broadcast %rsqrt3A : vector<1000x1xf32> to vector<1000x128xf32>
    %mul3A_19 = arith.mulf %mul3A, %add3A_18 : vector<1000x128xf32>
    %get3A_20 = arith.constant 0 : index
    %get3A_21 = arith.constant 0 : index
    %get3A_22 = vector.load %arg6[%get3A_20, %get3A_21] : memref<1x128xf32, #tpu.memory_space<vmem>>, vector<1x128xf32>
    %add3A_23 = vector.broadcast %get3A_22 : vector<1x128xf32> to vector<1000x128xf32>
    %add3A_24 = arith.addf %mul3A_19, %add3A_23 : vector<1000x128xf32>
    %get3A_25 = arith.constant 0 : index
    %get3A_26 = arith.constant 0 : index
    %get3A_27 = vector.load %arg1[%get3A_25, %get3A_26] : memref<1000x128xf32, #tpu.memory_space<vmem>>, vector<1000x128xf32>
    %add3A_28 = arith.addf %get3A_27, %add3A_24 : vector<1000x128xf32>
    %get3A_29 = arith.constant 0 : index
    %get3A_30 = arith.constant 0 : index
    %get3A_31 = vector.load %arg11[%get3A_29, %get3A_30] : memref<1x128xf32, #tpu.memory_space<vmem>>, vector<1x128xf32>
    %get3A_32 = arith.constant 0 : index
    %get3A_33 = arith.constant 0 : index
    %get3A_34 = vector.load %arg12[%get3A_32, %get3A_33] : memref<1x128xf32, #tpu.memory_space<vmem>>, vector<1x128xf32>
    %reduce_sum3A = arith.constant dense<0.000000e+00> : vector<1000xf32>
    %reduce_sum3A_35 = vector.multi_reduction <add>, %add3A_28, %reduce_sum3A [1] : vector<1000x128xf32> to vector<1000xf32>
    %broadcast_in_dim3A = vector.shape_cast %reduce_sum3A_35 : vector<1000xf32> to vector<1000x1xf32>
    %div3A = arith.constant 1.280000e+02 : f32
    %div3A_36 = vector.broadcast %div3A : f32 to vector<1000x1xf32>
    %div3A_37 = arith.divf %broadcast_in_dim3A, %div3A_36 : vector<1000x1xf32>
    %sub3A = vector.broadcast %div3A_37 : vector<1000x1xf32> to vector<1000x128xf32>
    %sub3A_38 = arith.subf %add3A_28, %sub3A : vector<1000x128xf32>
    %integer_pow3A = arith.mulf %sub3A_38, %sub3A_38 : vector<1000x128xf32>
    %reduce_sum3A_39 = arith.constant dense<0.000000e+00> : vector<1000xf32>
    %reduce_sum3A_40 = vector.multi_reduction <add>, %integer_pow3A, %reduce_sum3A_39 [1] : vector<1000x128xf32> to vector<1000xf32>
    %broadcast_in_dim3A_41 = vector.shape_cast %reduce_sum3A_40 : vector<1000xf32> to vector<1000x1xf32>
    %div3A_42 = arith.constant 1.280000e+02 : f32
    %div3A_43 = vector.broadcast %div3A_42 : f32 to vector<1000x1xf32>
    %div3A_44 = arith.divf %broadcast_in_dim3A_41, %div3A_43 : vector<1000x1xf32>
    %sub3A_45 = vector.broadcast %div3A_37 : vector<1000x1xf32> to vector<1000x128xf32>
    %sub3A_46 = arith.subf %add3A_28, %sub3A_45 : vector<1000x128xf32>
    %add3A_47 = arith.constant 9.99999974E-6 : f32
    %add3A_48 = vector.broadcast %add3A_47 : f32 to vector<1000x1xf32>
    %add3A_49 = arith.addf %div3A_44, %add3A_48 : vector<1000x1xf32>
    %rsqrt3A_50 = math.rsqrt %add3A_49 : vector<1000x1xf32>
    %mul3A_51 = vector.broadcast %rsqrt3A_50 : vector<1000x1xf32> to vector<1000x128xf32>
    %mul3A_52 = arith.mulf %sub3A_46, %mul3A_51 : vector<1000x128xf32>
    %mul3A_53 = vector.broadcast %get3A_31 : vector<1x128xf32> to vector<1000x128xf32>
    %mul3A_54 = arith.mulf %mul3A_52, %mul3A_53 : vector<1000x128xf32>
    %add3A_55 = vector.broadcast %get3A_34 : vector<1x128xf32> to vector<1000x128xf32>
    %add3A_56 = arith.addf %mul3A_54, %add3A_55 : vector<1000x128xf32>
    %get3A_57 = arith.constant 0 : index
    %get3A_58 = arith.constant 0 : index
    %get3A_59 = vector.load %arg7[%get3A_57, %get3A_58] : memref<128x256xf32, #tpu.memory_space<vmem>>, vector<128x256xf32>
    %dot_general3A = arith.constant dense<0.000000e+00> : vector<1000x256xf32>
    %dot_general3A_60 = tpu.matmul %add3A_56, %get3A_59, %dot_general3A {dimension_numbers = #tpu.dot_dimension_numbers<[1], [0], [0], [1], [0, 0, 1, 1], [], []>, transpose_lhs_hint = false} : vector<1000x128xf32>, vector<128x256xf32>, vector<1000x256xf32> -> vector<1000x256xf32>
    %get3A_61 = arith.constant 0 : index
    %get3A_62 = arith.constant 0 : index
    %get3A_63 = vector.load %arg8[%get3A_61, %get3A_62] : memref<1x256xf32, #tpu.memory_space<vmem>>, vector<1x256xf32>
    %add3A_64 = vector.broadcast %get3A_63 : vector<1x256xf32> to vector<1000x256xf32>
    %add3A_65 = arith.addf %dot_general3A_60, %add3A_64 : vector<1000x256xf32>
    %max3A = arith.constant 0.000000e+00 : f32
    %max3A_66 = vector.broadcast %max3A : f32 to vector<1000x256xf32>
    %max3A_67 = arith.maximumf %add3A_65, %max3A_66 : vector<1000x256xf32>
    %get3A_68 = arith.constant 0 : index
    %get3A_69 = arith.constant 0 : index
    %get3A_70 = vector.load %arg9[%get3A_68, %get3A_69] : memref<256x128xf32, #tpu.memory_space<vmem>>, vector<256x128xf32>
    %dot_general3A_71 = arith.constant dense<0.000000e+00> : vector<1000x128xf32>
    %dot_general3A_72 = tpu.matmul %max3A_67, %get3A_70, %dot_general3A_71 {dimension_numbers = #tpu.dot_dimension_numbers<[1], [0], [0], [1], [0, 0, 1, 1], [], []>, transpose_lhs_hint = false} : vector<1000x256xf32>, vector<256x128xf32>, vector<1000x128xf32> -> vector<1000x128xf32>
    %get3A_73 = arith.constant 0 : index
    %get3A_74 = arith.constant 0 : index
    %get3A_75 = vector.load %arg10[%get3A_73, %get3A_74] : memref<1x128xf32, #tpu.memory_space<vmem>>, vector<1x128xf32>
    %add3A_76 = vector.broadcast %get3A_75 : vector<1x128xf32> to vector<1000x128xf32>
    %add3A_77 = arith.addf %dot_general3A_72, %add3A_76 : vector<1000x128xf32>
    %add3A_78 = arith.addf %add3A_56, %add3A_77 : vector<1000x128xf32>
    %get3A_79 = arith.constant 0 : index
    %get3A_80 = arith.constant 0 : index
    %get3A_81 = vector.load %arg13[%get3A_79, %get3A_80] : memref<1x128xf32, #tpu.memory_space<vmem>>, vector<1x128xf32>
    %get3A_82 = arith.constant 0 : index
    %get3A_83 = arith.constant 0 : index
    %get3A_84 = vector.load %arg14[%get3A_82, %get3A_83] : memref<1x128xf32, #tpu.memory_space<vmem>>, vector<1x128xf32>
    %reduce_sum3A_85 = arith.constant dense<0.000000e+00> : vector<1000xf32>
    %reduce_sum3A_86 = vector.multi_reduction <add>, %add3A_78, %reduce_sum3A_85 [1] : vector<1000x128xf32> to vector<1000xf32>
    %broadcast_in_dim3A_87 = vector.shape_cast %reduce_sum3A_86 : vector<1000xf32> to vector<1000x1xf32>
    %div3A_88 = arith.constant 1.280000e+02 : f32
    %div3A_89 = vector.broadcast %div3A_88 : f32 to vector<1000x1xf32>
    %div3A_90 = arith.divf %broadcast_in_dim3A_87, %div3A_89 : vector<1000x1xf32>
    %sub3A_91 = vector.broadcast %div3A_90 : vector<1000x1xf32> to vector<1000x128xf32>
    %sub3A_92 = arith.subf %add3A_78, %sub3A_91 : vector<1000x128xf32>
    %integer_pow3A_93 = arith.mulf %sub3A_92, %sub3A_92 : vector<1000x128xf32>
    %reduce_sum3A_94 = arith.constant dense<0.000000e+00> : vector<1000xf32>
    %reduce_sum3A_95 = vector.multi_reduction <add>, %integer_pow3A_93, %reduce_sum3A_94 [1] : vector<1000x128xf32> to vector<1000xf32>
    %broadcast_in_dim3A_96 = vector.shape_cast %reduce_sum3A_95 : vector<1000xf32> to vector<1000x1xf32>
    %div3A_97 = arith.constant 1.280000e+02 : f32
    %div3A_98 = vector.broadcast %div3A_97 : f32 to vector<1000x1xf32>
    %div3A_99 = arith.divf %broadcast_in_dim3A_96, %div3A_98 : vector<1000x1xf32>
    %sub3A_100 = vector.broadcast %div3A_90 : vector<1000x1xf32> to vector<1000x128xf32>
    %sub3A_101 = arith.subf %add3A_78, %sub3A_100 : vector<1000x128xf32>
    %add3A_102 = arith.constant 9.99999974E-6 : f32
    %add3A_103 = vector.broadcast %add3A_102 : f32 to vector<1000x1xf32>
    %add3A_104 = arith.addf %div3A_99, %add3A_103 : vector<1000x1xf32>
    %rsqrt3A_105 = math.rsqrt %add3A_104 : vector<1000x1xf32>
    %mul3A_106 = vector.broadcast %rsqrt3A_105 : vector<1000x1xf32> to vector<1000x128xf32>
    %mul3A_107 = arith.mulf %sub3A_101, %mul3A_106 : vector<1000x128xf32>
    %mul3A_108 = vector.broadcast %get3A_81 : vector<1x128xf32> to vector<1000x128xf32>
    %mul3A_109 = arith.mulf %mul3A_107, %mul3A_108 : vector<1000x128xf32>
    %add3A_110 = vector.broadcast %get3A_84 : vector<1x128xf32> to vector<1000x128xf32>
    %add3A_111 = arith.addf %mul3A_109, %add3A_110 : vector<1000x128xf32>
    %swap3A = arith.constant 0 : index
    %swap3A_112 = arith.constant 0 : index
    %swap3A_113 = vector.load %arg15[%swap3A, %swap3A_112] : memref<1000x128xf32, #tpu.memory_space<vmem>>, vector<1000x128xf32>
    tpu.vector_store %arg15[%swap3A, %swap3A_112], %add3A_111 {strides = array<i32>} : memref<1000x128xf32, #tpu.memory_space<vmem>>, vector<1000x128xf32>,
    return
  }
  func.func @transform_0(%arg0: i32) -> (i32, i32) {
    %c0_i32 = arith.constant 0 : i32
    %c0_i32_0 = arith.constant 0 : i32
    return %arg0, %c0_i32 : i32, i32
  }
  func.func @transform_1(%arg0: i32) -> (i32, i32, i32) {
    %c0_i32 = arith.constant 0 : i32
    %c0_i32_0 = arith.constant 0 : i32
    %c0_i32_1 = arith.constant 0 : i32
    return %c0_i32, %arg0, %c0_i32_0 : i32, i32, i32
  }
  func.func @transform_2(%arg0: i32) -> (i32, i32, i32) {
    %c1_i32 = arith.constant 1 : i32
    %c0_i32 = arith.constant 0 : i32
    %c0_i32_0 = arith.constant 0 : i32
    return %c1_i32, %arg0, %c0_i32 : i32, i32, i32
  }
  func.func @transform_3(%arg0: i32) -> (i32, i32) {
    %c0_i32 = arith.constant 0 : i32
    %c0_i32_0 = arith.constant 0 : i32
    return %arg0, %c0_i32 : i32, i32
  }
  func.func @transform_4(%arg0: i32) -> (i32, i32) {
    %c0_i32 = arith.constant 0 : i32
    %c0_i32_0 = arith.constant 0 : i32
    return %arg0, %c0_i32 : i32, i32
  }
  func.func @transform_5(%arg0: i32) -> (i32, i32) {
    %c0_i32 = arith.constant 0 : i32
    %c0_i32_0 = arith.constant 0 : i32
    %c0_i32_1 = arith.constant 0 : i32
    return %c0_i32, %c0_i32_0 : i32, i32
  }
  func.func @transform_6(%arg0: i32) -> (i32, i32) {
    %c0_i32 = arith.constant 0 : i32
    %c0_i32_0 = arith.constant 0 : i32
    %c0_i32_1 = arith.constant 0 : i32
    return %c0_i32, %c0_i32_0 : i32, i32
  }
  func.func @transform_7(%arg0: i32) -> (i32, i32) {
    %c0_i32 = arith.constant 0 : i32
    %c0_i32_0 = arith.constant 0 : i32
    %c0_i32_1 = arith.constant 0 : i32
    return %c0_i32, %c0_i32_0 : i32, i32
  }
  func.func @transform_8(%arg0: i32) -> (i32, i32) {
    %c0_i32 = arith.constant 0 : i32
    %c0_i32_0 = arith.constant 0 : i32
    %c0_i32_1 = arith.constant 0 : i32
    return %c0_i32, %c0_i32_0 : i32, i32
  }
  func.func @transform_9(%arg0: i32) -> (i32, i32) {
    %c0_i32 = arith.constant 0 : i32
    %c0_i32_0 = arith.constant 0 : i32
    %c0_i32_1 = arith.constant 0 : i32
    return %c0_i32, %c0_i32_0 : i32, i32
  }
  func.func @transform_10(%arg0: i32) -> (i32, i32) {
    %c0_i32 = arith.constant 0 : i32
    %c0_i32_0 = arith.constant 0 : i32
    %c0_i32_1 = arith.constant 0 : i32
    return %c0_i32, %c0_i32_0 : i32, i32
  }
  func.func @transform_11(%arg0: i32) -> (i32, i32) {
    %c0_i32 = arith.constant 0 : i32
    %c0_i32_0 = arith.constant 0 : i32
    %c0_i32_1 = arith.constant 0 : i32
    return %c0_i32, %c0_i32_0 : i32, i32
  }
  func.func @transform_12(%arg0: i32) -> (i32, i32) {
    %c0_i32 = arith.constant 0 : i32
    %c0_i32_0 = arith.constant 0 : i32
    %c0_i32_1 = arith.constant 0 : i32
    return %c0_i32, %c0_i32_0 : i32, i32
  }
  func.func @transform_13(%arg0: i32) -> (i32, i32) {
    %c0_i32 = arith.constant 0 : i32
    %c0_i32_0 = arith.constant 0 : i32
    %c0_i32_1 = arith.constant 0 : i32
    return %c0_i32, %c0_i32_0 : i32, i32
  }
  func.func @transform_14(%arg0: i32) -> (i32, i32) {
    %c0_i32 = arith.constant 0 : i32
    %c0_i32_0 = arith.constant 0 : i32
    return %arg0, %c0_i32 : i32, i32
  }
}

</mosaic_0001>

<sc_bundles>
// kernel: kernel.11.cloned.1.call-start
scs
__scs_entry_jumppad:
0x0: {  	(pc) =	sbr.rel $0x88, $3  }
0x1: {  	(tag) =	ssettag $0x0;
	lr =	simm.s32 $0x1  }
0x2: {  	[smem:$0x3F8B] =	sst lr;
	_ =	strace $0xD0000000  }
0x3: {  	_ = 	snop  }
0x4: {  	_ = 	snop  }
0x5: {  	_ = 	snop  }
0x6: {  	_ = 	snop  }
0x7: {  	_ = 	snop  }
__scs_overlays_trampoline_lowered:
0x8: {  	[smem:$0x3F9A] =	sst s0  }
0x9: {  	[smem:$0x3F9B] =	sst s1  }
0xa: {  	[smem:$0x3F9C] =	sst s2  }
0xb: {  	[smem:$0x3F9D] =	sst s3  }
0xc: {  	[smem:$0x3F9E] =	sst s4  }
0xd: {  	[smem:$0x3F9F] =	sst s5  }
0xe: {  	[smem:$0x3FA0] =	sst s6  }
0xf: {  	[smem:$0x3FA1] =	sst s7  }
0x10: {  	[smem:$0x3FA2] =	sst s8  }
0x11: {  	[smem:$0x3FA3] =	sst s9;
	s0 =	simm.s32 @!p0 $0x0  }
0x12: {  	s1 =	sld [smem:$0x3F89];
	s0 =	simm.s32 @p0 $0x1  }
0x13: {  	[smem:$0x3FA4] =	sst s0;
	s0 =	simm.s32 @!p1 $0x0  }
0x14: {  	s2 =	sld [smem:$0x3F88];
	s0 =	simm.s32 @p1 $0x1  }
0x15: {  	[smem:$0x3FA5] =	sst s0;
	s0 =	simm.s32 @!p2 $0x0  }
0x16: {  	s3 =	sld [smem:$0x3FDB];
	s0 =	simm.s32 @p2 $0x1  }
0x17: {  	s4 =	simm.s32 $0x1BF5;
	[smem:$0x3FA7] =	sst s0  }
0x18: {  	s0 =	sld [smem:$0x3F8A];
	_ =	swait.ge [sflag:s4], $0x0  }
0x19: {  	s7 =	sld [smem:$0x3F8B]  }
0x1a: {  	s8 =	sadd.s32 $0xFFFFE003, lr  }
0x1b: {  	s9 =	sadd.s32 $0xFFFFFEF7, lr;
	s5 =	simm.s32 $0xFFFFFFFF;
	p2 =	slt.u32 s8, $0xFFFFF086  }
0x1c: {  	p1 =	slt.u32 s9, $0xF7A;
	s5 =	simm.s32 @!p2 $0x0  }
0x1d: {  	s5 =	simm.s32 @p1 $0x1;
	p0 =	seq.s32 s7, s2  }
0x1e: {  	s7 =	smul.u32 @!p0 $0xF7A, s2;
	p2 =	seq.s32 @!p0 s5, $0x0  }
0x1f: {  	s9 =	smul.u32 $0xF7A, s1;
	s8 =	simm.s32 @!p0 $0x1BF5;
	p2 =	por !p2, p0  }
0x20: {  	[sflag:s8] =	ssyncset.s32 @!p0 $0xFFFFF086;
	s6 =	sadd.s32 @!p0 s3, s7;
	s7 =	simm.s32 @!p0 $0x108  }
0x21: {  	s3 =	sadd.s32 s3, s9;
	s6 =	sadd.s32 @!p0 $0x88, s6;
	s7 =	simm.s32 @p2 $0x1082  }
0x22: {  	[simem:s7], [sflag:s8] =	dma.local @!p0 [hbm:s6], $0xF7A  }
0x23: {  	s9 =	sor.u32 $0xD0000000, s2;
	s6 =	simm.s32 $0x108;
	_ =	swait.ge @!p0 [sflag:s8], $0x0  }
0x24: {  	s3 =	sadd.s32 $0x88, s3;
	s6 =	simm.s32 @!p1 $0x1082;
	[sflag:s4] =	ssyncset.s32 $0xFFFFF086  }
0x25: {  	[simem:s6], [sflag:s4] =	dma.local [hbm:s3], $0xF7A  }
0x26: {  	[smem:$0x3F8B] =	sst s1;
	(tag) =	ssettag s2;
	_ =	strace s9  }
0x27: {  	s1 =	sld [smem:$0x3F9B]  }
0x28: {  	s2 =	sld [smem:$0x3F9C]  }
0x29: {  	s4 =	sld [smem:$0x3F9E]  }
0x2a: {  	p0 =	seq.s32 s5, $0x0;
	s5 =	sld [smem:$0x3F9F]  }
0x2b: {  	s6 =	sld [smem:$0x3FA0]  }
0x2c: {  	s7 =	sld [smem:$0x3FA1]  }
0x2d: {  	s3 =	simm.s32 $0x108;
	s8 =	sld [smem:$0x3FA2]  }
0x2e: {  	s3 =	simm.s32 @!p0 $0x1082;
	s9 =	sld [smem:$0x3FA3]  }
0x2f: {  	lr =	sadd.s32 s0, s3;
	s0 =	sld [smem:$0x3F9A]  }
0x30: {  	s3 =	sld [smem:$0x3F9D]  }
0x31: {  	[smem:$0x3FA6] =	sst s10  }
0x32: {  	s10 =	sld [smem:$0x3FA4];
	_ =	sdelay $0x3  }
0x33: {  	p0 =	seq.s32 s10, $0x1;
	s10 =	sld [smem:$0x3FA6];
	_ =	sdelay $0x3  }
0x34: {  	[smem:$0x3FA6] =	sst s10  }
0x35: {  	s10 =	sld [smem:$0x3FA5];
	_ =	sdelay $0x3  }
0x36: {  	p1 =	seq.s32 s10, $0x1;
	s10 =	sld [smem:$0x3FA6];
	_ =	sdelay $0x3  }
0x37: {  	[smem:$0x3FA6] =	sst s10  }
0x38: {  	s10 =	sld [smem:$0x3FA7]  }
0x39: {  	_ = 	snop;
	(pc) =	sbr.ind lr, $3  }
0x3a: {  	_ = 	snop  }
0x3b: {  	_ = 	snop  }
0x3c: {  	p2 =	seq.s32 s10, $0x1;
	s10 =	sld [smem:$0x3FA6]  }
0x3d: {  	_ =	shalt  }
0x3e: {  	_ =	shalt  }
0x3f: {  	_ =	shalt  }
0x40: {  	_ =	shalt  }
0x41: {  	_ =	shalt  }
0x42: {  	_ =	shalt  }
0x43: {  	_ =	shalt  }
0x44: {  	_ =	shalt  }
0x45: {  	_ =	shalt  }
0x46: {  	_ =	shalt  }
0x47: {  	_ =	shalt  }
0x48: {  	_ =	shalt  }
0x49: {  	_ =	shalt  }
0x4a: {  	_ =	shalt  }
0x4b: {  	_ =	shalt  }
0x4c: {  	_ =	shalt  }
0x4d: {  	_ =	shalt  }
0x4e: {  	_ =	shalt  }
0x4f: {  	_ =	shalt  }
0x50: {  	_ =	shalt  }
0x51: {  	_ =	shalt  }
0x52: {  	_ =	shalt  }
0x53: {  	_ =	shalt  }
0x54: {  	_ =	shalt  }
0x55: {  	_ =	shalt  }
0x56: {  	_ =	shalt  }
0x57: {  	_ =	shalt  }
0x58: {  	_ =	shalt  }
0x59: {  	_ =	shalt  }
0x5a: {  	_ =	shalt  }
0x5b: {  	_ =	shalt  }
0x5c: {  	_ =	shalt  }
0x5d: {  	_ =	shalt  }
0x5e: {  	_ =	shalt  }
0x5f: {  	_ =	shalt  }
0x60: {  	_ =	shalt  }
0x61: {  	_ =	shalt  }
0x62: {  	_ =	shalt  }
0x63: {  	_ =	shalt  }
0x64: {  	_ =	shalt  }
0x65: {  	_ =	shalt  }
0x66: {  	_ =	shalt  }
0x67: {  	_ =	shalt  }
0x68: {  	_ =	shalt  }
0x69: {  	_ =	shalt  }
0x6a: {  	_ =	shalt  }
0x6b: {  	_ =	shalt  }
0x6c: {  	_ =	shalt  }
0x6d: {  	_ =	shalt  }
0x6e: {  	_ =	shalt  }
0x6f: {  	_ =	shalt  }
0x70: {  	_ =	shalt  }
0x71: {  	_ =	shalt  }
0x72: {  	_ =	shalt  }
0x73: {  	_ =	shalt  }
0x74: {  	_ =	shalt  }
0x75: {  	_ =	shalt  }
0x76: {  	_ =	shalt  }
0x77: {  	_ =	shalt  }
0x78: {  	_ =	shalt  }
0x79: {  	_ =	shalt  }
0x7a: {  	_ =	shalt  }
0x7b: {  	_ =	shalt  }
0x7c: {  	_ =	shalt  }
0x7d: {  	_ =	shalt  }
0x7e: {  	_ =	shalt  }
0x7f: {  	_ =	shalt  }
0x80: {  	_ =	shalt  }
0x81: {  	_ =	shalt  }
0x82: {  	_ =	shalt  }
0x83: {  	_ =	shalt  }
0x84: {  	_ =	shalt  }
0x85: {  	_ =	shalt  }
0x86: {  	_ =	shalt  }
0x87: {  	_ =	shalt  }
.Lfunc_end0:
.L_simem_size_0:
called_computation.1_lowered:
.L_overlay_start_0:
0x88: {  	s2 =	sld [smem:$0x3FD9]  }
0x89: {  	s3 =	sld [smem:$0x3FFE];
	_ =	sdelay $0x1  }
0x8a: {  	s1 =	srdreg.scid  }
0x8b: {  	s0 =	sand.u32 $0x1, s1  }
0x8c: {  	s17 =	sshll.u32 s0, $0xA;
	s2 =	sadd.s32 s3, s2  }
0x8d: {  	s2 =	sadd.s32 s2, s17  }
0x8e: {  	[smem:$0x3FB2] =	sst s2  }
0x8f: {  	_ = 	snop  }
0x90: {  	s2 =	sld [smem:$0x3FD0];
	(tm) =	ssettm $0x1  }
0x91: {  	s18 =	sld [smem:$0x3FFB];
	_ =	sdelay $0x3  }
0x92: {  	_ =	strace s18  }
0x93: {  	s3 =	sld [smem:$0x3FFC];
	_ =	sdelay $0x3  }
0x94: {  	_ =	strace s3  }
0x95: {  	s3 =	sld [smem:$0x3FFD];
	_ =	sdelay $0x3  }
0x96: {  	_ =	strace s3  }
0x97: {  	_ =	strace $0x8FFFFFFF  }
0x98: {  	s19 =	sld [smem:$0x3FDB];
	_ =	sdelay $0x1  }
0x99: {  	s4 =	simm.s32 $_scs_section_size  }
0x9a: {  	s5 =	simm.s32 $_size__tile_overlayer_lowered;
	s6 =	simm.s32 $_tile_overlayer_lowered  }
0x9b: {  	s22 =	simm.s32 $0x1BFF;
	s21 =	sshll.u32 s6, $0x1;
	s3 =	sadd.s32 s4, s19  }
0x9c: {  	s7 =	simm.s32 $0x0;
	s20 =	sshll.u32 s5, $0x1;
	s5 =	sadd.s32 s21, s3  }
0x9d: {  	[timem:s7], [sflag:s22] =	dma.local [hbm:s5], s20  }
0x9e: {  	_ =	swait.ge [sflag:s22], s20  }
0x9f: {  	s4 =	ssub.s32 $0x0, s20;
	[sflag:s22] =	ssyncset.done $0x0  }
0xa0: {  	[sflag:s22] =	ssyncadd.s32 s4;
	_ =	sdelay $0x1  }
0xa1: {  	s23 =	simm.s32 $0x1B8B  }
0xa2: {  	_ =	swait.ge [sflag:s23], $0x1  }
0xa3: {  	[sflag:s23] =	ssyncset.done $0x0  }
0xa4: {  	s25 =	simm.s32 $0x1B8E;
	s24 =	sld [smem:$0x3FFE];
	[sflag:s23] =	ssyncadd.s32 $0xFFFFFFFF  }
0xa5: {  	s26 =	simm.s32 $execute0_lowered;
	[smem:$0x3FD2] =	sst s25  }
0xa6: {  	s5 =	sshll.u32 s26, $0x1;
	_ =	strace $0x80000049;
	[dreg:$0x1] =	wrdreg $0xFFFFFFFF  }
0xa7: {  	s28 =	simm.s32 $_size_execute0_lowered;
	s3 =	sadd.s32 s3, s5;
	[dreg:$0x0] =	wrdreg $0x0  }
0xa8: {  	s5 =	sshll.u32 s28, $0x1;
	[dreg:$0x2] =	wrdreg s3  }
0xa9: {  	[dreg:$0x3] =	wrdreg s5  }
0xaa: {  	[dreg:$0x4] =	wrdreg $0xC0  }
0xab: {  	_ =	task [dreg:s7], $0x5FFFF  }
0xac: {  	[dreg:$0x1] =	wrdreg $0xFFFFFFFF  }
0xad: {  	[dreg:$0x0] =	wrdreg $0x60  }
0xae: {  	[dreg:$0x2] =	wrdreg s2  }
0xaf: {  	[dreg:$0x3] =	wrdreg s24  }
0xb0: {  	[dreg:$0x4] =	wrdreg $0xA1000  }
0xb1: {  	[dreg:$0x5] =	wrdreg $0x9  }
0xb2: {  	_ =	task.clear_ibuf [dreg:s7], $0x6FFFF;
	_ =	strace $0x90000049  }
0xb3: {  	s29 =	simm.s32 $0x9;
	_ =	strace $0x8000004B  }
0xb4: {  	_ =	swait.ge [sflag:s29], $0x1  }
0xb5: {  	[sflag:s29] =	ssyncadd.s32 $0xFFFFFFFF  }
0xb6: {  	_ =	strace $0x9000004B  }
0xb7: {  	_ =	sfence  }
0xb8: {  	s30 =	sld [smem:$0x0];
	_ =	sdelay $0x2  }
0xb9: {  	s31 =	sshll.u32 s1, $0xD;
	s1 =	sshrl.u32 s1, $0x2  }
0xba: {  	s3 =	sand.u32 $0x4000, s31;
	s1 =	sadd.s32 s1, s30  }
0xbb: {  	s0 =	sor.u32 s3, s0;
	s1 =	sshll.u32 s1, $0x11  }
0xbc: {  	s0 =	sor.u32 s1, s0  }
0xbd: {  	s0 =	sadd.s32 $0x8F2B, s0  }
0xbe: {  	[sflag:s0] =	ssyncadd.remote.s32 $0x1  }
0xbf: {  	_ =	sfence.sel $0xFFFF  }
0xc0: {  	[dreg:$0x0] =	wrdreg $0xFFFFFFFF;
	(pc) =	sbr.abs _section_cstart, $3  }
0xc1: {  	[dreg:$0x1] =	wrdreg $0xFFFFFFFF  }
0xc2: {  	_ =	task.clear_ibuf [dreg:s7], $0x2FFFF;
	_ =	strace $0x9FFFFFFF  }
0xc3: {  	(tm) =	ssettm $0x7FFFFFFF  }
tec
execute0_lowered:
.L_overlay_start_1:
0x0: {  	(tag) =	ssettag $0x1  }
0x1: {  	s0 =	rddreg [dreg:$0x0]  }
0x2: {  	s1 =	rddreg [dreg:$0x1]  }
0x3: {  	s2 =	srdreg.scid;
	s30 =	stileid.u32  }
0x4: {  	s3 =	rddreg [dreg:$0x2];
	s4 =	simm.s32 $0x0;
	s6 =	smul.u32 $0x14000, s30  }
0x5: {  	s2 =	sand.u32 $0x1, s2;
	[smem:$0x7FF] =	sst s4;
	s8 =	smul.u32 $0x50000, s30  }
0x6: {  	s7 =	sshll.u32 s30, $0x1;
	s10 =	smul.u32 $0x2800, s30;
	s28 =	sadd.s32 $0x25800, s0  }
0x7: {  	s29 =	smul.u32 $0x4E20, s30;
	s15 =	sadd.s32 $0x138800, s3;
	s17 =	sadd.s32 $0x13B000, s3  }
0x8: {  	s18 =	sadd.s32 $0x13D800, s3;
	_ =	strace $0x8000004A;
	[dreg:$0x5] =	wrdreg s28  }
0x9: {  	s5 =	smul.u32 $0x140000, s2;
	s23 =	sor.u32 s2, s7;
	[dreg:$0xc] =	wrdreg s15  }
0xa: {  	s7 =	sadd.s32 $0x4E00, s1;
	s24 =	ssub.s32 $0x2, s2;
	[dreg:$0xd] =	wrdreg s17  }
0xb: {  	p0 =	seq.s32 s2, $0x1;
	s2 =	smul.u32 $0x2710, s2;
	[dreg:$0xe] =	wrdreg s18  }
0xc: {  	s15 =	simm.s32 $0x2880;
	s17 =	simm.s32 $0x5;
	s18 =	simm.s32 $0x2  }
0xd: {  	s9 =	sshrl.u32 s24, $0x1;
	s25 =	sshrl.u32 s8, $0x2;
	s26 =	sadd.s32 s0, s10  }
0xe: {  	s8 =	sadd.s32 $0x12C000, s3;
	p2 =	seq.s32 @!p0 s30, $0xF;
	s10 =	simm.s32 $0x2900  }
0xf: {  	s5 =	sadd.s32 s6, s5;
	s6 =	smul.u32 $0x2710, s23;
	s9 =	ssub.s32 s24, s9  }
0x10: {  	[dreg:$0x4] =	wrdreg s26;
	s16 =	sadd.s32 s2, s29;
	s5 =	sshrl.u32 s5, $0x3  }
0x11: {  	s14 =	smax.u32 s9, $0x1;
	s1 =	sadd.s32 s5, s1;
	s6 =	sshrl.u32 s6, $0x3  }
0x12: {  	[dreg:$0xb] =	wrdreg s14;
	s5 =	sadd.s32 s7, s6;
	s1 =	sadd.s32 $0x3FA00, s1  }
0x13: {  	p1 =	por !p2, p0;
	s11 =	sadd.s32 $0x9C40, s5;
	[dreg:$0xa] =	wrdreg s1  }
0x14: {  	p2 =	por p2, p0;
	s31 =	sadd.s32 $0x9C4A, s5;
	[dreg:$0x6] =	wrdreg s11  }
0x15: {  	s19 =	sadd.s32 $0x4E480, s16;
	s12 =	sadd.s32 $0x9C54, s5;
	[dreg:$0x7] =	wrdreg s31  }
0x16: {  	s6 =	sadd.s32 s25, s3;
	s13 =	sadd.s32 $0x9C5E, s5;
	[dreg:$0x8] =	wrdreg s12  }
0x17: {  	s23 =	sadd.s32 $0x4E4D0, s16;
	s20 =	sadd.s32 $0x2800, s6;
	[dreg:$0x9] =	wrdreg s13  }
0x18: {  	s9 =	simm.s32 $0x50;
	s21 =	sadd.s32 $0x5000, s6;
	[dreg:$0xf] =	wrdreg s20  }
0x19: {  	s2 =	sshrl.u32 s19, $0x3;
	s22 =	sadd.s32 $0x7800, s6;
	[dreg:$0x10] =	wrdreg s21  }
0x1a: {  	s14 =	simm.s32 $0x5100;
	s24 =	sadd.s32 $0xA000, s6;
	[dreg:$0x11] =	wrdreg s22  }
0x1b: {  	s19 =	simm.s32 $0x6;
	s25 =	sadd.s32 $0xC800, s6;
	[dreg:$0x12] =	wrdreg s24  }
0x1c: {  	s1 =	sadd.s32 $0x4E430, s16;
	s26 =	sadd.s32 $0xF000, s6;
	[dreg:$0x14] =	wrdreg s25  }
0x1d: {  	s28 =	sadd.s32 $0x11800, s6;
	s29 =	sadd.s32 $0x9C68, s5;
	[dreg:$0x15] =	wrdreg s26  }
0x1e: {  	s16 =	simm.s32 $0x7900;
	s21 =	sadd.s32 s2, s7;
	[dreg:$0x16] =	wrdreg s28  }
0x1f: {  	s2 =	sshrl.u32 s23, $0x3;
	s1 =	sshrl.u32 s1, $0x3;
	[dreg:$0x17] =	wrdreg s29  }
0x20: {  	s31 =	sadd.s32 $0x9C72, s5;
	s11 =	simm.s32 $0x1;
	s12 =	simm.s32 $0x7  }
.Ltmp0:
0x21: {  	s13 =	simm.s32 $0x2800;
	s20 =	simm.s32 $0x3;
	(pc) =	sbr.rel .LBB2_1-.Ltmp0, $4  }
0x22: {  	s24 =	simm.s32 $0x8;
	s25 =	simm.s32 $0x9;
	s26 =	simm.s32 $0x0  }
0x23: {  	s22 =	sadd.s32 s2, s7;
	s23 =	sadd.s32 s1, s7;
	s1 =	sshrl.u32 @!p1 s8, $0x3  }
0x24: {  	[dreg:$0x18] =	wrdreg s31;
	s7 =	simm.s32 $0xA;
	s2 =	simm.s32 $0x2780  }
0x25: {  	v0 =	vimm.f32 $0.0e+00;
	s8 =	simm.s32 $0x4;
	[dreg:$0x13] =	wrdreg s1;
	s1 =	sadd.s32 $0x9C7C, s5  }
.LBB2_6:
0x26: {  	_ =	swait.ge [sflag:s19], $0x50  }
0x27: {  	[sflag:s19] =	ssyncset.done $0x0  }
0x28: {  	[sflag:s19] =	ssyncadd.s32 $0xFFFFFFB0  }
0x29: {  	_ =	swait.ge [sflag:s20], $0x2800  }
0x2a: {  	[sflag:s20] =	ssyncset.done $0x0  }
0x2b: {  	[sflag:s20] =	ssyncadd.s32 $0xFFFFD800  }
0x2c: {  	[spmem:s3] =	stream.indirect.scatter.add.f32 [tilespmem:s16], [sflag:$0x9], $0x80, s15, s9, $0xb8;
	[tilespmem:$0x1E100] =	vst v63  }
0x2d: {  	_ =	swait.ge [sflag:s24], $0x2800  }
0x2e: {  	[sflag:s24] =	ssyncset.done $0x0  }
0x2f: {  	[sflag:s24] =	ssyncadd.s32 $0xFFFFD800  }
0x30: {  	_ =	swait.ge [sflag:s25], $0x2800  }
0x31: {  	[sflag:s25] =	ssyncset.done $0x0  }
0x32: {  	s30 =	stileid.u32;
	[sflag:s25] =	ssyncadd.s32 $0xFFFFD800  }
0x33: {  	s28 =	sshll.u32 s30, $0x6;
	[bflag:$0x0] =	sbarrier.arrive $0xFFFF  }
0x34: {  	s29 =	sshrl.u32 s6, $0x3;
	s28 =	sor.u32 $0x1C0A, s28;
	s31 =	rddreg [dreg:$0xa]  }
0x35: {  	[hbm:s31], [sflag:s28] =	dma.local [spmem:s29], $0x2800  }
0x36: {  	_ =	swait.ge [sflag:s7], $0x2800  }
0x37: {  	s26 =	sadd.s32 $0x1, s26;
	s31 =	rddreg [dreg:$0xb]  }
0x38: {  	p3 =	sne.s32 s26, s31  }
.Ltmp1:
0x39: {  	_ = 	snop;
	(pc) =	sbr.rel @!p3 .LBB2_7-.Ltmp1, $3  }
0x3a: {  	_ =	sdelay $0x1  }
0x3b: {  	[sflag:s7] =	ssyncset.done $0x0  }
0x3c: {  	[sflag:s7] =	ssyncadd.s32 $0xFFFFD800  }
.LBB2_1:
0x3d: {  	[tilespmem:s4], [sflag:$0xA] =	stream.linear.gather [hbm4b:s5+s4], $0x2710, $0x38;
	[tilespmem:$0x1E100] =	vst v63  }
0x3e: {  	_ =	swait.ge [sflag:s7], $0x2710  }
0x3f: {  	[sflag:s7] =	ssyncset.done $0x0  }
0x40: {  	s28 =	simm.s32 $0x0;
	s29 =	simm.s32 $0x200;
	[sflag:s7] =	ssyncadd.s32 $0xFFFFD8F0  }
.LBB2_2:
0x41: {  	p3 =	sne.s32 s29, $0x9E00;
	[tilespmem:s28+$0x2970] =	vst v0  }
0x42: {  	[tilespmem:s28+$0x2900] =	vst v0  }
0x43: {  	[tilespmem:s28+$0x2910] =	vst v0  }
.Ltmp2:
0x44: {  	[tilespmem:s28+$0x2920] =	vst v0;
	(pc) =	sbr.rel @p3 .LBB2_2-.Ltmp2, $4  }
0x45: {  	[tilespmem:s28+$0x2930] =	vst v0  }
0x46: {  	[tilespmem:s28+$0x2940] =	vst v0  }
0x47: {  	[tilespmem:s28+$0x2950] =	vst v0  }
0x48: {  	[tilespmem:s28+$0x2960] =	vst v0;
	s28 =	sshra.s32 s29, $0x2;
	s29 =	sadd.s32 $0x200, s29  }
0x49: {  	[tilespmem:s28+$0x2970] =	vst v0  }
0x4a: {  	[tilespmem:s28+$0x2900] =	vst v0  }
0x4b: {  	[tilespmem:s28+$0x2910] =	vst v0  }
0x4c: {  	[tilespmem:s28+$0x2920] =	vst v0  }
0x4d: {  	[tilespmem:s28+$0x2930] =	vst v0  }
0x4e: {  	[tilespmem:s28+$0x2940] =	vst v0  }
0x4f: {  	[tilespmem:s28+$0x2950] =	vst v0;
	s29 =	rddreg [dreg:$0x5]  }
0x50: {  	[tilespmem:s28+$0x2960] =	vst v0;
	s28 =	simm.s32 @!p1 $0x1FCA;
	s31 =	rddreg [dreg:$0x13]  }
0x51: {  	[spmem:s31], [sflag:s28] =	dma.local @!p1 [hbm:s29], $0x1900  }
0x52: {  	s28 =	simm.s32 @!p1 $0xA  }
0x53: {  	_ =	swait.ge @!p1 [sflag:s28], $0x1900  }
0x54: {  	[sflag:s28] =	ssyncset.done @!p1 $0x0  }
0x55: {  	s29 =	simm.s32 @!p1 $0x2900;
	s31 =	rddreg [dreg:$0xc];
	[sflag:s28] =	ssyncadd.s32 @!p1 $0xFFFFE700  }
0x56: {  	[spmem:s31] =	stream.linear.scatter @!p1 [tilespmem:s29], [sflag:$0xA], $0x2800, $0x38;
	[tilespmem:$0x1E100] =	vst v63  }
0x57: {  	_ =	swait.ge @!p1 [sflag:s28], $0x2800  }
0x58: {  	[sflag:s28] =	ssyncset.done @!p1 $0x0  }
0x59: {  	s31 =	rddreg [dreg:$0xd];
	[sflag:s28] =	ssyncadd.s32 @!p1 $0xFFFFD800  }
0x5a: {  	[spmem:s31] =	stream.linear.scatter @!p1 [tilespmem:s29], [sflag:$0xA], $0x2800, $0x38;
	[tilespmem:$0x1E100] =	vst v63  }
0x5b: {  	_ =	swait.ge @!p1 [sflag:s28], $0x2800  }
0x5c: {  	[sflag:s28] =	ssyncset.done @!p1 $0x0  }
0x5d: {  	[sflag:s28] =	ssyncadd.s32 @!p1 $0xFFFFD800;
	s28 =	rddreg [dreg:$0xe]  }
0x5e: {  	[spmem:s28] =	stream.linear.scatter @!p1 [tilespmem:s29], [sflag:$0xA], $0x2800, $0x38;
	[tilespmem:$0x1E100] =	vst v63  }
0x5f: {  	s28 =	sshll.u32 @!p2 s30, $0x6  }
0x60: {  	s29 =	sshrl.u32 @!p2 s6, $0x3;
	s30 =	rddreg [dreg:$0x4];
	s28 =	sor.u32 @!p2 $0x1C0A, s28  }
0x61: {  	[spmem:s29], [sflag:s28] =	dma.local @!p2 [hbm:s30], $0x2800  }
0x62: {  	s28 =	simm.s32 @p0 $0x2900;
	s29 =	simm.s32 @p0 $0xA  }
0x63: {  	[spmem:s6] =	stream.linear.scatter @p0 [tilespmem:s28], [sflag:$0xA], $0x2800, $0x38;
	[tilespmem:$0x1E100] =	vst v63  }
0x64: {  	_ =	swait.ge @p0 [sflag:s29], $0x2800  }
0x65: {  	[sflag:s29] =	ssyncset.done @p0 $0x0  }
0x66: {  	s30 =	rddreg [dreg:$0xf];
	[sflag:s29] =	ssyncadd.s32 @p0 $0xFFFFD800  }
0x67: {  	[spmem:s30] =	stream.linear.scatter @p0 [tilespmem:s28], [sflag:$0xA], $0x2800, $0x38;
	[tilespmem:$0x1E100] =	vst v63  }
0x68: {  	_ =	swait.ge @p0 [sflag:s29], $0x2800  }
0x69: {  	[sflag:s29] =	ssyncset.done @p0 $0x0  }
0x6a: {  	s30 =	rddreg [dreg:$0x10];
	[sflag:s29] =	ssyncadd.s32 @p0 $0xFFFFD800  }
0x6b: {  	[spmem:s30] =	stream.linear.scatter @p0 [tilespmem:s28], [sflag:$0xA], $0x2800, $0x38;
	[tilespmem:$0x1E100] =	vst v63  }
0x6c: {  	_ =	swait.ge @p0 [sflag:s29], $0x2800  }
0x6d: {  	[sflag:s29] =	ssyncset.done @p0 $0x0  }
0x6e: {  	s30 =	rddreg [dreg:$0x11];
	[sflag:s29] =	ssyncadd.s32 @p0 $0xFFFFD800  }
0x6f: {  	[spmem:s30] =	stream.linear.scatter @p0 [tilespmem:s28], [sflag:$0xA], $0x2800, $0x38;
	[tilespmem:$0x1E100] =	vst v63  }
0x70: {  	_ =	swait.ge @p0 [sflag:s29], $0x2800  }
0x71: {  	[sflag:s29] =	ssyncset.done @p0 $0x0  }
0x72: {  	s30 =	rddreg [dreg:$0x12];
	[sflag:s29] =	ssyncadd.s32 @p0 $0xFFFFD800  }
0x73: {  	[spmem:s30] =	stream.linear.scatter @p0 [tilespmem:s28], [sflag:$0xA], $0x2800, $0x38;
	[tilespmem:$0x1E100] =	vst v63  }
0x74: {  	_ =	swait.ge @p0 [sflag:s29], $0x2800  }
0x75: {  	[sflag:s29] =	ssyncset.done @p0 $0x0  }
0x76: {  	s30 =	rddreg [dreg:$0x14];
	[sflag:s29] =	ssyncadd.s32 @p0 $0xFFFFD800  }
0x77: {  	[spmem:s30] =	stream.linear.scatter @p0 [tilespmem:s28], [sflag:$0xA], $0x2800, $0x38;
	[tilespmem:$0x1E100] =	vst v63  }
0x78: {  	_ =	swait.ge @p0 [sflag:s29], $0x2800  }
0x79: {  	[sflag:s29] =	ssyncset.done @p0 $0x0  }
0x7a: {  	s30 =	rddreg [dreg:$0x15];
	[sflag:s29] =	ssyncadd.s32 @p0 $0xFFFFD800  }
0x7b: {  	[spmem:s30] =	stream.linear.scatter @p0 [tilespmem:s28], [sflag:$0xA], $0x2800, $0x38;
	[tilespmem:$0x1E100] =	vst v63  }
0x7c: {  	_ =	swait.ge @p0 [sflag:s29], $0x2800  }
0x7d: {  	[sflag:s29] =	ssyncset.done @p0 $0x0  }
0x7e: {  	[sflag:s29] =	ssyncadd.s32 @p0 $0xFFFFD800;
	s29 =	rddreg [dreg:$0x16]  }
0x7f: {  	[spmem:s29] =	stream.linear.scatter @p0 [tilespmem:s28], [sflag:$0xA], $0x2800, $0x38;
	[tilespmem:$0x1E100] =	vst v63  }
0x80: {  	_ =	swait.ge [sflag:s7], $0x2800  }
0x81: {  	[sflag:s7] =	ssyncset.done $0x0  }
0x82: {  	[sflag:s7] =	ssyncadd.s32 $0xFFFFD800  }
0x83: {  	[bflag:$0x0] =	sbarrier.arrive $0xFFFF  }
0x84: {  	s28 =	simm.s32 $0x0;
	s29 =	rddreg [dreg:$0x6]  }
0x85: {  	[tilespmem:s2], [sflag:$0x4] =	stream.linear.gather [hbm4b:s29+s28], $0x50, $0x38;
	[tilespmem:$0x1E100] =	vst v63  }
0x86: {  	_ =	swait.ge [sflag:s8], $0x50  }
0x87: {  	[sflag:s8] =	ssyncset.done $0x0  }
0x88: {  	[sflag:s8] =	ssyncadd.s32 $0xFFFFFFB0  }
0x89: {  	[tilespmem:s10], [sflag:$0x1] =	stream.indirect.gather [hbm4b:s0+s9], $0x80, s28, s9, $0xb8;
	[tilespmem:$0x1E100] =	vst v63  }
0x8a: {  	_ =	swait.ge [sflag:s11], $0x2800  }
0x8b: {  	[sflag:s11] =	ssyncset.done $0x0  }
0x8c: {  	[sflag:s11] =	ssyncadd.s32 $0xFFFFD800  }
0x8d: {  	[spmem:s3] =	stream.indirect.scatter.add.f32 [tilespmem:s10], [sflag:$0x7], $0x80, s2, s9, $0xb8;
	[tilespmem:$0x1E100] =	vst v63  }
0x8e: {  	_ =	swait.ge [sflag:s12], $0x2800  }
0x8f: {  	[sflag:s12] =	ssyncset.done $0x0  }
0x90: {  	s29 =	rddreg [dreg:$0x7];
	[sflag:s12] =	ssyncadd.s32 $0xFFFFD800  }
0x91: {  	[tilespmem:s2], [sflag:$0x4] =	stream.linear.gather [hbm4b:s29+s28], $0x50, $0x38;
	[tilespmem:$0x1E100] =	vst v63  }
0x92: {  	_ =	swait.ge [sflag:s8], $0x50  }
0x93: {  	[sflag:s8] =	ssyncset.done $0x0  }
0x94: {  	[sflag:s8] =	ssyncadd.s32 $0xFFFFFFB0  }
0x95: {  	[tilespmem:s10], [sflag:$0x1] =	stream.indirect.gather [hbm4b:s0+s9], $0x80, s9, s9, $0xb8;
	[tilespmem:$0x1E100] =	vst v63  }
0x96: {  	_ =	swait.ge [sflag:s11], $0x2800  }
0x97: {  	[sflag:s11] =	ssyncset.done $0x0  }
0x98: {  	[sflag:s11] =	ssyncadd.s32 $0xFFFFD800  }
0x99: {  	[spmem:s3] =	stream.indirect.scatter.add.f32 [tilespmem:s10], [sflag:$0x7], $0x80, s2, s9, $0xb8;
	[tilespmem:$0x1E100] =	vst v63  }
0x9a: {  	_ =	swait.ge [sflag:s12], $0x2800  }
0x9b: {  	[sflag:s12] =	ssyncset.done $0x0  }
0x9c: {  	s29 =	rddreg [dreg:$0x8];
	[sflag:s12] =	ssyncadd.s32 $0xFFFFD800  }
0x9d: {  	[tilespmem:s2], [sflag:$0x4] =	stream.linear.gather [hbm4b:s29+s28], $0x50, $0x38;
	[tilespmem:$0x1E100] =	vst v63  }
0x9e: {  	s29 =	simm.s32 $0xA0  }
0x9f: {  	[tilespmem:s10], [sflag:$0x1] =	stream.indirect.gather [hbm4b:s0+s9], $0x80, s29, s9, $0xb8;
	[tilespmem:$0x1E100] =	vst v63  }
0xa0: {  	s29 =	rddreg [dreg:$0x9]  }
0xa1: {  	[tilespmem:s13], [sflag:$0x5] =	stream.linear.gather [hbm4b:s29+s28], $0x50, $0x38;
	[tilespmem:$0x1E100] =	vst v63  }
0xa2: {  	s29 =	simm.s32 $0xF0  }
0xa3: {  	[tilespmem:s14], [sflag:$0x2] =	stream.indirect.gather [hbm4b:s0+s9], $0x80, s29, s9, $0xb8;
	[tilespmem:$0x1E100] =	vst v63  }
0xa4: {  	_ =	swait.ge [sflag:s8], $0x50  }
0xa5: {  	[sflag:s8] =	ssyncset.done $0x0  }
0xa6: {  	[sflag:s8] =	ssyncadd.s32 $0xFFFFFFB0  }
0xa7: {  	_ =	swait.ge [sflag:s11], $0x2800  }
0xa8: {  	[sflag:s11] =	ssyncset.done $0x0  }
0xa9: {  	[sflag:s11] =	ssyncadd.s32 $0xFFFFD800  }
0xaa: {  	[spmem:s3] =	stream.indirect.scatter.add.f32 [tilespmem:s10], [sflag:$0x7], $0x80, s2, s9, $0xb8;
	[tilespmem:$0x1E100] =	vst v63  }
0xab: {  	s29 =	rddreg [dreg:$0x17]  }
0xac: {  	[tilespmem:s15], [sflag:$0x6] =	stream.linear.gather [hbm4b:s29+s28], $0x50, $0x38;
	[tilespmem:$0x1E100] =	vst v63  }
0xad: {  	s29 =	simm.s32 $0x140  }
0xae: {  	[tilespmem:s16], [sflag:$0x3] =	stream.indirect.gather [hbm4b:s0+s9], $0x80, s29, s9, $0xb8;
	[tilespmem:$0x1E100] =	vst v63  }
0xaf: {  	_ =	swait.ge [sflag:s17], $0x50  }
0xb0: {  	[sflag:s17] =	ssyncset.done $0x0  }
0xb1: {  	[sflag:s17] =	ssyncadd.s32 $0xFFFFFFB0  }
0xb2: {  	_ =	swait.ge [sflag:s18], $0x2800  }
0xb3: {  	[sflag:s18] =	ssyncset.done $0x0  }
0xb4: {  	[sflag:s18] =	ssyncadd.s32 $0xFFFFD800  }
0xb5: {  	[spmem:s3] =	stream.indirect.scatter.add.f32 [tilespmem:s14], [sflag:$0x8], $0x80, s13, s9, $0xb8;
	[tilespmem:$0x1E100] =	vst v63  }
0xb6: {  	_ =	swait.ge [sflag:s12], $0x2800  }
0xb7: {  	[sflag:s12] =	ssyncset.done $0x0  }
0xb8: {  	s29 =	rddreg [dreg:$0x18];
	[sflag:s12] =	ssyncadd.s32 $0xFFFFD800  }
0xb9: {  	[tilespmem:s2], [sflag:$0x4] =	stream.linear.gather [hbm4b:s29+s28], $0x50, $0x38;
	[tilespmem:$0x1E100] =	vst v63  }
0xba: {  	s29 =	simm.s32 $0x190  }
0xbb: {  	[tilespmem:s10], [sflag:$0x1] =	stream.indirect.gather [hbm4b:s0+s9], $0x80, s29, s9, $0xb8;
	[tilespmem:$0x1E100] =	vst v63  }
0xbc: {  	_ =	swait.ge [sflag:s19], $0x50  }
0xbd: {  	[sflag:s19] =	ssyncset.done $0x0  }
0xbe: {  	[sflag:s19] =	ssyncadd.s32 $0xFFFFFFB0  }
0xbf: {  	_ =	swait.ge [sflag:s20], $0x2800  }
0xc0: {  	[sflag:s20] =	ssyncset.done $0x0  }
0xc1: {  	[sflag:s20] =	ssyncadd.s32 $0xFFFFD800  }
0xc2: {  	[spmem:s3] =	stream.indirect.scatter.add.f32 [tilespmem:s16], [sflag:$0x9], $0x80, s15, s9, $0xb8;
	[tilespmem:$0x1E100] =	vst v63  }
0xc3: {  	_ =	swait.ge [sflag:s24], $0x2800  }
0xc4: {  	[sflag:s24] =	ssyncset.done $0x0  }
0xc5: {  	[sflag:s24] =	ssyncadd.s32 $0xFFFFD800  }
0xc6: {  	[tilespmem:s13], [sflag:$0x5] =	stream.linear.gather [hbm4b:s1+s28], $0x50, $0x38;
	[tilespmem:$0x1E100] =	vst v63  }
0xc7: {  	s29 =	simm.s32 $0x1E0  }
0xc8: {  	[tilespmem:s14], [sflag:$0x2] =	stream.indirect.gather [hbm4b:s0+s9], $0x80, s29, s9, $0xb8;
	[tilespmem:$0x1E100] =	vst v63  }
0xc9: {  	s29 =	simm.s32 $0x2D0  }
.LBB2_4:
0xca: {  	_ =	swait.ge [sflag:s8], $0x50  }
0xcb: {  	[sflag:s8] =	ssyncset.done $0x0  }
0xcc: {  	[sflag:s8] =	ssyncadd.s32 $0xFFFFFFB0  }
0xcd: {  	_ =	swait.ge [sflag:s11], $0x2800  }
0xce: {  	[sflag:s11] =	ssyncset.done $0x0  }
0xcf: {  	[sflag:s11] =	ssyncadd.s32 $0xFFFFD800  }
0xd0: {  	[spmem:s3] =	stream.indirect.scatter.add.f32 [tilespmem:s10], [sflag:$0x7], $0x80, s2, s9, $0xb8;
	[tilespmem:$0x1E100] =	vst v63  }
0xd1: {  	_ =	swait.ge [sflag:s25], $0x2800  }
0xd2: {  	[sflag:s25] =	ssyncset.done $0x0  }
0xd3: {  	s30 =	sadd.s32 s28, s23;
	[sflag:s25] =	ssyncadd.s32 $0xFFFFD800  }
0xd4: {  	[tilespmem:s15], [sflag:$0x6] =	stream.linear.gather [hbm4b:s30+s4], $0x50, $0x38;
	[tilespmem:$0x1E100] =	vst v63  }
0xd5: {  	s31 =	sadd.s32 $0xFFFFFF60, s29  }
0xd6: {  	[tilespmem:s16], [sflag:$0x3] =	stream.indirect.gather [hbm4b:s0+s9], $0x80, s31, s9, $0xb8;
	[tilespmem:$0x1E100] =	vst v63  }
0xd7: {  	_ =	swait.ge [sflag:s17], $0x50  }
0xd8: {  	[sflag:s17] =	ssyncset.done $0x0  }
0xd9: {  	[sflag:s17] =	ssyncadd.s32 $0xFFFFFFB0  }
0xda: {  	_ =	swait.ge [sflag:s18], $0x2800  }
0xdb: {  	p3 =	seq.s32 s28, $0x492;
	[sflag:s18] =	ssyncset.done $0x0  }
.Ltmp3:
0xdc: {  	[sflag:s18] =	ssyncadd.s32 $0xFFFFD800;
	(pc) =	sbr.rel @p3 .LBB2_6-.Ltmp3, $4  }
0xdd: {  	[spmem:s3] =	stream.indirect.scatter.add.f32 [tilespmem:s14], [sflag:$0x8], $0x80, s13, s9, $0xb8;
	[tilespmem:$0x1E100] =	vst v63  }
0xde: {  	_ =	swait.ge [sflag:s12], $0x2800  }
0xdf: {  	[sflag:s12] =	ssyncset.done $0x0  }
0xe0: {  	[sflag:s12] =	ssyncadd.s32 $0xFFFFD800  }
0xe1: {  	s30 =	sadd.s32 s28, s21  }
0xe2: {  	[tilespmem:s2], [sflag:$0x4] =	stream.linear.gather [hbm4b:s30+s4], $0x50, $0x38;
	[tilespmem:$0x1E100] =	vst v63  }
0xe3: {  	s31 =	sadd.s32 $0xFFFFFFB0, s29  }
0xe4: {  	[tilespmem:s10], [sflag:$0x1] =	stream.indirect.gather [hbm4b:s0+s9], $0x80, s31, s9, $0xb8;
	[tilespmem:$0x1E100] =	vst v63  }
0xe5: {  	_ =	swait.ge [sflag:s19], $0x50  }
0xe6: {  	[sflag:s19] =	ssyncset.done $0x0  }
0xe7: {  	[sflag:s19] =	ssyncadd.s32 $0xFFFFFFB0  }
0xe8: {  	_ =	swait.ge [sflag:s20], $0x2800  }
0xe9: {  	[sflag:s20] =	ssyncset.done $0x0  }
0xea: {  	[sflag:s20] =	ssyncadd.s32 $0xFFFFD800  }
0xeb: {  	[spmem:s3] =	stream.indirect.scatter.add.f32 [tilespmem:s16], [sflag:$0x9], $0x80, s15, s9, $0xb8;
	[tilespmem:$0x1E100] =	vst v63  }
0xec: {  	_ =	swait.ge [sflag:s24], $0x2800  }
0xed: {  	[sflag:s24] =	ssyncset.done $0x0  }
.Ltmp4:
0xee: {  	s31 =	sadd.s32 s28, s22;
	[sflag:s24] =	ssyncadd.s32 $0xFFFFD800;
	(pc) =	sbr.rel .LBB2_4-.Ltmp4, $4  }
0xef: {  	[tilespmem:s13], [sflag:$0x5] =	stream.linear.gather [hbm4b:s31+s4], $0x50, $0x38;
	[tilespmem:$0x1E100] =	vst v63  }
0xf0: {  	_ = 	snop  }
0xf1: {  	[tilespmem:s14], [sflag:$0x2] =	stream.indirect.gather [hbm4b:s0+s9], $0x80, s29, s9, $0xb8;
	[tilespmem:$0x1E100] =	vst v63  }
0xf2: {  	s28 =	sadd.s32 $0x1E, s28;
	s29 =	sadd.s32 $0xF0, s29  }
.LBB2_7:
0xf3: {  	_ =	sfence.sel $0x180000  }
0xf4: {  	[bflag:$0x0] =	sbarrier.arrive $0xFFFF  }
0xf5: {  	_ =	strace $0x9000004A  }
0xf6: {  	[bflag:$0x2] =	sbarrier.arrive $0xFFFF  }
0xf7: {  	p0 =	sne.s32 s30, $0x0;
	s0 =	rddreg [dreg:$0x3]  }
0xf8: {  	s0 =	sadd.s32 @!p0 $0x100000, s0  }
0xf9: {  	[sflag:s0] =	ssyncadd.tile.s32 @!p0 $0x1;
	_ =	shalt  }
.Lfunc_end2:
_tile_overlayer_lowered:
.L_overlay_start_2:
0xfa: {  	(tag) =	ssettag $0x2  }
0xfb: {  	s0 =	rddreg [dreg:$0x0];
	s2 =	stileid.u32  }
0xfc: {  	s1 =	rddreg [dreg:$0x1];
	p0 =	sne.s32 s2, $0x0  }
0xfd: {  	s3 =	rddreg [dreg:$0x2];
	[bflag:$0x3] =	sbarrier.arrive $0xFFFF;
	s2 =	simm.s32 @!p0 $0x1C0A  }
0xfe: {  	[timem:s3], [sflag:s2] =	dma.local @!p0 [hbm:s0], s1  }
0xff: {  	s0 =	simm.s32 @!p0 $0xA  }
0x100: {  	_ =	swait.ge @!p0 [sflag:s0], s1  }
0x101: {  	s1 =	ssub.s32 @!p0 $0x0, s1;
	[sflag:s0] =	ssyncset.done @!p0 $0x0  }
0x102: {  	[sflag:s0] =	ssyncadd.s32 @!p0 s1  }
0x103: {  	[bflag:$0x3] =	sbarrier.arrive $0xFFFF  }
0x104: {  	_ =	shalt  }

// kernel: kernel.14.cloned.1.call-start
scs
__scs_entry_jumppad:
0x0: {  	(pc) =	sbr.rel $0x88, $3  }
0x1: {  	(tag) =	ssettag $0x0;
	lr =	simm.s32 $0x1  }
0x2: {  	[smem:$0x3F8B] =	sst lr;
	_ =	strace $0xD0000000  }
0x3: {  	_ = 	snop  }
0x4: {  	_ = 	snop  }
0x5: {  	_ = 	snop  }
0x6: {  	_ = 	snop  }
0x7: {  	_ = 	snop  }
__scs_overlays_trampoline_lowered:
0x8: {  	[smem:$0x3F9A] =	sst s0  }
0x9: {  	[smem:$0x3F9B] =	sst s1  }
0xa: {  	[smem:$0x3F9C] =	sst s2  }
0xb: {  	[smem:$0x3F9D] =	sst s3  }
0xc: {  	[smem:$0x3F9E] =	sst s4  }
0xd: {  	[smem:$0x3F9F] =	sst s5  }
0xe: {  	[smem:$0x3FA0] =	sst s6  }
0xf: {  	[smem:$0x3FA1] =	sst s7  }
0x10: {  	[smem:$0x3FA2] =	sst s8  }
0x11: {  	[smem:$0x3FA3] =	sst s9;
	s0 =	simm.s32 @!p0 $0x0  }
0x12: {  	s1 =	sld [smem:$0x3F89];
	s0 =	simm.s32 @p0 $0x1  }
0x13: {  	[smem:$0x3FA4] =	sst s0;
	s0 =	simm.s32 @!p1 $0x0  }
0x14: {  	s2 =	sld [smem:$0x3F88];
	s0 =	simm.s32 @p1 $0x1  }
0x15: {  	[smem:$0x3FA5] =	sst s0;
	s0 =	simm.s32 @!p2 $0x0  }
0x16: {  	s3 =	sld [smem:$0x3FDB];
	s0 =	simm.s32 @p2 $0x1  }
0x17: {  	s4 =	simm.s32 $0x1BF5;
	[smem:$0x3FA7] =	sst s0  }
0x18: {  	s0 =	sld [smem:$0x3F8A];
	_ =	swait.ge [sflag:s4], $0x0  }
0x19: {  	s7 =	sld [smem:$0x3F8B]  }
0x1a: {  	s8 =	sadd.s32 $0xFFFFE003, lr  }
0x1b: {  	s9 =	sadd.s32 $0xFFFFFEF7, lr;
	s5 =	simm.s32 $0xFFFFFFFF;
	p2 =	slt.u32 s8, $0xFFFFF086  }
0x1c: {  	p1 =	slt.u32 s9, $0xF7A;
	s5 =	simm.s32 @!p2 $0x0  }
0x1d: {  	s5 =	simm.s32 @p1 $0x1;
	p0 =	seq.s32 s7, s2  }
0x1e: {  	s7 =	smul.u32 @!p0 $0xF7A, s2;
	p2 =	seq.s32 @!p0 s5, $0x0  }
0x1f: {  	s9 =	smul.u32 $0xF7A, s1;
	s8 =	simm.s32 @!p0 $0x1BF5;
	p2 =	por !p2, p0  }
0x20: {  	[sflag:s8] =	ssyncset.s32 @!p0 $0xFFFFF086;
	s6 =	sadd.s32 @!p0 s3, s7;
	s7 =	simm.s32 @!p0 $0x108  }
0x21: {  	s3 =	sadd.s32 s3, s9;
	s6 =	sadd.s32 @!p0 $0x88, s6;
	s7 =	simm.s32 @p2 $0x1082  }
0x22: {  	[simem:s7], [sflag:s8] =	dma.local @!p0 [hbm:s6], $0xF7A  }
0x23: {  	s9 =	sor.u32 $0xD0000000, s2;
	s6 =	simm.s32 $0x108;
	_ =	swait.ge @!p0 [sflag:s8], $0x0  }
0x24: {  	s3 =	sadd.s32 $0x88, s3;
	s6 =	simm.s32 @!p1 $0x1082;
	[sflag:s4] =	ssyncset.s32 $0xFFFFF086  }
0x25: {  	[simem:s6], [sflag:s4] =	dma.local [hbm:s3], $0xF7A  }
0x26: {  	[smem:$0x3F8B] =	sst s1;
	(tag) =	ssettag s2;
	_ =	strace s9  }
0x27: {  	s1 =	sld [smem:$0x3F9B]  }
0x28: {  	s2 =	sld [smem:$0x3F9C]  }
0x29: {  	s4 =	sld [smem:$0x3F9E]  }
0x2a: {  	p0 =	seq.s32 s5, $0x0;
	s5 =	sld [smem:$0x3F9F]  }
0x2b: {  	s6 =	sld [smem:$0x3FA0]  }
0x2c: {  	s7 =	sld [smem:$0x3FA1]  }
0x2d: {  	s3 =	simm.s32 $0x108;
	s8 =	sld [smem:$0x3FA2]  }
0x2e: {  	s3 =	simm.s32 @!p0 $0x1082;
	s9 =	sld [smem:$0x3FA3]  }
0x2f: {  	lr =	sadd.s32 s0, s3;
	s0 =	sld [smem:$0x3F9A]  }
0x30: {  	s3 =	sld [smem:$0x3F9D]  }
0x31: {  	[smem:$0x3FA6] =	sst s10  }
0x32: {  	s10 =	sld [smem:$0x3FA4];
	_ =	sdelay $0x3  }
0x33: {  	p0 =	seq.s32 s10, $0x1;
	s10 =	sld [smem:$0x3FA6];
	_ =	sdelay $0x3  }
0x34: {  	[smem:$0x3FA6] =	sst s10  }
0x35: {  	s10 =	sld [smem:$0x3FA5];
	_ =	sdelay $0x3  }
0x36: {  	p1 =	seq.s32 s10, $0x1;
	s10 =	sld [smem:$0x3FA6];
	_ =	sdelay $0x3  }
0x37: {  	[smem:$0x3FA6] =	sst s10  }
0x38: {  	s10 =	sld [smem:$0x3FA7]  }
0x39: {  	_ = 	snop;
	(pc) =	sbr.ind lr, $3  }
0x3a: {  	_ = 	snop  }
0x3b: {  	_ = 	snop  }
0x3c: {  	p2 =	seq.s32 s10, $0x1;
	s10 =	sld [smem:$0x3FA6]  }
0x3d: {  	_ =	shalt  }
0x3e: {  	_ =	shalt  }
0x3f: {  	_ =	shalt  }
0x40: {  	_ =	shalt  }
0x41: {  	_ =	shalt  }
0x42: {  	_ =	shalt  }
0x43: {  	_ =	shalt  }
0x44: {  	_ =	shalt  }
0x45: {  	_ =	shalt  }
0x46: {  	_ =	shalt  }
0x47: {  	_ =	shalt  }
0x48: {  	_ =	shalt  }
0x49: {  	_ =	shalt  }
0x4a: {  	_ =	shalt  }
0x4b: {  	_ =	shalt  }
0x4c: {  	_ =	shalt  }
0x4d: {  	_ =	shalt  }
0x4e: {  	_ =	shalt  }
0x4f: {  	_ =	shalt  }
0x50: {  	_ =	shalt  }
0x51: {  	_ =	shalt  }
0x52: {  	_ =	shalt  }
0x53: {  	_ =	shalt  }
0x54: {  	_ =	shalt  }
0x55: {  	_ =	shalt  }
0x56: {  	_ =	shalt  }
0x57: {  	_ =	shalt  }
0x58: {  	_ =	shalt  }
0x59: {  	_ =	shalt  }
0x5a: {  	_ =	shalt  }
0x5b: {  	_ =	shalt  }
0x5c: {  	_ =	shalt  }
0x5d: {  	_ =	shalt  }
0x5e: {  	_ =	shalt  }
0x5f: {  	_ =	shalt  }
0x60: {  	_ =	shalt  }
0x61: {  	_ =	shalt  }
0x62: {  	_ =	shalt  }
0x63: {  	_ =	shalt  }
0x64: {  	_ =	shalt  }
0x65: {  	_ =	shalt  }
0x66: {  	_ =	shalt  }
0x67: {  	_ =	shalt  }
0x68: {  	_ =	shalt  }
0x69: {  	_ =	shalt  }
0x6a: {  	_ =	shalt  }
0x6b: {  	_ =	shalt  }
0x6c: {  	_ =	shalt  }
0x6d: {  	_ =	shalt  }
0x6e: {  	_ =	shalt  }
0x6f: {  	_ =	shalt  }
0x70: {  	_ =	shalt  }
0x71: {  	_ =	shalt  }
0x72: {  	_ =	shalt  }
0x73: {  	_ =	shalt  }
0x74: {  	_ =	shalt  }
0x75: {  	_ =	shalt  }
0x76: {  	_ =	shalt  }
0x77: {  	_ =	shalt  }
0x78: {  	_ =	shalt  }
0x79: {  	_ =	shalt  }
0x7a: {  	_ =	shalt  }
0x7b: {  	_ =	shalt  }
0x7c: {  	_ =	shalt  }
0x7d: {  	_ =	shalt  }
0x7e: {  	_ =	shalt  }
0x7f: {  	_ =	shalt  }
0x80: {  	_ =	shalt  }
0x81: {  	_ =	shalt  }
0x82: {  	_ =	shalt  }
0x83: {  	_ =	shalt  }
0x84: {  	_ =	shalt  }
0x85: {  	_ =	shalt  }
0x86: {  	_ =	shalt  }
0x87: {  	_ =	shalt  }
.Lfunc_end0:
.L_simem_size_0:
called_computation.2_lowered:
.L_overlay_start_0:
0x88: {  	s2 =	sld [smem:$0x3FD9]  }
0x89: {  	s3 =	sld [smem:$0x3FFE];
	_ =	sdelay $0x1  }
0x8a: {  	s1 =	srdreg.scid  }
0x8b: {  	s0 =	sand.u32 $0x1, s1  }
0x8c: {  	s17 =	sshll.u32 s0, $0xA;
	s2 =	sadd.s32 s3, s2  }
0x8d: {  	s2 =	sadd.s32 s2, s17  }
0x8e: {  	[smem:$0x3FB2] =	sst s2  }
0x8f: {  	_ = 	snop  }
0x90: {  	s2 =	sld [smem:$0x3FD0];
	(tm) =	ssettm $0x1  }
0x91: {  	s18 =	sld [smem:$0x3FFB];
	_ =	sdelay $0x3  }
0x92: {  	_ =	strace s18  }
0x93: {  	s3 =	sld [smem:$0x3FFC];
	_ =	sdelay $0x3  }
0x94: {  	_ =	strace s3  }
0x95: {  	s3 =	sld [smem:$0x3FFD];
	_ =	sdelay $0x3  }
0x96: {  	_ =	strace s3  }
0x97: {  	_ =	strace $0x8FFFFFFF  }
0x98: {  	s19 =	sld [smem:$0x3FDB];
	_ =	sdelay $0x1  }
0x99: {  	s4 =	simm.s32 $_scs_section_size  }
0x9a: {  	s5 =	simm.s32 $_size__tile_overlayer_lowered;
	s6 =	simm.s32 $_tile_overlayer_lowered  }
0x9b: {  	s22 =	simm.s32 $0x1BFF;
	s21 =	sshll.u32 s6, $0x1;
	s3 =	sadd.s32 s4, s19  }
0x9c: {  	s7 =	simm.s32 $0x0;
	s20 =	sshll.u32 s5, $0x1;
	s5 =	sadd.s32 s21, s3  }
0x9d: {  	[timem:s7], [sflag:s22] =	dma.local [hbm:s5], s20  }
0x9e: {  	_ =	swait.ge [sflag:s22], s20  }
0x9f: {  	s4 =	ssub.s32 $0x0, s20;
	[sflag:s22] =	ssyncset.done $0x0  }
0xa0: {  	[sflag:s22] =	ssyncadd.s32 s4;
	_ =	sdelay $0x1  }
0xa1: {  	s23 =	simm.s32 $0x1B8B  }
0xa2: {  	_ =	swait.ge [sflag:s23], $0x1  }
0xa3: {  	[sflag:s23] =	ssyncset.done $0x0  }
0xa4: {  	s25 =	simm.s32 $0x1B8E;
	s24 =	sld [smem:$0x3FFE];
	[sflag:s23] =	ssyncadd.s32 $0xFFFFFFFF  }
0xa5: {  	s26 =	simm.s32 $execute0_lowered;
	[smem:$0x3FD2] =	sst s25  }
0xa6: {  	s5 =	sshll.u32 s26, $0x1;
	_ =	strace $0x8000004C;
	[dreg:$0x1] =	wrdreg $0xFFFFFFFF  }
0xa7: {  	s28 =	simm.s32 $_size_execute0_lowered;
	s3 =	sadd.s32 s3, s5;
	[dreg:$0x0] =	wrdreg $0x0  }
0xa8: {  	s5 =	sshll.u32 s28, $0x1;
	[dreg:$0x2] =	wrdreg s3  }
0xa9: {  	[dreg:$0x3] =	wrdreg s5  }
0xaa: {  	[dreg:$0x4] =	wrdreg $0xC0  }
0xab: {  	_ =	task [dreg:s7], $0x5FFFF  }
0xac: {  	[dreg:$0x1] =	wrdreg $0xFFFFFFFF  }
0xad: {  	[dreg:$0x0] =	wrdreg $0x60  }
0xae: {  	[dreg:$0x2] =	wrdreg s2  }
0xaf: {  	[dreg:$0x3] =	wrdreg s24  }
0xb0: {  	[dreg:$0x4] =	wrdreg $0xA1000  }
0xb1: {  	[dreg:$0x5] =	wrdreg $0x9  }
0xb2: {  	_ =	task.clear_ibuf [dreg:s7], $0x6FFFF;
	_ =	strace $0x9000004C  }
0xb3: {  	s29 =	simm.s32 $0x9;
	_ =	strace $0x8000004E  }
0xb4: {  	_ =	swait.ge [sflag:s29], $0x1  }
0xb5: {  	[sflag:s29] =	ssyncadd.s32 $0xFFFFFFFF  }
0xb6: {  	_ =	strace $0x9000004E  }
0xb7: {  	_ =	sfence  }
0xb8: {  	s30 =	sld [smem:$0x0];
	_ =	sdelay $0x2  }
0xb9: {  	s31 =	sshll.u32 s1, $0xD;
	s1 =	sshrl.u32 s1, $0x2  }
0xba: {  	s3 =	sand.u32 $0x4000, s31;
	s1 =	sadd.s32 s1, s30  }
0xbb: {  	s0 =	sor.u32 s3, s0;
	s1 =	sshll.u32 s1, $0x11  }
0xbc: {  	s0 =	sor.u32 s1, s0  }
0xbd: {  	s0 =	sadd.s32 $0x8F2B, s0  }
0xbe: {  	[sflag:s0] =	ssyncadd.remote.s32 $0x1  }
0xbf: {  	_ =	sfence.sel $0xFFFF  }
0xc0: {  	[dreg:$0x0] =	wrdreg $0xFFFFFFFF;
	(pc) =	sbr.abs _section_cstart, $3  }
0xc1: {  	[dreg:$0x1] =	wrdreg $0xFFFFFFFF  }
0xc2: {  	_ =	task.clear_ibuf [dreg:s7], $0x2FFFF;
	_ =	strace $0x9FFFFFFF  }
0xc3: {  	(tm) =	ssettm $0x7FFFFFFF  }
tec
execute0_lowered:
.L_overlay_start_1:
0x0: {  	(tag) =	ssettag $0x1  }
0x1: {  	s0 =	rddreg [dreg:$0x0]  }
0x2: {  	s1 =	rddreg [dreg:$0x1]  }
0x3: {  	s2 =	srdreg.scid;
	s30 =	stileid.u32  }
0x4: {  	s3 =	rddreg [dreg:$0x2];
	s4 =	simm.s32 $0x0;
	s6 =	smul.u32 $0x14000, s30  }
0x5: {  	s2 =	sand.u32 $0x1, s2;
	[smem:$0x7FF] =	sst s4;
	s8 =	smul.u32 $0x50000, s30  }
0x6: {  	s7 =	sshll.u32 s30, $0x1;
	s10 =	smul.u32 $0x2800, s30;
	s28 =	sadd.s32 $0x25800, s0  }
0x7: {  	s29 =	smul.u32 $0x4E20, s30;
	s15 =	sadd.s32 $0x138800, s3;
	s17 =	sadd.s32 $0x13B000, s3  }
0x8: {  	s18 =	sadd.s32 $0x13D800, s3;
	_ =	strace $0x8000004D;
	[dreg:$0x5] =	wrdreg s28  }
0x9: {  	s5 =	smul.u32 $0x140000, s2;
	s23 =	sor.u32 s2, s7;
	[dreg:$0xc] =	wrdreg s15  }
0xa: {  	s7 =	sadd.s32 $0x4E00, s1;
	s24 =	ssub.s32 $0x2, s2;
	[dreg:$0xd] =	wrdreg s17  }
0xb: {  	p0 =	seq.s32 s2, $0x1;
	s2 =	smul.u32 $0x2710, s2;
	[dreg:$0xe] =	wrdreg s18  }
0xc: {  	s15 =	simm.s32 $0x2880;
	s17 =	simm.s32 $0x5;
	s18 =	simm.s32 $0x2  }
0xd: {  	s9 =	sshrl.u32 s24, $0x1;
	s25 =	sshrl.u32 s8, $0x2;
	s26 =	sadd.s32 s0, s10  }
0xe: {  	s8 =	sadd.s32 $0x12C000, s3;
	p2 =	seq.s32 @!p0 s30, $0xF;
	s10 =	simm.s32 $0x2900  }
0xf: {  	s5 =	sadd.s32 s6, s5;
	s6 =	smul.u32 $0x2710, s23;
	s9 =	ssub.s32 s24, s9  }
0x10: {  	[dreg:$0x4] =	wrdreg s26;
	s16 =	sadd.s32 s2, s29;
	s5 =	sshrl.u32 s5, $0x3  }
0x11: {  	s14 =	smax.u32 s9, $0x1;
	s1 =	sadd.s32 s5, s1;
	s6 =	sshrl.u32 s6, $0x3  }
0x12: {  	[dreg:$0xb] =	wrdreg s14;
	s5 =	sadd.s32 s7, s6;
	s1 =	sadd.s32 $0x3FA00, s1  }
0x13: {  	p1 =	por !p2, p0;
	s11 =	sadd.s32 $0x9C40, s5;
	[dreg:$0xa] =	wrdreg s1  }
0x14: {  	p2 =	por p2, p0;
	s31 =	sadd.s32 $0x9C4A, s5;
	[dreg:$0x6] =	wrdreg s11  }
0x15: {  	s19 =	sadd.s32 $0x4E480, s16;
	s12 =	sadd.s32 $0x9C54, s5;
	[dreg:$0x7] =	wrdreg s31  }
0x16: {  	s6 =	sadd.s32 s25, s3;
	s13 =	sadd.s32 $0x9C5E, s5;
	[dreg:$0x8] =	wrdreg s12  }
0x17: {  	s23 =	sadd.s32 $0x4E4D0, s16;
	s20 =	sadd.s32 $0x2800, s6;
	[dreg:$0x9] =	wrdreg s13  }
0x18: {  	s9 =	simm.s32 $0x50;
	s21 =	sadd.s32 $0x5000, s6;
	[dreg:$0xf] =	wrdreg s20  }
0x19: {  	s2 =	sshrl.u32 s19, $0x3;
	s22 =	sadd.s32 $0x7800, s6;
	[dreg:$0x10] =	wrdreg s21  }
0x1a: {  	s14 =	simm.s32 $0x5100;
	s24 =	sadd.s32 $0xA000, s6;
	[dreg:$0x11] =	wrdreg s22  }
0x1b: {  	s19 =	simm.s32 $0x6;
	s25 =	sadd.s32 $0xC800, s6;
	[dreg:$0x12] =	wrdreg s24  }
0x1c: {  	s1 =	sadd.s32 $0x4E430, s16;
	s26 =	sadd.s32 $0xF000, s6;
	[dreg:$0x14] =	wrdreg s25  }
0x1d: {  	s28 =	sadd.s32 $0x11800, s6;
	s29 =	sadd.s32 $0x9C68, s5;
	[dreg:$0x15] =	wrdreg s26  }
0x1e: {  	s16 =	simm.s32 $0x7900;
	s21 =	sadd.s32 s2, s7;
	[dreg:$0x16] =	wrdreg s28  }
0x1f: {  	s2 =	sshrl.u32 s23, $0x3;
	s1 =	sshrl.u32 s1, $0x3;
	[dreg:$0x17] =	wrdreg s29  }
0x20: {  	s31 =	sadd.s32 $0x9C72, s5;
	s11 =	simm.s32 $0x1;
	s12 =	simm.s32 $0x7  }
.Ltmp0:
0x21: {  	s13 =	simm.s32 $0x2800;
	s20 =	simm.s32 $0x3;
	(pc) =	sbr.rel .LBB2_1-.Ltmp0, $4  }
0x22: {  	s24 =	simm.s32 $0x8;
	s25 =	simm.s32 $0x9;
	s26 =	simm.s32 $0x0  }
0x23: {  	s22 =	sadd.s32 s2, s7;
	s23 =	sadd.s32 s1, s7;
	s1 =	sshrl.u32 @!p1 s8, $0x3  }
0x24: {  	[dreg:$0x18] =	wrdreg s31;
	s7 =	simm.s32 $0xA;
	s2 =	simm.s32 $0x2780  }
0x25: {  	v0 =	vimm.f32 $0.0e+00;
	s8 =	simm.s32 $0x4;
	[dreg:$0x13] =	wrdreg s1;
	s1 =	sadd.s32 $0x9C7C, s5  }
.LBB2_6:
0x26: {  	_ =	swait.ge [sflag:s19], $0x50  }
0x27: {  	[sflag:s19] =	ssyncset.done $0x0  }
0x28: {  	[sflag:s19] =	ssyncadd.s32 $0xFFFFFFB0  }
0x29: {  	_ =	swait.ge [sflag:s20], $0x2800  }
0x2a: {  	[sflag:s20] =	ssyncset.done $0x0  }
0x2b: {  	[sflag:s20] =	ssyncadd.s32 $0xFFFFD800  }
0x2c: {  	[spmem:s3] =	stream.indirect.scatter.add.f32 [tilespmem:s16], [sflag:$0x9], $0x80, s15, s9, $0xb8;
	[tilespmem:$0x1E100] =	vst v63  }
0x2d: {  	_ =	swait.ge [sflag:s24], $0x2800  }
0x2e: {  	[sflag:s24] =	ssyncset.done $0x0  }
0x2f: {  	[sflag:s24] =	ssyncadd.s32 $0xFFFFD800  }
0x30: {  	_ =	swait.ge [sflag:s25], $0x2800  }
0x31: {  	[sflag:s25] =	ssyncset.done $0x0  }
0x32: {  	s30 =	stileid.u32;
	[sflag:s25] =	ssyncadd.s32 $0xFFFFD800  }
0x33: {  	s28 =	sshll.u32 s30, $0x6;
	[bflag:$0x0] =	sbarrier.arrive $0xFFFF  }
0x34: {  	s29 =	sshrl.u32 s6, $0x3;
	s28 =	sor.u32 $0x1C0A, s28;
	s31 =	rddreg [dreg:$0xa]  }
0x35: {  	[hbm:s31], [sflag:s28] =	dma.local [spmem:s29], $0x2800  }
0x36: {  	_ =	swait.ge [sflag:s7], $0x2800  }
0x37: {  	s26 =	sadd.s32 $0x1, s26;
	s31 =	rddreg [dreg:$0xb]  }
0x38: {  	p3 =	sne.s32 s26, s31  }
.Ltmp1:
0x39: {  	_ = 	snop;
	(pc) =	sbr.rel @!p3 .LBB2_7-.Ltmp1, $3  }
0x3a: {  	_ =	sdelay $0x1  }
0x3b: {  	[sflag:s7] =	ssyncset.done $0x0  }
0x3c: {  	[sflag:s7] =	ssyncadd.s32 $0xFFFFD800  }
.LBB2_1:
0x3d: {  	[tilespmem:s4], [sflag:$0xA] =	stream.linear.gather [hbm4b:s5+s4], $0x2710, $0x38;
	[tilespmem:$0x1E100] =	vst v63  }
0x3e: {  	_ =	swait.ge [sflag:s7], $0x2710  }
0x3f: {  	[sflag:s7] =	ssyncset.done $0x0  }
0x40: {  	s28 =	simm.s32 $0x0;
	s29 =	simm.s32 $0x200;
	[sflag:s7] =	ssyncadd.s32 $0xFFFFD8F0  }
.LBB2_2:
0x41: {  	p3 =	sne.s32 s29, $0x9E00;
	[tilespmem:s28+$0x2970] =	vst v0  }
0x42: {  	[tilespmem:s28+$0x2900] =	vst v0  }
0x43: {  	[tilespmem:s28+$0x2910] =	vst v0  }
.Ltmp2:
0x44: {  	[tilespmem:s28+$0x2920] =	vst v0;
	(pc) =	sbr.rel @p3 .LBB2_2-.Ltmp2, $4  }
0x45: {  	[tilespmem:s28+$0x2930] =	vst v0  }
0x46: {  	[tilespmem:s28+$0x2940] =	vst v0  }
0x47: {  	[tilespmem:s28+$0x2950] =	vst v0  }
0x48: {  	[tilespmem:s28+$0x2960] =	vst v0;
	s28 =	sshra.s32 s29, $0x2;
	s29 =	sadd.s32 $0x200, s29  }
0x49: {  	[tilespmem:s28+$0x2970] =	vst v0  }
0x4a: {  	[tilespmem:s28+$0x2900] =	vst v0  }
0x4b: {  	[tilespmem:s28+$0x2910] =	vst v0  }
0x4c: {  	[tilespmem:s28+$0x2920] =	vst v0  }
0x4d: {  	[tilespmem:s28+$0x2930] =	vst v0  }
0x4e: {  	[tilespmem:s28+$0x2940] =	vst v0  }
0x4f: {  	[tilespmem:s28+$0x2950] =	vst v0;
	s29 =	rddreg [dreg:$0x5]  }
0x50: {  	[tilespmem:s28+$0x2960] =	vst v0;
	s28 =	simm.s32 @!p1 $0x1FCA;
	s31 =	rddreg [dreg:$0x13]  }
0x51: {  	[spmem:s31], [sflag:s28] =	dma.local @!p1 [hbm:s29], $0x1900  }
0x52: {  	s28 =	simm.s32 @!p1 $0xA  }
0x53: {  	_ =	swait.ge @!p1 [sflag:s28], $0x1900  }
0x54: {  	[sflag:s28] =	ssyncset.done @!p1 $0x0  }
0x55: {  	s29 =	simm.s32 @!p1 $0x2900;
	s31 =	rddreg [dreg:$0xc];
	[sflag:s28] =	ssyncadd.s32 @!p1 $0xFFFFE700  }
0x56: {  	[spmem:s31] =	stream.linear.scatter @!p1 [tilespmem:s29], [sflag:$0xA], $0x2800, $0x38;
	[tilespmem:$0x1E100] =	vst v63  }
0x57: {  	_ =	swait.ge @!p1 [sflag:s28], $0x2800  }
0x58: {  	[sflag:s28] =	ssyncset.done @!p1 $0x0  }
0x59: {  	s31 =	rddreg [dreg:$0xd];
	[sflag:s28] =	ssyncadd.s32 @!p1 $0xFFFFD800  }
0x5a: {  	[spmem:s31] =	stream.linear.scatter @!p1 [tilespmem:s29], [sflag:$0xA], $0x2800, $0x38;
	[tilespmem:$0x1E100] =	vst v63  }
0x5b: {  	_ =	swait.ge @!p1 [sflag:s28], $0x2800  }
0x5c: {  	[sflag:s28] =	ssyncset.done @!p1 $0x0  }
0x5d: {  	[sflag:s28] =	ssyncadd.s32 @!p1 $0xFFFFD800;
	s28 =	rddreg [dreg:$0xe]  }
0x5e: {  	[spmem:s28] =	stream.linear.scatter @!p1 [tilespmem:s29], [sflag:$0xA], $0x2800, $0x38;
	[tilespmem:$0x1E100] =	vst v63  }
0x5f: {  	s28 =	sshll.u32 @!p2 s30, $0x6  }
0x60: {  	s29 =	sshrl.u32 @!p2 s6, $0x3;
	s30 =	rddreg [dreg:$0x4];
	s28 =	sor.u32 @!p2 $0x1C0A, s28  }
0x61: {  	[spmem:s29], [sflag:s28] =	dma.local @!p2 [hbm:s30], $0x2800  }
0x62: {  	s28 =	simm.s32 @p0 $0x2900;
	s29 =	simm.s32 @p0 $0xA  }
0x63: {  	[spmem:s6] =	stream.linear.scatter @p0 [tilespmem:s28], [sflag:$0xA], $0x2800, $0x38;
	[tilespmem:$0x1E100] =	vst v63  }
0x64: {  	_ =	swait.ge @p0 [sflag:s29], $0x2800  }
0x65: {  	[sflag:s29] =	ssyncset.done @p0 $0x0  }
0x66: {  	s30 =	rddreg [dreg:$0xf];
	[sflag:s29] =	ssyncadd.s32 @p0 $0xFFFFD800  }
0x67: {  	[spmem:s30] =	stream.linear.scatter @p0 [tilespmem:s28], [sflag:$0xA], $0x2800, $0x38;
	[tilespmem:$0x1E100] =	vst v63  }
0x68: {  	_ =	swait.ge @p0 [sflag:s29], $0x2800  }
0x69: {  	[sflag:s29] =	ssyncset.done @p0 $0x0  }
0x6a: {  	s30 =	rddreg [dreg:$0x10];
	[sflag:s29] =	ssyncadd.s32 @p0 $0xFFFFD800  }
0x6b: {  	[spmem:s30] =	stream.linear.scatter @p0 [tilespmem:s28], [sflag:$0xA], $0x2800, $0x38;
	[tilespmem:$0x1E100] =	vst v63  }
0x6c: {  	_ =	swait.ge @p0 [sflag:s29], $0x2800  }
0x6d: {  	[sflag:s29] =	ssyncset.done @p0 $0x0  }
0x6e: {  	s30 =	rddreg [dreg:$0x11];
	[sflag:s29] =	ssyncadd.s32 @p0 $0xFFFFD800  }
0x6f: {  	[spmem:s30] =	stream.linear.scatter @p0 [tilespmem:s28], [sflag:$0xA], $0x2800, $0x38;
	[tilespmem:$0x1E100] =	vst v63  }
0x70: {  	_ =	swait.ge @p0 [sflag:s29], $0x2800  }
0x71: {  	[sflag:s29] =	ssyncset.done @p0 $0x0  }
0x72: {  	s30 =	rddreg [dreg:$0x12];
	[sflag:s29] =	ssyncadd.s32 @p0 $0xFFFFD800  }
0x73: {  	[spmem:s30] =	stream.linear.scatter @p0 [tilespmem:s28], [sflag:$0xA], $0x2800, $0x38;
	[tilespmem:$0x1E100] =	vst v63  }
0x74: {  	_ =	swait.ge @p0 [sflag:s29], $0x2800  }
0x75: {  	[sflag:s29] =	ssyncset.done @p0 $0x0  }
0x76: {  	s30 =	rddreg [dreg:$0x14];
	[sflag:s29] =	ssyncadd.s32 @p0 $0xFFFFD800  }
0x77: {  	[spmem:s30] =	stream.linear.scatter @p0 [tilespmem:s28], [sflag:$0xA], $0x2800, $0x38;
	[tilespmem:$0x1E100] =	vst v63  }
0x78: {  	_ =	swait.ge @p0 [sflag:s29], $0x2800  }
0x79: {  	[sflag:s29] =	ssyncset.done @p0 $0x0  }
0x7a: {  	s30 =	rddreg [dreg:$0x15];
	[sflag:s29] =	ssyncadd.s32 @p0 $0xFFFFD800  }
0x7b: {  	[spmem:s30] =	stream.linear.scatter @p0 [tilespmem:s28], [sflag:$0xA], $0x2800, $0x38;
	[tilespmem:$0x1E100] =	vst v63  }
0x7c: {  	_ =	swait.ge @p0 [sflag:s29], $0x2800  }
0x7d: {  	[sflag:s29] =	ssyncset.done @p0 $0x0  }
0x7e: {  	[sflag:s29] =	ssyncadd.s32 @p0 $0xFFFFD800;
	s29 =	rddreg [dreg:$0x16]  }
0x7f: {  	[spmem:s29] =	stream.linear.scatter @p0 [tilespmem:s28], [sflag:$0xA], $0x2800, $0x38;
	[tilespmem:$0x1E100] =	vst v63  }
0x80: {  	_ =	swait.ge [sflag:s7], $0x2800  }
0x81: {  	[sflag:s7] =	ssyncset.done $0x0  }
0x82: {  	[sflag:s7] =	ssyncadd.s32 $0xFFFFD800  }
0x83: {  	[bflag:$0x0] =	sbarrier.arrive $0xFFFF  }
0x84: {  	s28 =	simm.s32 $0x0;
	s29 =	rddreg [dreg:$0x6]  }
0x85: {  	[tilespmem:s2], [sflag:$0x4] =	stream.linear.gather [hbm4b:s29+s28], $0x50, $0x38;
	[tilespmem:$0x1E100] =	vst v63  }
0x86: {  	_ =	swait.ge [sflag:s8], $0x50  }
0x87: {  	[sflag:s8] =	ssyncset.done $0x0  }
0x88: {  	[sflag:s8] =	ssyncadd.s32 $0xFFFFFFB0  }
0x89: {  	[tilespmem:s10], [sflag:$0x1] =	stream.indirect.gather [hbm4b:s0+s9], $0x80, s28, s9, $0xb8;
	[tilespmem:$0x1E100] =	vst v63  }
0x8a: {  	_ =	swait.ge [sflag:s11], $0x2800  }
0x8b: {  	[sflag:s11] =	ssyncset.done $0x0  }
0x8c: {  	[sflag:s11] =	ssyncadd.s32 $0xFFFFD800  }
0x8d: {  	[spmem:s3] =	stream.indirect.scatter.add.f32 [tilespmem:s10], [sflag:$0x7], $0x80, s2, s9, $0xb8;
	[tilespmem:$0x1E100] =	vst v63  }
0x8e: {  	_ =	swait.ge [sflag:s12], $0x2800  }
0x8f: {  	[sflag:s12] =	ssyncset.done $0x0  }
0x90: {  	s29 =	rddreg [dreg:$0x7];
	[sflag:s12] =	ssyncadd.s32 $0xFFFFD800  }
0x91: {  	[tilespmem:s2], [sflag:$0x4] =	stream.linear.gather [hbm4b:s29+s28], $0x50, $0x38;
	[tilespmem:$0x1E100] =	vst v63  }
0x92: {  	_ =	swait.ge [sflag:s8], $0x50  }
0x93: {  	[sflag:s8] =	ssyncset.done $0x0  }
0x94: {  	[sflag:s8] =	ssyncadd.s32 $0xFFFFFFB0  }
0x95: {  	[tilespmem:s10], [sflag:$0x1] =	stream.indirect.gather [hbm4b:s0+s9], $0x80, s9, s9, $0xb8;
	[tilespmem:$0x1E100] =	vst v63  }
0x96: {  	_ =	swait.ge [sflag:s11], $0x2800  }
0x97: {  	[sflag:s11] =	ssyncset.done $0x0  }
0x98: {  	[sflag:s11] =	ssyncadd.s32 $0xFFFFD800  }
0x99: {  	[spmem:s3] =	stream.indirect.scatter.add.f32 [tilespmem:s10], [sflag:$0x7], $0x80, s2, s9, $0xb8;
	[tilespmem:$0x1E100] =	vst v63  }
0x9a: {  	_ =	swait.ge [sflag:s12], $0x2800  }
0x9b: {  	[sflag:s12] =	ssyncset.done $0x0  }
0x9c: {  	s29 =	rddreg [dreg:$0x8];
	[sflag:s12] =	ssyncadd.s32 $0xFFFFD800  }
0x9d: {  	[tilespmem:s2], [sflag:$0x4] =	stream.linear.gather [hbm4b:s29+s28], $0x50, $0x38;
	[tilespmem:$0x1E100] =	vst v63  }
0x9e: {  	s29 =	simm.s32 $0xA0  }
0x9f: {  	[tilespmem:s10], [sflag:$0x1] =	stream.indirect.gather [hbm4b:s0+s9], $0x80, s29, s9, $0xb8;
	[tilespmem:$0x1E100] =	vst v63  }
0xa0: {  	s29 =	rddreg [dreg:$0x9]  }
0xa1: {  	[tilespmem:s13], [sflag:$0x5] =	stream.linear.gather [hbm4b:s29+s28], $0x50, $0x38;
	[tilespmem:$0x1E100] =	vst v63  }
0xa2: {  	s29 =	simm.s32 $0xF0  }
0xa3: {  	[tilespmem:s14], [sflag:$0x2] =	stream.indirect.gather [hbm4b:s0+s9], $0x80, s29, s9, $0xb8;
	[tilespmem:$0x1E100] =	vst v63  }
0xa4: {  	_ =	swait.ge [sflag:s8], $0x50  }
0xa5: {  	[sflag:s8] =	ssyncset.done $0x0  }
0xa6: {  	[sflag:s8] =	ssyncadd.s32 $0xFFFFFFB0  }
0xa7: {  	_ =	swait.ge [sflag:s11], $0x2800  }
0xa8: {  	[sflag:s11] =	ssyncset.done $0x0  }
0xa9: {  	[sflag:s11] =	ssyncadd.s32 $0xFFFFD800  }
0xaa: {  	[spmem:s3] =	stream.indirect.scatter.add.f32 [tilespmem:s10], [sflag:$0x7], $0x80, s2, s9, $0xb8;
	[tilespmem:$0x1E100] =	vst v63  }
0xab: {  	s29 =	rddreg [dreg:$0x17]  }
0xac: {  	[tilespmem:s15], [sflag:$0x6] =	stream.linear.gather [hbm4b:s29+s28], $0x50, $0x38;
	[tilespmem:$0x1E100] =	vst v63  }
0xad: {  	s29 =	simm.s32 $0x140  }
0xae: {  	[tilespmem:s16], [sflag:$0x3] =	stream.indirect.gather [hbm4b:s0+s9], $0x80, s29, s9, $0xb8;
	[tilespmem:$0x1E100] =	vst v63  }
0xaf: {  	_ =	swait.ge [sflag:s17], $0x50  }
0xb0: {  	[sflag:s17] =	ssyncset.done $0x0  }
0xb1: {  	[sflag:s17] =	ssyncadd.s32 $0xFFFFFFB0  }
0xb2: {  	_ =	swait.ge [sflag:s18], $0x2800  }
0xb3: {  	[sflag:s18] =	ssyncset.done $0x0  }
0xb4: {  	[sflag:s18] =	ssyncadd.s32 $0xFFFFD800  }
0xb5: {  	[spmem:s3] =	stream.indirect.scatter.add.f32 [tilespmem:s14], [sflag:$0x8], $0x80, s13, s9, $0xb8;
	[tilespmem:$0x1E100] =	vst v63  }
0xb6: {  	_ =	swait.ge [sflag:s12], $0x2800  }
0xb7: {  	[sflag:s12] =	ssyncset.done $0x0  }
0xb8: {  	s29 =	rddreg [dreg:$0x18];
	[sflag:s12] =	ssyncadd.s32 $0xFFFFD800  }
0xb9: {  	[tilespmem:s2], [sflag:$0x4] =	stream.linear.gather [hbm4b:s29+s28], $0x50, $0x38;
	[tilespmem:$0x1E100] =	vst v63  }
0xba: {  	s29 =	simm.s32 $0x190  }
0xbb: {  	[tilespmem:s10], [sflag:$0x1] =	stream.indirect.gather [hbm4b:s0+s9], $0x80, s29, s9, $0xb8;
	[tilespmem:$0x1E100] =	vst v63  }
0xbc: {  	_ =	swait.ge [sflag:s19], $0x50  }
0xbd: {  	[sflag:s19] =	ssyncset.done $0x0  }
0xbe: {  	[sflag:s19] =	ssyncadd.s32 $0xFFFFFFB0  }
0xbf: {  	_ =	swait.ge [sflag:s20], $0x2800  }
0xc0: {  	[sflag:s20] =	ssyncset.done $0x0  }
0xc1: {  	[sflag:s20] =	ssyncadd.s32 $0xFFFFD800  }
0xc2: {  	[spmem:s3] =	stream.indirect.scatter.add.f32 [tilespmem:s16], [sflag:$0x9], $0x80, s15, s9, $0xb8;
	[tilespmem:$0x1E100] =	vst v63  }
0xc3: {  	_ =	swait.ge [sflag:s24], $0x2800  }
0xc4: {  	[sflag:s24] =	ssyncset.done $0x0  }
0xc5: {  	[sflag:s24] =	ssyncadd.s32 $0xFFFFD800  }
0xc6: {  	[tilespmem:s13], [sflag:$0x5] =	stream.linear.gather [hbm4b:s1+s28], $0x50, $0x38;
	[tilespmem:$0x1E100] =	vst v63  }
0xc7: {  	s29 =	simm.s32 $0x1E0  }
0xc8: {  	[tilespmem:s14], [sflag:$0x2] =	stream.indirect.gather [hbm4b:s0+s9], $0x80, s29, s9, $0xb8;
	[tilespmem:$0x1E100] =	vst v63  }
0xc9: {  	s29 =	simm.s32 $0x2D0  }
.LBB2_4:
0xca: {  	_ =	swait.ge [sflag:s8], $0x50  }
0xcb: {  	[sflag:s8] =	ssyncset.done $0x0  }
0xcc: {  	[sflag:s8] =	ssyncadd.s32 $0xFFFFFFB0  }
0xcd: {  	_ =	swait.ge [sflag:s11], $0x2800  }
0xce: {  	[sflag:s11] =	ssyncset.done $0x0  }
0xcf: {  	[sflag:s11] =	ssyncadd.s32 $0xFFFFD800  }
0xd0: {  	[spmem:s3] =	stream.indirect.scatter.add.f32 [tilespmem:s10], [sflag:$0x7], $0x80, s2, s9, $0xb8;
	[tilespmem:$0x1E100] =	vst v63  }
0xd1: {  	_ =	swait.ge [sflag:s25], $0x2800  }
0xd2: {  	[sflag:s25] =	ssyncset.done $0x0  }
0xd3: {  	s30 =	sadd.s32 s28, s23;
	[sflag:s25] =	ssyncadd.s32 $0xFFFFD800  }
0xd4: {  	[tilespmem:s15], [sflag:$0x6] =	stream.linear.gather [hbm4b:s30+s4], $0x50, $0x38;
	[tilespmem:$0x1E100] =	vst v63  }
0xd5: {  	s31 =	sadd.s32 $0xFFFFFF60, s29  }
0xd6: {  	[tilespmem:s16], [sflag:$0x3] =	stream.indirect.gather [hbm4b:s0+s9], $0x80, s31, s9, $0xb8;
	[tilespmem:$0x1E100] =	vst v63  }
0xd7: {  	_ =	swait.ge [sflag:s17], $0x50  }
0xd8: {  	[sflag:s17] =	ssyncset.done $0x0  }
0xd9: {  	[sflag:s17] =	ssyncadd.s32 $0xFFFFFFB0  }
0xda: {  	_ =	swait.ge [sflag:s18], $0x2800  }
0xdb: {  	p3 =	seq.s32 s28, $0x492;
	[sflag:s18] =	ssyncset.done $0x0  }
.Ltmp3:
0xdc: {  	[sflag:s18] =	ssyncadd.s32 $0xFFFFD800;
	(pc) =	sbr.rel @p3 .LBB2_6-.Ltmp3, $4  }
0xdd: {  	[spmem:s3] =	stream.indirect.scatter.add.f32 [tilespmem:s14], [sflag:$0x8], $0x80, s13, s9, $0xb8;
	[tilespmem:$0x1E100] =	vst v63  }
0xde: {  	_ =	swait.ge [sflag:s12], $0x2800  }
0xdf: {  	[sflag:s12] =	ssyncset.done $0x0  }
0xe0: {  	[sflag:s12] =	ssyncadd.s32 $0xFFFFD800  }
0xe1: {  	s30 =	sadd.s32 s28, s21  }
0xe2: {  	[tilespmem:s2], [sflag:$0x4] =	stream.linear.gather [hbm4b:s30+s4], $0x50, $0x38;
	[tilespmem:$0x1E100] =	vst v63  }
0xe3: {  	s31 =	sadd.s32 $0xFFFFFFB0, s29  }
0xe4: {  	[tilespmem:s10], [sflag:$0x1] =	stream.indirect.gather [hbm4b:s0+s9], $0x80, s31, s9, $0xb8;
	[tilespmem:$0x1E100] =	vst v63  }
0xe5: {  	_ =	swait.ge [sflag:s19], $0x50  }
0xe6: {  	[sflag:s19] =	ssyncset.done $0x0  }
0xe7: {  	[sflag:s19] =	ssyncadd.s32 $0xFFFFFFB0  }
0xe8: {  	_ =	swait.ge [sflag:s20], $0x2800  }
0xe9: {  	[sflag:s20] =	ssyncset.done $0x0  }
0xea: {  	[sflag:s20] =	ssyncadd.s32 $0xFFFFD800  }
0xeb: {  	[spmem:s3] =	stream.indirect.scatter.add.f32 [tilespmem:s16], [sflag:$0x9], $0x80, s15, s9, $0xb8;
	[tilespmem:$0x1E100] =	vst v63  }
0xec: {  	_ =	swait.ge [sflag:s24], $0x2800  }
0xed: {  	[sflag:s24] =	ssyncset.done $0x0  }
.Ltmp4:
0xee: {  	s31 =	sadd.s32 s28, s22;
	[sflag:s24] =	ssyncadd.s32 $0xFFFFD800;
	(pc) =	sbr.rel .LBB2_4-.Ltmp4, $4  }
0xef: {  	[tilespmem:s13], [sflag:$0x5] =	stream.linear.gather [hbm4b:s31+s4], $0x50, $0x38;
	[tilespmem:$0x1E100] =	vst v63  }
0xf0: {  	_ = 	snop  }
0xf1: {  	[tilespmem:s14], [sflag:$0x2] =	stream.indirect.gather [hbm4b:s0+s9], $0x80, s29, s9, $0xb8;
	[tilespmem:$0x1E100] =	vst v63  }
0xf2: {  	s28 =	sadd.s32 $0x1E, s28;
	s29 =	sadd.s32 $0xF0, s29  }
.LBB2_7:
0xf3: {  	_ =	sfence.sel $0x180000  }
0xf4: {  	[bflag:$0x0] =	sbarrier.arrive $0xFFFF  }
0xf5: {  	_ =	strace $0x9000004D  }
0xf6: {  	[bflag:$0x2] =	sbarrier.arrive $0xFFFF  }
0xf7: {  	p0 =	sne.s32 s30, $0x0;
	s0 =	rddreg [dreg:$0x3]  }
0xf8: {  	s0 =	sadd.s32 @!p0 $0x100000, s0  }
0xf9: {  	[sflag:s0] =	ssyncadd.tile.s32 @!p0 $0x1;
	_ =	shalt  }
.Lfunc_end2:
_tile_overlayer_lowered:
.L_overlay_start_2:
0xfa: {  	(tag) =	ssettag $0x2  }
0xfb: {  	s0 =	rddreg [dreg:$0x0];
	s2 =	stileid.u32  }
0xfc: {  	s1 =	rddreg [dreg:$0x1];
	p0 =	sne.s32 s2, $0x0  }
0xfd: {  	s3 =	rddreg [dreg:$0x2];
	[bflag:$0x3] =	sbarrier.arrive $0xFFFF;
	s2 =	simm.s32 @!p0 $0x1C0A  }
0xfe: {  	[timem:s3], [sflag:s2] =	dma.local @!p0 [hbm:s0], s1  }
0xff: {  	s0 =	simm.s32 @!p0 $0xA  }
0x100: {  	_ =	swait.ge @!p0 [sflag:s0], s1  }
0x101: {  	s1 =	ssub.s32 @!p0 $0x0, s1;
	[sflag:s0] =	ssyncset.done @!p0 $0x0  }
0x102: {  	[sflag:s0] =	ssyncadd.s32 @!p0 s1  }
0x103: {  	[bflag:$0x3] =	sbarrier.arrive $0xFFFF  }
0x104: {  	_ =	shalt  }

// kernel: kernel.8.cloned.1.call-start
scs
__scs_entry_jumppad:
0x0: {  	(pc) =	sbr.rel $0x88, $3  }
0x1: {  	(tag) =	ssettag $0x0;
	lr =	simm.s32 $0x1  }
0x2: {  	[smem:$0x3F8B] =	sst lr;
	_ =	strace $0xD0000000  }
0x3: {  	_ = 	snop  }
0x4: {  	_ = 	snop  }
0x5: {  	_ = 	snop  }
0x6: {  	_ = 	snop  }
0x7: {  	_ = 	snop  }
__scs_overlays_trampoline_lowered:
0x8: {  	[smem:$0x3F9A] =	sst s0  }
0x9: {  	[smem:$0x3F9B] =	sst s1  }
0xa: {  	[smem:$0x3F9C] =	sst s2  }
0xb: {  	[smem:$0x3F9D] =	sst s3  }
0xc: {  	[smem:$0x3F9E] =	sst s4  }
0xd: {  	[smem:$0x3F9F] =	sst s5  }
0xe: {  	[smem:$0x3FA0] =	sst s6  }
0xf: {  	[smem:$0x3FA1] =	sst s7  }
0x10: {  	[smem:$0x3FA2] =	sst s8  }
0x11: {  	[smem:$0x3FA3] =	sst s9;
	s0 =	simm.s32 @!p0 $0x0  }
0x12: {  	s1 =	sld [smem:$0x3F89];
	s0 =	simm.s32 @p0 $0x1  }
0x13: {  	[smem:$0x3FA4] =	sst s0;
	s0 =	simm.s32 @!p1 $0x0  }
0x14: {  	s2 =	sld [smem:$0x3F88];
	s0 =	simm.s32 @p1 $0x1  }
0x15: {  	[smem:$0x3FA5] =	sst s0;
	s0 =	simm.s32 @!p2 $0x0  }
0x16: {  	s3 =	sld [smem:$0x3FDB];
	s0 =	simm.s32 @p2 $0x1  }
0x17: {  	s4 =	simm.s32 $0x1BF5;
	[smem:$0x3FA7] =	sst s0  }
0x18: {  	s0 =	sld [smem:$0x3F8A];
	_ =	swait.ge [sflag:s4], $0x0  }
0x19: {  	s7 =	sld [smem:$0x3F8B]  }
0x1a: {  	s8 =	sadd.s32 $0xFFFFE003, lr  }
0x1b: {  	s9 =	sadd.s32 $0xFFFFFEF7, lr;
	s5 =	simm.s32 $0xFFFFFFFF;
	p2 =	slt.u32 s8, $0xFFFFF086  }
0x1c: {  	p1 =	slt.u32 s9, $0xF7A;
	s5 =	simm.s32 @!p2 $0x0  }
0x1d: {  	s5 =	simm.s32 @p1 $0x1;
	p0 =	seq.s32 s7, s2  }
0x1e: {  	s7 =	smul.u32 @!p0 $0xF7A, s2;
	p2 =	seq.s32 @!p0 s5, $0x0  }
0x1f: {  	s9 =	smul.u32 $0xF7A, s1;
	s8 =	simm.s32 @!p0 $0x1BF5;
	p2 =	por !p2, p0  }
0x20: {  	[sflag:s8] =	ssyncset.s32 @!p0 $0xFFFFF086;
	s6 =	sadd.s32 @!p0 s3, s7;
	s7 =	simm.s32 @!p0 $0x108  }
0x21: {  	s3 =	sadd.s32 s3, s9;
	s6 =	sadd.s32 @!p0 $0x88, s6;
	s7 =	simm.s32 @p2 $0x1082  }
0x22: {  	[simem:s7], [sflag:s8] =	dma.local @!p0 [hbm:s6], $0xF7A  }
0x23: {  	s9 =	sor.u32 $0xD0000000, s2;
	s6 =	simm.s32 $0x108;
	_ =	swait.ge @!p0 [sflag:s8], $0x0  }
0x24: {  	s3 =	sadd.s32 $0x88, s3;
	s6 =	simm.s32 @!p1 $0x1082;
	[sflag:s4] =	ssyncset.s32 $0xFFFFF086  }
0x25: {  	[simem:s6], [sflag:s4] =	dma.local [hbm:s3], $0xF7A  }
0x26: {  	[smem:$0x3F8B] =	sst s1;
	(tag) =	ssettag s2;
	_ =	strace s9  }
0x27: {  	s1 =	sld [smem:$0x3F9B]  }
0x28: {  	s2 =	sld [smem:$0x3F9C]  }
0x29: {  	s4 =	sld [smem:$0x3F9E]  }
0x2a: {  	p0 =	seq.s32 s5, $0x0;
	s5 =	sld [smem:$0x3F9F]  }
0x2b: {  	s6 =	sld [smem:$0x3FA0]  }
0x2c: {  	s7 =	sld [smem:$0x3FA1]  }
0x2d: {  	s3 =	simm.s32 $0x108;
	s8 =	sld [smem:$0x3FA2]  }
0x2e: {  	s3 =	simm.s32 @!p0 $0x1082;
	s9 =	sld [smem:$0x3FA3]  }
0x2f: {  	lr =	sadd.s32 s0, s3;
	s0 =	sld [smem:$0x3F9A]  }
0x30: {  	s3 =	sld [smem:$0x3F9D]  }
0x31: {  	[smem:$0x3FA6] =	sst s10  }
0x32: {  	s10 =	sld [smem:$0x3FA4];
	_ =	sdelay $0x3  }
0x33: {  	p0 =	seq.s32 s10, $0x1;
	s10 =	sld [smem:$0x3FA6];
	_ =	sdelay $0x3  }
0x34: {  	[smem:$0x3FA6] =	sst s10  }
0x35: {  	s10 =	sld [smem:$0x3FA5];
	_ =	sdelay $0x3  }
0x36: {  	p1 =	seq.s32 s10, $0x1;
	s10 =	sld [smem:$0x3FA6];
	_ =	sdelay $0x3  }
0x37: {  	[smem:$0x3FA6] =	sst s10  }
0x38: {  	s10 =	sld [smem:$0x3FA7]  }
0x39: {  	_ = 	snop;
	(pc) =	sbr.ind lr, $3  }
0x3a: {  	_ = 	snop  }
0x3b: {  	_ = 	snop  }
0x3c: {  	p2 =	seq.s32 s10, $0x1;
	s10 =	sld [smem:$0x3FA6]  }
0x3d: {  	_ =	shalt  }
0x3e: {  	_ =	shalt  }
0x3f: {  	_ =	shalt  }
0x40: {  	_ =	shalt  }
0x41: {  	_ =	shalt  }
0x42: {  	_ =	shalt  }
0x43: {  	_ =	shalt  }
0x44: {  	_ =	shalt  }
0x45: {  	_ =	shalt  }
0x46: {  	_ =	shalt  }
0x47: {  	_ =	shalt  }
0x48: {  	_ =	shalt  }
0x49: {  	_ =	shalt  }
0x4a: {  	_ =	shalt  }
0x4b: {  	_ =	shalt  }
0x4c: {  	_ =	shalt  }
0x4d: {  	_ =	shalt  }
0x4e: {  	_ =	shalt  }
0x4f: {  	_ =	shalt  }
0x50: {  	_ =	shalt  }
0x51: {  	_ =	shalt  }
0x52: {  	_ =	shalt  }
0x53: {  	_ =	shalt  }
0x54: {  	_ =	shalt  }
0x55: {  	_ =	shalt  }
0x56: {  	_ =	shalt  }
0x57: {  	_ =	shalt  }
0x58: {  	_ =	shalt  }
0x59: {  	_ =	shalt  }
0x5a: {  	_ =	shalt  }
0x5b: {  	_ =	shalt  }
0x5c: {  	_ =	shalt  }
0x5d: {  	_ =	shalt  }
0x5e: {  	_ =	shalt  }
0x5f: {  	_ =	shalt  }
0x60: {  	_ =	shalt  }
0x61: {  	_ =	shalt  }
0x62: {  	_ =	shalt  }
0x63: {  	_ =	shalt  }
0x64: {  	_ =	shalt  }
0x65: {  	_ =	shalt  }
0x66: {  	_ =	shalt  }
0x67: {  	_ =	shalt  }
0x68: {  	_ =	shalt  }
0x69: {  	_ =	shalt  }
0x6a: {  	_ =	shalt  }
0x6b: {  	_ =	shalt  }
0x6c: {  	_ =	shalt  }
0x6d: {  	_ =	shalt  }
0x6e: {  	_ =	shalt  }
0x6f: {  	_ =	shalt  }
0x70: {  	_ =	shalt  }
0x71: {  	_ =	shalt  }
0x72: {  	_ =	shalt  }
0x73: {  	_ =	shalt  }
0x74: {  	_ =	shalt  }
0x75: {  	_ =	shalt  }
0x76: {  	_ =	shalt  }
0x77: {  	_ =	shalt  }
0x78: {  	_ =	shalt  }
0x79: {  	_ =	shalt  }
0x7a: {  	_ =	shalt  }
0x7b: {  	_ =	shalt  }
0x7c: {  	_ =	shalt  }
0x7d: {  	_ =	shalt  }
0x7e: {  	_ =	shalt  }
0x7f: {  	_ =	shalt  }
0x80: {  	_ =	shalt  }
0x81: {  	_ =	shalt  }
0x82: {  	_ =	shalt  }
0x83: {  	_ =	shalt  }
0x84: {  	_ =	shalt  }
0x85: {  	_ =	shalt  }
0x86: {  	_ =	shalt  }
0x87: {  	_ =	shalt  }
.Lfunc_end0:
.L_simem_size_0:
called_computation_lowered:
.L_overlay_start_0:
0x88: {  	s2 =	sld [smem:$0x3FD9]  }
0x89: {  	s3 =	sld [smem:$0x3FFE];
	_ =	sdelay $0x1  }
0x8a: {  	s1 =	srdreg.scid  }
0x8b: {  	s0 =	sand.u32 $0x1, s1  }
0x8c: {  	s17 =	sshll.u32 s0, $0xA;
	s2 =	sadd.s32 s3, s2  }
0x8d: {  	s2 =	sadd.s32 s2, s17  }
0x8e: {  	[smem:$0x3FB2] =	sst s2  }
0x8f: {  	_ = 	snop  }
0x90: {  	s2 =	sld [smem:$0x3FD0];
	(tm) =	ssettm $0x1  }
0x91: {  	s18 =	sld [smem:$0x3FFB];
	_ =	sdelay $0x3  }
0x92: {  	_ =	strace s18  }
0x93: {  	s3 =	sld [smem:$0x3FFC];
	_ =	sdelay $0x3  }
0x94: {  	_ =	strace s3  }
0x95: {  	s3 =	sld [smem:$0x3FFD];
	_ =	sdelay $0x3  }
0x96: {  	_ =	strace s3  }
0x97: {  	_ =	strace $0x8FFFFFFF  }
0x98: {  	s19 =	sld [smem:$0x3FDB];
	_ =	sdelay $0x1  }
0x99: {  	s4 =	simm.s32 $_scs_section_size  }
0x9a: {  	s5 =	simm.s32 $_size__tile_overlayer_lowered;
	s6 =	simm.s32 $_tile_overlayer_lowered  }
0x9b: {  	s22 =	simm.s32 $0x1BFF;
	s21 =	sshll.u32 s6, $0x1;
	s3 =	sadd.s32 s4, s19  }
0x9c: {  	s7 =	simm.s32 $0x0;
	s20 =	sshll.u32 s5, $0x1;
	s5 =	sadd.s32 s21, s3  }
0x9d: {  	[timem:s7], [sflag:s22] =	dma.local [hbm:s5], s20  }
0x9e: {  	_ =	swait.ge [sflag:s22], s20  }
0x9f: {  	s4 =	ssub.s32 $0x0, s20;
	[sflag:s22] =	ssyncset.done $0x0  }
0xa0: {  	[sflag:s22] =	ssyncadd.s32 s4;
	_ =	sdelay $0x1  }
0xa1: {  	s23 =	simm.s32 $0x1B8B  }
0xa2: {  	_ =	swait.ge [sflag:s23], $0x1  }
0xa3: {  	[sflag:s23] =	ssyncset.done $0x0  }
0xa4: {  	s25 =	simm.s32 $0x1B8E;
	s24 =	sld [smem:$0x3FFE];
	[sflag:s23] =	ssyncadd.s32 $0xFFFFFFFF  }
0xa5: {  	s26 =	simm.s32 $execute0_lowered;
	[smem:$0x3FD2] =	sst s25  }
0xa6: {  	s5 =	sshll.u32 s26, $0x1;
	_ =	strace $0x80000046;
	[dreg:$0x1] =	wrdreg $0xFFFFFFFF  }
0xa7: {  	s28 =	simm.s32 $_size_execute0_lowered;
	s3 =	sadd.s32 s3, s5;
	[dreg:$0x0] =	wrdreg $0x0  }
0xa8: {  	s5 =	sshll.u32 s28, $0x1;
	[dreg:$0x2] =	wrdreg s3  }
0xa9: {  	[dreg:$0x3] =	wrdreg s5  }
0xaa: {  	[dreg:$0x4] =	wrdreg $0xC0  }
0xab: {  	_ =	task [dreg:s7], $0x5FFFF  }
0xac: {  	[dreg:$0x1] =	wrdreg $0xFFFFFFFF  }
0xad: {  	[dreg:$0x0] =	wrdreg $0x60  }
0xae: {  	[dreg:$0x2] =	wrdreg s24  }
0xaf: {  	[dreg:$0x3] =	wrdreg s2  }
0xb0: {  	[dreg:$0x4] =	wrdreg $0x2A800  }
0xb1: {  	[dreg:$0x5] =	wrdreg $0x9  }
0xb2: {  	_ =	task.clear_ibuf [dreg:s7], $0x6FFFF;
	_ =	strace $0x90000046  }
0xb3: {  	s29 =	simm.s32 $0x9;
	_ =	strace $0x80000048  }
0xb4: {  	_ =	swait.ge [sflag:s29], $0x1  }
0xb5: {  	[sflag:s29] =	ssyncadd.s32 $0xFFFFFFFF  }
0xb6: {  	_ =	strace $0x90000048  }
0xb7: {  	_ =	sfence  }
0xb8: {  	s30 =	sld [smem:$0x0];
	_ =	sdelay $0x2  }
0xb9: {  	s31 =	sshll.u32 s1, $0xD;
	s1 =	sshrl.u32 s1, $0x2  }
0xba: {  	s3 =	sand.u32 $0x4000, s31;
	s1 =	sadd.s32 s1, s30  }
0xbb: {  	s0 =	sor.u32 s3, s0;
	s1 =	sshll.u32 s1, $0x11  }
0xbc: {  	s0 =	sor.u32 s1, s0  }
0xbd: {  	s0 =	sadd.s32 $0x8F2B, s0  }
0xbe: {  	[sflag:s0] =	ssyncadd.remote.s32 $0x1  }
0xbf: {  	_ =	sfence.sel $0xFFFF  }
0xc0: {  	[dreg:$0x0] =	wrdreg $0xFFFFFFFF;
	(pc) =	sbr.abs _section_cstart, $3  }
0xc1: {  	[dreg:$0x1] =	wrdreg $0xFFFFFFFF  }
0xc2: {  	_ =	task.clear_ibuf [dreg:s7], $0x2FFFF;
	_ =	strace $0x9FFFFFFF  }
0xc3: {  	(tm) =	ssettm $0x7FFFFFFF  }
tec
execute0_lowered:
.L_overlay_start_1:
0x0: {  	(tag) =	ssettag $0x1  }
0x1: {  	s4 =	rddreg [dreg:$0x0]  }
0x2: {  	s6 =	rddreg [dreg:$0x1];
	s1 =	srdreg.scid  }
0x3: {  	s0 =	stileid.u32;
	s2 =	rddreg [dreg:$0x2];
	s3 =	simm.s32 $0x0  }
0x4: {  	s12 =	simm.s32 $0x1;
	s15 =	simm.s32 $0x20;
	s16 =	simm.s32 $0x10  }
0x5: {  	s17 =	simm.s32 $0x0;
	s5 =	sand.u32 $0x1, s1;
	s1 =	rddreg [dreg:$0x3]  }
0x6: {  	s7 =	sshll.u32 s0, $0x1;
	[smem:$0x7FF] =	sst s3;
	s9 =	smul.u32 $0x500, s0  }
0x7: {  	s11 =	smul.u32 $0xA00, s0;
	s13 =	sshll.u32 s0, $0x6;
	s7 =	sor.u32 s5, s7  }
0x8: {  	_ =	strace $0x80000047;
	s8 =	ssub.s32 $0x2, s5;
	s5 =	sshll.u32 s5, $0x7  }
0x9: {  	s13 =	sor.u32 $0x1C02, s13;
	s7 =	smul.u32 $0x2710, s7;
	s10 =	sshrl.u32 s8, $0x1  }
0xa: {  	s5 =	sor.u32 s5, s9;
	s31 =	sshrl.u32 s11, $0x2;
	s11 =	simm.s32 $0x2780  }
0xb: {  	s8 =	ssub.s32 s8, s10;
	s9 =	sshrl.u32 s5, $0x3;
	s5 =	sadd.s32 s31, s2  }
0xc: {  	s10 =	simm.s32 $0x50;
	s7 =	sshrl.u32 s7, $0x3;
	s6 =	sadd.s32 s6, s9  }
0xd: {  	s9 =	simm.s32 $0x2800;
	s14 =	sshrl.u32 s5, $0x3;
	s4 =	sadd.s32 s4, s7  }
0xe: {  	v0 =	vimm.f32 $1.000000000e+00;
	v1 =	vimm.f32 $0.0e+00;
	s7 =	smax.u32 s8, $0x1;
	s8 =	simm.s32 $0x2;
	s4 =	sadd.s32 $0xEA40, s4  }
.LBB2_1:
0xf: {  	[tilespmem:$0x2780] =	vst v0  }
0x10: {  	[tilespmem:$0x2790] =	vst v0  }
0x11: {  	[tilespmem:$0x27A0] =	vst v0  }
0x12: {  	[tilespmem:$0x27B0] =	vst v0  }
0x13: {  	[tilespmem:$0x27C0] =	vst v0  }
0x14: {  	[tilespmem:$0x2800] =	vst v1  }
0x15: {  	[tilespmem:$0x2810] =	vst v1  }
0x16: {  	[tilespmem:$0x2820] =	vst v1  }
0x17: {  	[tilespmem:$0x2830] =	vst v1  }
0x18: {  	[tilespmem:$0x2840] =	vst v1  }
0x19: {  	[tilespmem:$0x2850] =	vst v1  }
0x1a: {  	[tilespmem:$0x2860] =	vst v1  }
0x1b: {  	[tilespmem:$0x2870] =	vst v1  }
0x1c: {  	[tilespmem:$0x2880] =	vst v1  }
0x1d: {  	[tilespmem:$0x2890] =	vst v1  }
0x1e: {  	[tilespmem:$0x28A0] =	vst v1  }
0x1f: {  	[tilespmem:$0x28B0] =	vst v1  }
0x20: {  	[tilespmem:$0x28C0] =	vst v1  }
0x21: {  	[tilespmem:$0x28D0] =	vst v1  }
0x22: {  	[tilespmem:$0x28E0] =	vst v1  }
0x23: {  	[tilespmem:$0x28F0] =	vst v1  }
0x24: {  	[tilespmem:$0x2900] =	vst v1  }
0x25: {  	[tilespmem:$0x2910] =	vst v1  }
0x26: {  	[tilespmem:$0x2920] =	vst v1  }
0x27: {  	[tilespmem:$0x2930] =	vst v1  }
0x28: {  	[tilespmem:$0x2940] =	vst v1  }
0x29: {  	[tilespmem:$0x2950] =	vst v1  }
0x2a: {  	[tilespmem:$0x2960] =	vst v1  }
0x2b: {  	[tilespmem:$0x2970] =	vst v1  }
0x2c: {  	[tilespmem:$0x2980] =	vst v1  }
0x2d: {  	[tilespmem:$0x2990] =	vst v1  }
0x2e: {  	[tilespmem:$0x29A0] =	vst v1  }
0x2f: {  	[tilespmem:$0x29B0] =	vst v1  }
0x30: {  	[tilespmem:$0x29C0] =	vst v1  }
0x31: {  	[tilespmem:$0x29D0] =	vst v1  }
0x32: {  	[tilespmem:$0x29E0] =	vst v1  }
0x33: {  	[tilespmem:$0x29F0] =	vst v1  }
0x34: {  	[tilespmem:$0x2A00] =	vst v1  }
0x35: {  	[tilespmem:$0x2A10] =	vst v1  }
0x36: {  	[tilespmem:$0x2A20] =	vst v1  }
0x37: {  	[tilespmem:$0x2A30] =	vst v1  }
0x38: {  	[tilespmem:$0x2A40] =	vst v1  }
0x39: {  	[tilespmem:$0x2A50] =	vst v1  }
0x3a: {  	[tilespmem:$0x2A60] =	vst v1  }
0x3b: {  	[tilespmem:$0x2A70] =	vst v1  }
0x3c: {  	[tilespmem:s3], [sflag:$0x2] =	stream.linear.gather [hbm4b:s4+s3], $0x2710, $0x38;
	[tilespmem:$0x2D00] =	vst v63  }
0x3d: {  	_ =	swait.ge [sflag:s8], $0x2710  }
0x3e: {  	[sflag:s8] =	ssyncset.done $0x0  }
0x3f: {  	[sflag:s8] =	ssyncadd.s32 $0xFFFFD8F0  }
0x40: {  	[spmem:s5] =	stream.linear.scatter [tilespmem:s9], [sflag:$0x2], $0x280, $0x38;
	[tilespmem:$0x2D00] =	vst v63  }
0x41: {  	_ =	swait.ge [sflag:s8], $0x280  }
0x42: {  	[sflag:s8] =	ssyncset.done $0x0  }
0x43: {  	[sflag:s8] =	ssyncadd.s32 $0xFFFFFD80  }
0x44: {  	s18 =	simm.s32 $0x0;
	[bflag:$0x0] =	sbarrier.arrive $0xFFFF  }
0x45: {  	[spmem:s2] =	stream.indirect.scatter.add.f32 [tilespmem:s11], [sflag:$0x1], $0x1, s18, s10, $0xb8;
	[tilespmem:$0x2D00] =	vst v63  }
0x46: {  	s28 =	simm.s32 $0x50  }
0x47: {  	[spmem:s2] =	stream.indirect.scatter.add.f32 [tilespmem:s11], [sflag:$0x1], $0x1, s28, s10, $0xb8;
	[tilespmem:$0x2D00] =	vst v63  }
0x48: {  	s29 =	simm.s32 $0xA0  }
0x49: {  	[spmem:s2] =	stream.indirect.scatter.add.f32 [tilespmem:s11], [sflag:$0x1], $0x1, s29, s10, $0xb8;
	[tilespmem:$0x2D00] =	vst v63  }
0x4a: {  	s30 =	simm.s32 $0xF0  }
0x4b: {  	[spmem:s2] =	stream.indirect.scatter.add.f32 [tilespmem:s11], [sflag:$0x1], $0x1, s30, s10, $0xb8;
	[tilespmem:$0x2D00] =	vst v63  }
0x4c: {  	s31 =	simm.s32 $0x140  }
0x4d: {  	[spmem:s2] =	stream.indirect.scatter.add.f32 [tilespmem:s11], [sflag:$0x1], $0x1, s31, s10, $0xb8;
	[tilespmem:$0x2D00] =	vst v63  }
0x4e: {  	_ =	swait.ge [sflag:s12], $0x50  }
0x4f: {  	[sflag:s12] =	ssyncset.done $0x0  }
0x50: {  	[sflag:s12] =	ssyncadd.s32 $0xFFFFFFB0  }
0x51: {  	_ =	swait.ge [sflag:s12], $0x50  }
0x52: {  	[sflag:s12] =	ssyncset.done $0x0  }
0x53: {  	[sflag:s12] =	ssyncadd.s32 $0xFFFFFFB0  }
0x54: {  	_ =	swait.ge [sflag:s12], $0x50  }
0x55: {  	[sflag:s12] =	ssyncset.done $0x0  }
0x56: {  	[sflag:s12] =	ssyncadd.s32 $0xFFFFFFB0  }
0x57: {  	_ =	swait.ge [sflag:s12], $0x50  }
0x58: {  	[sflag:s12] =	ssyncset.done $0x0  }
0x59: {  	[sflag:s12] =	ssyncadd.s32 $0xFFFFFFB0  }
0x5a: {  	_ =	swait.ge [sflag:s12], $0x50  }
0x5b: {  	s19 =	simm.s32 $0xC80;
	s18 =	simm.s32 $0x640;
	[sflag:s12] =	ssyncset.done $0x0  }
.LBB2_2:
0x5c: {  	s20 =	sshra.s32 s18, $0x2  }
0x5d: {  	[sflag:s12] =	ssyncadd.s32 $0xFFFFFFB0;
	s18 =	smov.u32 s19;
	s21 =	sadd.s32 $0x640, s19  }
0x5e: {  	[spmem:s2] =	stream.indirect.scatter.add.f32 [tilespmem:s11], [sflag:$0x1], $0x1, s20, s10, $0xb8;
	[tilespmem:$0x2D00] =	vst v63  }
0x5f: {  	p0 =	sne.s32 s19, $0x9600;
	s19 =	sadd.s32 $0x50, s20  }
0x60: {  	[spmem:s2] =	stream.indirect.scatter.add.f32 [tilespmem:s11], [sflag:$0x1], $0x1, s19, s10, $0xb8;
	[tilespmem:$0x2D00] =	vst v63  }
0x61: {  	s19 =	sadd.s32 $0xA0, s20  }
0x62: {  	[spmem:s2] =	stream.indirect.scatter.add.f32 [tilespmem:s11], [sflag:$0x1], $0x1, s19, s10, $0xb8;
	[tilespmem:$0x2D00] =	vst v63  }
0x63: {  	s19 =	sadd.s32 $0xF0, s20  }
0x64: {  	[spmem:s2] =	stream.indirect.scatter.add.f32 [tilespmem:s11], [sflag:$0x1], $0x1, s19, s10, $0xb8;
	[tilespmem:$0x2D00] =	vst v63  }
0x65: {  	s19 =	sadd.s32 $0x140, s20  }
0x66: {  	[spmem:s2] =	stream.indirect.scatter.add.f32 [tilespmem:s11], [sflag:$0x1], $0x1, s19, s10, $0xb8;
	[tilespmem:$0x2D00] =	vst v63  }
0x67: {  	_ =	swait.ge [sflag:s12], $0x50  }
0x68: {  	[sflag:s12] =	ssyncset.done $0x0  }
0x69: {  	[sflag:s12] =	ssyncadd.s32 $0xFFFFFFB0  }
0x6a: {  	_ =	swait.ge [sflag:s12], $0x50  }
0x6b: {  	[sflag:s12] =	ssyncset.done $0x0  }
0x6c: {  	[sflag:s12] =	ssyncadd.s32 $0xFFFFFFB0  }
0x6d: {  	_ =	swait.ge [sflag:s12], $0x50  }
0x6e: {  	[sflag:s12] =	ssyncset.done $0x0  }
0x6f: {  	[sflag:s12] =	ssyncadd.s32 $0xFFFFFFB0  }
.Ltmp0:
0x70: {  	_ =	swait.ge [sflag:s12], $0x50;
	(pc) =	sbr.rel @p0 .LBB2_2-.Ltmp0, $4  }
0x71: {  	[sflag:s12] =	ssyncset.done $0x0  }
0x72: {  	[sflag:s12] =	ssyncadd.s32 $0xFFFFFFB0  }
0x73: {  	_ =	swait.ge [sflag:s12], $0x50  }
0x74: {  	s19 =	smov.u32 s21;
	[sflag:s12] =	ssyncset.done $0x0  }
0x75: {  	s18 =	sshra.s32 s18, $0x2;
	[sflag:s12] =	ssyncadd.s32 $0xFFFFFFB0  }
0x76: {  	[spmem:s2] =	stream.indirect.scatter.add.f32 [tilespmem:s11], [sflag:$0x1], $0x1, s18, s10, $0xb8;
	[tilespmem:$0x2D00] =	vst v63  }
0x77: {  	s19 =	sadd.s32 $0x50, s18  }
0x78: {  	[spmem:s2] =	stream.indirect.scatter.add.f32 [tilespmem:s11], [sflag:$0x1], $0x1, s19, s10, $0xb8;
	[tilespmem:$0x2D00] =	vst v63  }
0x79: {  	s30 =	sadd.s32 $0xA0, s18  }
0x7a: {  	[spmem:s2] =	stream.indirect.scatter.add.f32 [tilespmem:s11], [sflag:$0x1], $0x1, s30, s10, $0xb8;
	[tilespmem:$0x2D00] =	vst v63  }
0x7b: {  	s31 =	sadd.s32 $0xF0, s18  }
0x7c: {  	[spmem:s2] =	stream.indirect.scatter.add.f32 [tilespmem:s11], [sflag:$0x1], $0x1, s31, s10, $0xb8;
	[tilespmem:$0x2D00] =	vst v63  }
0x7d: {  	s18 =	sadd.s32 $0x140, s18  }
0x7e: {  	[spmem:s2] =	stream.indirect.scatter.add.f32 [tilespmem:s11], [sflag:$0x1], $0x1, s18, s10, $0xb8;
	[tilespmem:$0x2D00] =	vst v63  }
0x7f: {  	_ =	swait.ge [sflag:s12], $0x50  }
0x80: {  	[sflag:s12] =	ssyncset.done $0x0  }
0x81: {  	[sflag:s12] =	ssyncadd.s32 $0xFFFFFFB0  }
0x82: {  	_ =	swait.ge [sflag:s12], $0x50  }
0x83: {  	[sflag:s12] =	ssyncset.done $0x0  }
0x84: {  	[sflag:s12] =	ssyncadd.s32 $0xFFFFFFB0  }
0x85: {  	_ =	swait.ge [sflag:s12], $0x50  }
0x86: {  	[sflag:s12] =	ssyncset.done $0x0  }
0x87: {  	[sflag:s12] =	ssyncadd.s32 $0xFFFFFFB0  }
0x88: {  	_ =	swait.ge [sflag:s12], $0x50  }
0x89: {  	[sflag:s12] =	ssyncset.done $0x0  }
0x8a: {  	[sflag:s12] =	ssyncadd.s32 $0xFFFFFFB0  }
0x8b: {  	_ =	swait.ge [sflag:s12], $0x50  }
0x8c: {  	s17 =	sadd.s32 $0x1, s17;
	[sflag:s12] =	ssyncset.done $0x0  }
0x8d: {  	p0 =	sne.s32 s17, s7;
	[sflag:s12] =	ssyncadd.s32 $0xFFFFFFB0  }
.Ltmp1:
0x8e: {  	[bflag:$0x0] =	sbarrier.arrive $0xFFFF;
	(pc) =	sbr.rel @p0 .LBB2_1-.Ltmp1, $4  }
0x8f: {  	[hbm:s6@s15], [sflag:s13] =	dma.strided [spmem:s14@s16], $0x50, s12, $0x10   }
0x90: {  	_ =	swait.ge [sflag:s8], $0x50  }
0x91: {  	[sflag:s8] =	ssyncset.done $0x0  }
0x92: {  	[sflag:s8] =	ssyncadd.s32 $0xFFFFFFB0  }
0x93: {  	_ =	sfence.sel $0x180000  }
0x94: {  	[bflag:$0x0] =	sbarrier.arrive $0xFFFF  }
0x95: {  	p0 =	sne.s32 s0, $0x0;
	_ =	strace $0x90000047  }
0x96: {  	s0 =	sadd.s32 @!p0 $0x100000, s1;
	[bflag:$0x2] =	sbarrier.arrive $0xFFFF  }
0x97: {  	[sflag:s0] =	ssyncadd.tile.s32 @!p0 $0x1;
	_ =	shalt  }
.Lfunc_end2:
_tile_overlayer_lowered:
.L_overlay_start_2:
0x98: {  	(tag) =	ssettag $0x2  }
0x99: {  	s0 =	rddreg [dreg:$0x0];
	s2 =	stileid.u32  }
0x9a: {  	s1 =	rddreg [dreg:$0x1];
	p0 =	sne.s32 s2, $0x0  }
0x9b: {  	s3 =	rddreg [dreg:$0x2];
	[bflag:$0x3] =	sbarrier.arrive $0xFFFF;
	s2 =	simm.s32 @!p0 $0x1C02  }
0x9c: {  	[timem:s3], [sflag:s2] =	dma.local @!p0 [hbm:s0], s1  }
0x9d: {  	s0 =	simm.s32 @!p0 $0x2  }
0x9e: {  	_ =	swait.ge @!p0 [sflag:s0], s1  }
0x9f: {  	s1 =	ssub.s32 @!p0 $0x0, s1;
	[sflag:s0] =	ssyncset.done @!p0 $0x0  }
0xa0: {  	[sflag:s0] =	ssyncadd.s32 @!p0 s1  }
0xa1: {  	[bflag:$0x3] =	sbarrier.arrive $0xFFFF  }
0xa2: {  	_ =	shalt  }

</sc_bundles>
